<compile_context>
chip_gen: v7x
topology: tpu7x:2x2x1
jax: 0.10.2.dev20260603
libtpu: 0.0.44.dev20260713+nightly
codegen_flags: <defaults>
</compile_context>

<pallas_src>
import functools

import jax
import jax.numpy as jnp
from jax import lax
from jax.experimental import pallas as pl
from jax.experimental.pallas import tpu as pltpu
from jax.experimental.pallas import tpu_sc as plsc

H = 64
H2 = 128


def _sp(x):
    return jnp.maximum(x, 0.0) + jnp.log1p(jnp.exp(-jnp.abs(x)))


def _dot(a, b):
    return jax.lax.dot_general(a, b, (((1,), (0,)), ((), ())),
                               preferred_element_type=jnp.float32)



def _enc_body(nodes_ref, edges_ref, glob_ref,
              we0p, be0p, we1p, be1p,
              wn0, bn0, wn1, bn1,
              wg0, bg0, wg1, bg1,
              wjo, wje, wio, wie,
              wgoe, wgee, bedge,
              wgon, wgen, bnode,
              ee_ref, n_enc_ref, tj_ref, pi_ref, gi_ref, gn_ref, genc_ref):
    g_h = _sp(_dot(glob_ref[...], wg0[...]) + bg0[...])
    g_enc = _sp(_dot(g_h, wg1[...]) + bg1[...])
    genc_ref[...] = g_enc
    n_h = _sp(_dot(nodes_ref[...], wn0[...]) + bn0[...])
    n_enc = _sp(_dot(n_h, wn1[...]) + bn1[...])
    n_enc_ref[...] = n_enc
    e_h = _sp(_dot(edges_ref[...], we0p[...]) + be0p[...])
    ee_ref[...] = _sp(_dot(e_h, we1p[...]) + be1p[...])
    tj_ref[...] = _dot(n_enc, wjo[...]) + _dot(n_enc, wje[...])
    pi_ref[...] = _dot(n_enc, wio[...]) + _dot(n_enc, wie[...])
    gi_ref[...] = _dot(g_enc, wgoe[...]) + _dot(g_enc, wgee[...]) + bedge[...]
    gn_ref[...] = _dot(g_enc, wgon[...]) + _dot(g_enc, wgen[...]) + bnode[...]


def _expand_add(pi, gi, b, rows):
    a = pi + gi
    ap = jnp.concatenate([a, a], axis=1)
    return jnp.broadcast_to(ap[:, None, :], (b, rows // b, H2)).reshape(rows, H2)


def _edge0_body(ee_ref, g_ref, pi_ref, gi_ref, wap, wbp, w2p, b2p,
                en_ref, inc_ref):
    rows, _ = ee_ref.shape
    b = pi_ref.shape[0]
    ee = ee_ref[...]
    z = _dot(ee, wap[...]) + _dot(ee, wbp[...]) + g_ref[...] + \
        _expand_add(pi_ref[...], gi_ref[...], b, rows)
    en = _sp(_dot(_sp(z), w2p[...]) + b2p[...])
    en_ref[...] = en
    inc_ref[...] = jnp.sum(en.reshape(b, rows // b, H2), axis=1)


def _edge1_body(ep_ref, ee_ref, g_ref, pi_ref, gi_ref, wap, wbp, w2p, b2p,
                en_ref, inc_ref):
    rows, _ = ee_ref.shape
    b = pi_ref.shape[0]
    z = _dot(ep_ref[...], wap[...]) + _dot(ee_ref[...], wbp[...]) + \
        g_ref[...] + _expand_add(pi_ref[...], gi_ref[...], b, rows)
    en = _sp(_dot(_sp(z), w2p[...]) + b2p[...])
    en_ref[...] = en
    inc_ref[...] = jnp.sum(en.reshape(b, rows // b, H2), axis=1)


def _node0_body(n_enc_ref, inc_ref, outg_ref, gn_ref,
                ano, ane, ain, aog, wn2, bn2,
                wjo, wje, wio, wie,
                n_new_ref, tj_ref, pi_ref, nsum_ref, esum_ref):
    n_enc = n_enc_ref[...]
    incp = inc_ref[...]
    inc = incp[:, :H] + incp[:, H:]
    outgoing = outg_ref[0] + outg_ref[1]
    z = _dot(n_enc, ano[...]) + _dot(n_enc, ane[...]) + _dot(inc, ain[...]) + \
        _dot(outgoing, aog[...]) + gn_ref[...]
    n_new = _sp(_dot(_sp(z), wn2[...]) + bn2[...])
    n_new_ref[...] = n_new
    tj_ref[...] = _dot(n_new, wjo[...]) + _dot(n_enc, wje[...])
    pi_ref[...] = _dot(n_new, wio[...]) + _dot(n_enc, wie[...])
    nsum_ref[...] = jnp.sum(n_new, axis=0, keepdims=True)
    esum_ref[...] = jnp.sum(inc, axis=0, keepdims=True)


def _glob0_body(nsum_ref, esum_ref, genc_ref,
                gn_, ge_, ggo, gge, bg1, wg2, bg2,
                wgoe, wgee, bedge, wgon, wgen, bnode,
                gnew_ref, gi_ref, gnref):
    g_enc = genc_ref[...]
    z = _dot(nsum_ref[...], gn_[...]) + _dot(esum_ref[...], ge_[...]) + \
        _dot(g_enc, ggo[...]) + _dot(g_enc, gge[...]) + bg1[...]
    g_new = _sp(_dot(_sp(z), wg2[...]) + bg2[...])
    gnew_ref[...] = g_new
    gi_ref[...] = _dot(g_new, wgoe[...]) + _dot(g_enc, wgee[...]) + bedge[...]
    gnref[...] = _dot(g_new, wgon[...]) + _dot(g_enc, wgen[...]) + bnode[...]


def _node1_body(n_prev_ref, n_enc_ref, inc_ref, outg_ref, gn_ref,
                ano, ane, ain, aog, wn2, bn2,
                nsum_ref, esum_ref):
    incp = inc_ref[...]
    inc = incp[:, :H] + incp[:, H:]
    outgoing = outg_ref[0] + outg_ref[1]
    z = _dot(n_prev_ref[...], ano[...]) + _dot(n_enc_ref[...], ane[...]) + \
        _dot(inc, ain[...]) + _dot(outgoing, aog[...]) + gn_ref[...]
    n_new = _sp(_dot(_sp(z), wn2[...]) + bn2[...])
    nsum_ref[...] = jnp.sum(n_new, axis=0, keepdims=True)
    esum_ref[...] = jnp.sum(inc, axis=0, keepdims=True)


def _glob1_body(nsum_ref, esum_ref, gprev_ref, genc_ref,
                gn_, ge_, ggo, gge, bg1, wg2, bg2,
                wd0, bd0, wd1, bd1, wd2t, bd2,
                out_ref):
    z = _dot(nsum_ref[...], gn_[...]) + _dot(esum_ref[...], ge_[...]) + \
        _dot(gprev_ref[...], ggo[...]) + _dot(genc_ref[...], gge[...]) + bg1[...]
    g_new = _sp(_dot(_sp(z), wg2[...]) + bg2[...])
    d = _sp(_dot(g_new, wd0[...]) + bd0[...])
    d = _sp(_dot(d, wd1[...]) + bd1[...])
    out_ref[...] = jnp.sum(d * wd2t[...], axis=1, keepdims=True) + bd2[...]



_SC_CHUNK = 1000


def _sc_gather(table, idx_flat):
    E = idx_flat.shape[0]
    info = plsc.get_sparse_core_info()
    nw = info.num_cores * info.num_subcores
    per_w = E // nw
    C = _SC_CHUNK
    nch = per_w // C
    mesh = plsc.VectorSubcoreMesh(core_axis_name="c", subcore_axis_name="s")

    @functools.partial(
        pl.kernel, mesh=mesh,
        out_type=jax.ShapeDtypeStruct((E, H), jnp.float32),
        compiler_params=pltpu.CompilerParams(use_tc_tiling_on_sc=False),
        scratch_types=[
            pltpu.VMEM((C,), jnp.int32),
            pltpu.VMEM((C, H), jnp.float32),
            pltpu.SemaphoreType.DMA,
        ],
    )
    def k(table_hbm, idx_hbm, out_hbm, idx_v, rows_v, sem):
        wid = lax.axis_index("s") * info.num_cores + lax.axis_index("c")
        base = wid * per_w

        def body(c, carry):
            off = base + c * C
            pltpu.sync_copy(idx_hbm.at[pl.ds(off, C)], idx_v)
            pltpu.async_copy(table_hbm.at[idx_v], rows_v, sem).wait()
            pltpu.sync_copy(rows_v, out_hbm.at[pl.ds(off, C)])
            return carry

        lax.fori_loop(0, nch, body, 0)

    return k(table, idx_flat)


def _sc_scatter(vals, idx_flat, zeros):
    E = idx_flat.shape[0]
    N = zeros.shape[0]
    info = plsc.get_sparse_core_info()
    nc, ns = info.num_cores, info.num_subcores
    per_w = E // (nc * ns)
    C = _SC_CHUNK
    nch = per_w // C
    rows_per_tile = N // ns
    mesh = plsc.VectorSubcoreMesh(core_axis_name="c", subcore_axis_name="s")

    @functools.partial(
        pl.kernel, mesh=mesh,
        out_type=jax.ShapeDtypeStruct((nc, N, H), jnp.float32),
        compiler_params=pltpu.CompilerParams(use_tc_tiling_on_sc=False),
        scratch_types=[
            pltpu.VMEM((C,), jnp.int32),
            pltpu.VMEM((C, H), jnp.float32),
            pltpu.VMEM_SHARED((N, H), jnp.float32),
            pltpu.SemaphoreType.DMA,
        ],
    )
    def k(vals_hbm, idx_hbm, zeros_hbm, out_hbm, idx_v, vals_v, acc_sh, sem):
        cid = lax.axis_index("c")
        sid = lax.axis_index("s")
        wid = sid * nc + cid
        base = wid * per_w
        r0 = sid * rows_per_tile
        pltpu.sync_copy(zeros_hbm.at[pl.ds(r0, rows_per_tile)],
                        acc_sh.at[pl.ds(r0, rows_per_tile)])
        plsc.subcore_barrier()

        def body(c, carry):
            off = base + c * C
            pltpu.sync_copy(idx_hbm.at[pl.ds(off, C)], idx_v)
            pltpu.sync_copy(vals_hbm.at[pl.ds(off, C)], vals_v)
            pltpu.sync_copy(vals_v, acc_sh.at[idx_v], add=True)
            return carry

        lax.fori_loop(0, nch, body, 0)
        plsc.subcore_barrier()
        pltpu.sync_copy(acc_sh.at[pl.ds(r0, rows_per_tile)],
                        out_hbm.at[cid].at[pl.ds(r0, rows_per_tile)])

    return k(vals, idx_flat, zeros)



def kernel(nodes, edges, globals_, edge_idx, enc_edge, enc_node, enc_global,
           edge_fn_p, node_fn_p, global_fn_p, decoder_p):
    out, _ = _forward(nodes, edges, globals_, edge_idx, enc_edge, enc_node,
                      enc_global, edge_fn_p, node_fn_p, global_fn_p, decoder_p)
    return out


def _forward(nodes, edges, globals_, edge_idx, enc_edge, enc_node, enc_global,
             edge_fn_p, node_fn_p, global_fn_p, decoder_p):
    N, K = edge_idx.shape
    D_NODE = nodes.shape[1]
    D_EDGE = edges.shape[2]
    E = N * K
    M = E // 2
    BE = 400
    BM = BE * K // 2
    grid_e = N // BE

    f32 = jnp.float32

    (we0, be0), (we1, be1) = enc_edge
    (wn0, bn0), (wn1, bn1) = enc_node
    (wg0, bg0), (wg1, bg1) = enc_global
    (We1, bE1), (We2, bE2) = edge_fn_p
    (Wn1, bN1), (Wn2, bN2) = node_fn_p
    (Wg1, bG1), (Wg2, bG2) = global_fn_p
    (wd0, bd0), (wd1, bd1), (wd2, bd2) = decoder_p

    Wa, Wb = We1[0:64], We1[64:128]
    Wio, Wie = We1[128:192], We1[192:256]
    Wjo, Wje = We1[256:320], We1[320:384]
    Wgoe, Wgee = We1[384:448], We1[448:512]
    Ano, Ane = Wn1[0:64], Wn1[64:128]
    Ain, Aog = Wn1[128:192], Wn1[192:256]
    Wgon, Wgen = Wn1[256:320], Wn1[320:384]
    Gn, Ge = Wg1[0:64], Wg1[64:128]
    Ggo, Gge = Wg1[128:192], Wg1[192:256]

    def blkdiag(w):
        din, dout = w.shape
        z = jnp.zeros((2 * din, 2 * dout), w.dtype)
        return z.at[:din, :dout].set(w).at[din:, dout:].set(w)

    pair = lambda v: jnp.concatenate([v, v]).reshape(1, -1)
    r1 = lambda v: v.reshape(1, -1)

    We0P, be0P = blkdiag(we0), pair(be0)
    We1P, be1P = blkdiag(we1), pair(be1)
    WaP, WbP = blkdiag(Wa), blkdiag(Wb)
    W2P, b2P = blkdiag(We2), pair(bE2)

    glob2 = globals_.reshape(1, -1)
    cfull = lambda shp: pl.BlockSpec(shp, lambda *_: (0,) * len(shp))

    enc_out = pl.pallas_call(
        _enc_body,
        grid=(grid_e,),
        in_specs=[
            pl.BlockSpec((BE, D_NODE), lambda i: (i, 0)),
            pl.BlockSpec((BM, 2 * D_EDGE), lambda i: (i, 0)),
            cfull((1, globals_.shape[0])),
            cfull((2 * D_EDGE, H2)), cfull((1, H2)), cfull((H2, H2)), cfull((1, H2)),
            cfull((D_NODE, H)), cfull((1, H)), cfull((H, H)), cfull((1, H)),
            cfull((globals_.shape[0], H)), cfull((1, H)), cfull((H, H)), cfull((1, H)),
            cfull((H, H)), cfull((H, H)), cfull((H, H)), cfull((H, H)),
            cfull((H, H)), cfull((H, H)), cfull((1, H)),
            cfull((H, H)), cfull((H, H)), cfull((1, H)),
        ],
        out_specs=[
            pl.BlockSpec((BM, H2), lambda i: (i, 0)),
            pl.BlockSpec((BE, H), lambda i: (i, 0)),
            pl.BlockSpec((BE, H), lambda i: (i, 0)),
            pl.BlockSpec((BE, H), lambda i: (i, 0)),
            cfull((1, H)), cfull((1, H)), cfull((1, H)),
        ],
        out_shape=[
            jax.ShapeDtypeStruct((M, H2), f32),
            jax.ShapeDtypeStruct((N, H), f32),
            jax.ShapeDtypeStruct((N, H), f32),
            jax.ShapeDtypeStruct((N, H), f32),
            jax.ShapeDtypeStruct((1, H), f32),
            jax.ShapeDtypeStruct((1, H), f32),
            jax.ShapeDtypeStruct((1, H), f32),
        ],
    )(nodes, edges.reshape(M, 2 * D_EDGE), glob2,
      We0P, be0P, We1P, be1P,
      wn0, r1(bn0), wn1, r1(bn1),
      wg0, r1(bg0), wg1, r1(bg1),
      Wjo, Wje, Wio, Wie,
      Wgoe, Wgee, r1(bE1),
      Wgon, Wgen, r1(bN1))
    EE, n_enc, tableJ0, Pi0, gi0, gn0, g_enc = enc_out

    idx_flat = edge_idx.reshape(-1)
    zeros = jnp.zeros((N, H), f32)

    packed_spec = pl.BlockSpec((BM, H2), lambda i: (i, 0))
    node_spec = pl.BlockSpec((BE, H), lambda i: (i, 0))
    inc_spec = pl.BlockSpec((BE, H2), lambda i: (i, 0))

    def edge_pass(body, packed_args, rest):
        return pl.pallas_call(
            body,
            grid=(grid_e,),
            in_specs=[packed_spec] * len(packed_args) +
                     [node_spec, cfull((1, H))] +
                     [cfull(a.shape) for a in rest[2:]],
            out_specs=[packed_spec, inc_spec],
            out_shape=[
                jax.ShapeDtypeStruct((M, H2), f32),
                jax.ShapeDtypeStruct((N, H2), f32),
            ],
        )(*packed_args, *rest)

    G0 = _sc_gather(tableJ0, idx_flat).reshape(M, H2)
    EN0, INC0 = edge_pass(
        _edge0_body, (EE, G0), (Pi0, gi0, WaP, WbP, W2P, b2P))
    outg0 = _sc_scatter(EN0.reshape(E, H), idx_flat, zeros)

    n_new0, tableJ1, Pi1, nsum0, esum0 = pl.pallas_call(
        _node0_body,
        in_specs=[cfull((N, H)), cfull((N, H2)), cfull((2, N, H)), cfull((1, H)),
                  cfull((H, H)), cfull((H, H)), cfull((H, H)), cfull((H, H)),
                  cfull((H, H)), cfull((1, H)),
                  cfull((H, H)), cfull((H, H)), cfull((H, H)), cfull((H, H))],
        out_specs=[cfull((N, H)), cfull((N, H)), cfull((N, H)),
                   cfull((1, H)), cfull((1, H))],
        out_shape=[jax.ShapeDtypeStruct((N, H), f32),
                   jax.ShapeDtypeStruct((N, H), f32),
                   jax.ShapeDtypeStruct((N, H), f32),
                   jax.ShapeDtypeStruct((1, H), f32),
                   jax.ShapeDtypeStruct((1, H), f32)],
    )(n_enc, INC0, outg0, gn0,
      Ano, Ane, Ain, Aog, Wn2, r1(bN2),
      Wjo, Wje, Wio, Wie)

    g_new0, gi1, gn1 = pl.pallas_call(
        _glob0_body,
        in_specs=[cfull((1, H)), cfull((1, H)), cfull((1, H)),
                  cfull((H, H)), cfull((H, H)), cfull((H, H)), cfull((H, H)),
                  cfull((1, H)), cfull((H, H)), cfull((1, H)),
                  cfull((H, H)), cfull((H, H)), cfull((1, H)),
                  cfull((H, H)), cfull((H, H)), cfull((1, H))],
        out_specs=[cfull((1, H))] * 3,
        out_shape=[jax.ShapeDtypeStruct((1, H), f32)] * 3,
    )(nsum0, esum0, g_enc,
      Gn, Ge, Ggo, Gge, r1(bG1), Wg2, r1(bG2),
      Wgoe, Wgee, r1(bE1), Wgon, Wgen, r1(bN1))

    G1 = _sc_gather(tableJ1, idx_flat).reshape(M, H2)
    EN1, INC1 = edge_pass(
        _edge1_body, (EN0, EE, G1), (Pi1, gi1, WaP, WbP, W2P, b2P))
    outg1 = _sc_scatter(EN1.reshape(E, H), idx_flat, zeros)

    nsum1, esum1 = pl.pallas_call(
        _node1_body,
        in_specs=[cfull((N, H)), cfull((N, H)), cfull((N, H2)),
                  cfull((2, N, H)), cfull((1, H)),
                  cfull((H, H)), cfull((H, H)), cfull((H, H)), cfull((H, H)),
                  cfull((H, H)), cfull((1, H))],
        out_specs=[cfull((1, H)), cfull((1, H))],
        out_shape=[jax.ShapeDtypeStruct((1, H), f32),
                   jax.ShapeDtypeStruct((1, H), f32)],
    )(n_new0, n_enc, INC1, outg1, gn1,
      Ano, Ane, Ain, Aog, Wn2, r1(bN2))

    out = pl.pallas_call(
        _glob1_body,
        in_specs=[cfull((1, H)), cfull((1, H)), cfull((1, H)), cfull((1, H)),
                  cfull((H, H)), cfull((H, H)), cfull((H, H)), cfull((H, H)),
                  cfull((1, H)), cfull((H, H)), cfull((1, H)),
                  cfull((H, H)), cfull((1, H)), cfull((H, H)), cfull((1, H)),
                  cfull((1, H)), cfull((1, 1))],
        out_specs=[cfull((1, 1))],
        out_shape=[jax.ShapeDtypeStruct((1, 1), f32)],
    )(nsum1, esum1, g_new0, g_enc,
      Gn, Ge, Ggo, Gge, r1(bG1), Wg2, r1(bG2),
      wd0, r1(bd0), wd1, r1(bd1), wd2.reshape(1, H), bd2.reshape(1, 1))[0]

    inter = dict(EE=EE, n_enc=n_enc, tableJ0=tableJ0, Pi0=Pi0, gi0=gi0,
                 gn0=gn0, g_enc=g_enc, G0=G0, EN0=EN0, INC0=INC0, outg0=outg0,
                 n_new0=n_new0, tableJ1=tableJ1, Pi1=Pi1, nsum0=nsum0,
                 esum0=esum0, g_new0=g_new0, gi1=gi1, gn1=gn1, G1=G1, EN1=EN1,
                 INC1=INC1, outg1=outg1, nsum1=nsum1, esum1=esum1)
    return out[0, 0], inter

# --- scband reference (transcript-rebuilt; emitter-appended) ---
"""Pipeline reference for scband-energy-graph-net-82205674045591 (READ-ONLY COPY).

The authoritative reference and input builder live on the scoring server;
editing this copy changes nothing except your own understanding.
"""

import jax, jax.numpy as jnp
import numpy as np

N = 10000
K = 16
D_NODE = 128
D_EDGE = 4
D_GLOBAL = 8
MLP_SIZES = (64, 64)
N_RECURRENCES = 2
H = MLP_SIZES[-1]


def _mlp_params(key, d_in, sizes):
    params = []
    d = d_in
    for h in sizes:
        key, k1, k2 = jax.random.split(key, 3)
        W = jax.random.normal(k1, (d, h), dtype=jnp.float32) * jnp.sqrt(1.0 / d)
        b = jax.random.normal(k2, (h,), dtype=jnp.float32) * jnp.sqrt(0.1 / d)
        params.append((W, b))
        d = h
    return params


def _mlp_apply(params, x, activate_final):
    n = len(params)
    for i, (W, b) in enumerate(params):
        x = x @ W + b
        if i < n - 1 or activate_final:
            x = jax.nn.softplus(x)
    return x


def setup_inputs(seed: int = 0):
    key = jax.random.key(seed)
    ks = jax.random.split(key, 12)
    nodes = jax.random.normal(ks[0], (N, D_NODE), dtype=jnp.float32)
    edges = jax.random.normal(ks[1], (N, K, D_EDGE), dtype=jnp.float32)
    globals_ = jax.random.normal(ks[2], (D_GLOBAL,), dtype=jnp.float32)
    edge_idx = jax.random.randint(ks[3], (N, K), 0, N, dtype=jnp.int32)
    enc_edge = _mlp_params(ks[4], D_EDGE, MLP_SIZES)
    enc_node = _mlp_params(ks[5], D_NODE, MLP_SIZES)
    enc_global = _mlp_params(ks[6], D_GLOBAL, MLP_SIZES)
    edge_fn_p = _mlp_params(ks[7], 8 * H, MLP_SIZES)
    node_fn_p = _mlp_params(ks[8], 6 * H, MLP_SIZES)
    global_fn_p = _mlp_params(ks[9], 4 * H, MLP_SIZES)
    decoder_p = _mlp_params(ks[10], H, MLP_SIZES + (1,))
    return {"nodes": nodes, "edges": edges, "globals_": globals_, "edge_idx": edge_idx,
            "enc_edge": enc_edge, "enc_node": enc_node, "enc_global": enc_global,
            "edge_fn_p": edge_fn_p, "node_fn_p": node_fn_p, "global_fn_p": global_fn_p,
            "decoder_p": decoder_p}


def reference(nodes, edges, globals_, edge_idx, enc_edge, enc_node, enc_global,
              edge_fn_p, node_fn_p, global_fn_p, decoder_p):
    n_nodes = nodes.shape[0]
    k_nb = edge_idx.shape[1]
    mask = (edge_idx < n_nodes).astype(nodes.dtype)[..., None]
    # GraphMapFeatures encoder (shared-haiku-MLP embeddings, activate_final=True, softplus)
    e_enc = _mlp_apply(enc_edge, edges, True)
    n_enc = _mlp_apply(enc_node, nodes, True)
    g_enc = _mlp_apply(enc_global, globals_, True)
    e_out, n_out, g_out = e_enc, n_enc, g_enc
    for _ in range(N_RECURRENCES):
        # skip connection: concatenate current outputs with encoded features
        e_in = jnp.concatenate([e_out, e_enc], axis=-1)
        n_in = jnp.concatenate([n_out, n_enc], axis=-1)
        g_in = jnp.concatenate([g_out, g_enc], axis=-1)
        # edge update: edge_fn(edge, node_i, node_j, globals) with dense neighbor gather
        n_i = jnp.broadcast_to(n_in[:, None, :], (n_nodes, k_nb, n_in.shape[-1]))
        n_j = jnp.take(n_in, jnp.clip(edge_idx, 0, n_nodes - 1), axis=0)
        g_e = jnp.broadcast_to(g_in, (n_nodes, k_nb, g_in.shape[-1]))
        e_new = _mlp_apply(edge_fn_p, jnp.concatenate([e_in, n_i, n_j, g_e], axis=-1), True)
        e_masked = e_new * mask
        # node update: node_fn(node, incoming_sum, outgoing_scatter_sum, globals)
        incoming = jnp.sum(e_masked, axis=1)
        outgoing = jax.ops.segment_sum(e_masked.reshape(-1, e_masked.shape[-1]),
                                       edge_idx.reshape(-1), num_segments=n_nodes)
        g_n = jnp.broadcast_to(g_in, (n_nodes, g_in.shape[-1]))
        n_new = _mlp_apply(node_fn_p, jnp.concatenate([n_in, incoming, outgoing, g_n], axis=-1), True)
        # global update: global_fn(sum nodes, sum masked edges, globals)
        g_new = _mlp_apply(global_fn_p,
                           jnp.concatenate([jnp.sum(n_new, axis=0),
                                            jnp.sum(e_masked, axis=(0, 1)), g_in], axis=-1), True)
        e_out, n_out, g_out = e_new, n_new, g_new
    # GlobalDecoder MLP (sizes + (1,), activate_final=False), squeeze last axis -> scalar energy
    out = _mlp_apply(decoder_p, g_out, False)
    return jnp.squeeze(out, axis=-1)

if __name__ == "__main__":
    import jax
    _d = setup_inputs()
    print(jax.jit(kernel)(*tuple(_d.values())))

</pallas_src>

<mosaic_0001>
#map = affine_map<(d0, d1) -> (0, 0)>
#map1 = affine_map<(d0, d1) -> (0)>
module attributes {stable_mosaic.version = 14 : i64} {
  func.func @k(%arg0: i32, %arg1: i32, %arg2: memref<10000x64xf32, #tpu.memory_space<hbm>>, %arg3: memref<160000xi32, #tpu.memory_space<hbm>>, %arg4: memref<160000x64xf32, #tpu.memory_space<hbm>>, %arg5: memref<1000xi32, #tpu.memory_space<vmem>>, %arg6: memref<1000x64xf32, #tpu.memory_space<vmem>>, %arg7: memref<!tpu.dma_semaphore, #tpu.memory_space<semaphore_mem>>) attributes {dimension_semantics = [#tpu.dimension_semantics<core_parallel>, #tpu.dimension_semantics<subcore_parallel>], iteration_bounds = array<i64: 2, 16>, scalar_prefetch = 0 : i64, scratch_operands = 3 : i64, tpu.core_type = #tpu.core_type<sc_vector_subcore>, window_params = [{transform_indices = #map}, {transform_indices = #map1}, {transform_indices = #map}]} {
    %mul3A = arith.constant 2 : i32
    %mul3A_0 = arith.muli %arg1, %mul3A : i32
    %add3A = arith.addi %mul3A_0, %arg0 : i32
    %mul3A_1 = arith.constant 5000 : i32
    %mul3A_2 = arith.muli %add3A, %mul3A_1 : i32
    %scan3A = arith.constant 0 : i32
    %scan3A_3 = arith.constant 0 : i32
    %scan3A_4 = arith.constant 5 : i32
    %scan3A_5 = arith.addi %scan3A_3, %scan3A_4 : i32
    %scan3A_6 = arith.constant 1 : i32
    scf.for %scan3A_8 = %scan3A_3 to %scan3A_5 step %scan3A_6  : i32 {
      %mul3A_9 = arith.constant 1000 : i32
      %mul3A_10 = arith.muli %scan3A_8, %mul3A_9 : i32
      %add3A_11 = arith.addi %mul3A_2, %mul3A_10 : i32
      "tpu.region"() ({
        %run_scoped3A = tpu.sem_alloc : memref<!tpu.dma_semaphore, #tpu.memory_space<semaphore_mem>>
        %dma_start3A_16 = tpu.memref_slice %arg3[%add3A_11] : memref<160000xi32, #tpu.memory_space<hbm>> -> memref<1000xi32, #tpu.memory_space<hbm>>
        %dma_start3A_17 = tpu.memref_slice %arg3[%add3A_11] : memref<160000xi32, #tpu.memory_space<hbm>> -> memref<1000xi32, #tpu.memory_space<hbm>>
        tpu.enqueue_dma source(%dma_start3A_17 : memref<1000xi32, #tpu.memory_space<hbm>>) target(%arg5 : memref<1000xi32, #tpu.memory_space<vmem>>) target_semaphore(%run_scoped3A : memref<!tpu.dma_semaphore, #tpu.memory_space<semaphore_mem>>)
        %dma_wait3A_18 = tpu.memref_slice %arg3[%add3A_11] : memref<160000xi32, #tpu.memory_space<hbm>> -> memref<1000xi32, #tpu.memory_space<hbm>>
        %dma_wait3A_19 = tpu.memref_slice %arg3[%add3A_11] : memref<160000xi32, #tpu.memory_space<hbm>> -> memref<1000xi32, #tpu.memory_space<hbm>>
        tpu.wait_dma2 semaphore(%run_scoped3A : memref<!tpu.dma_semaphore, #tpu.memory_space<semaphore_mem>>) src(%dma_wait3A_19 : memref<1000xi32, #tpu.memory_space<hbm>>) dst(%arg5 : memref<1000xi32, #tpu.memory_space<vmem>>)
        tpu.yield
      }) : () -> ()
      %dma_start3A = arith.constant 0 : i32
      %dma_start3A_12 = arith.constant 0 : i32
      %dma_start3A_13 = tpu.memref_slice %arg2[%dma_start3A, %dma_start3A_12] : memref<10000x64xf32, #tpu.memory_space<hbm>> -> memref<10000x64xf32, #tpu.memory_space<hbm>>
      tpu.enqueue_indirect_dma source(%dma_start3A_13 : memref<10000x64xf32, #tpu.memory_space<hbm>>) target(%arg6 : memref<1000x64xf32, #tpu.memory_space<vmem>>) offsets(%arg5 : memref<1000xi32, #tpu.memory_space<vmem>>) semaphore(%arg7 : memref<!tpu.dma_semaphore, #tpu.memory_space<semaphore_mem>>)
      %dma_wait3A = arith.constant 0 : i32
      %dma_wait3A_14 = arith.constant 0 : i32
      %dma_wait3A_15 = tpu.memref_slice %arg2[%dma_wait3A, %dma_wait3A_14] : memref<10000x64xf32, #tpu.memory_space<hbm>> -> memref<10000x64xf32, #tpu.memory_space<hbm>>
      tpu.wait_indirect_dma semaphore(%arg7 : memref<!tpu.dma_semaphore, #tpu.memory_space<semaphore_mem>>) src(%dma_wait3A_15 : memref<10000x64xf32, #tpu.memory_space<hbm>>) dst(%arg6 : memref<1000x64xf32, #tpu.memory_space<vmem>>)
      "tpu.region"() ({
        %run_scoped3A = tpu.sem_alloc : memref<!tpu.dma_semaphore, #tpu.memory_space<semaphore_mem>>
        %dma_start3A_16 = arith.constant 0 : i32
        %dma_start3A_17 = tpu.memref_slice %arg4[%add3A_11, %dma_start3A_16] : memref<160000x64xf32, #tpu.memory_space<hbm>> -> memref<1000x64xf32, #tpu.memory_space<hbm>>
        %dma_start3A_18 = arith.constant 0 : i32
        %dma_start3A_19 = tpu.memref_slice %arg4[%add3A_11, %dma_start3A_18] : memref<160000x64xf32, #tpu.memory_space<hbm>> -> memref<1000x64xf32, #tpu.memory_space<hbm>>
        tpu.enqueue_dma source(%arg6 : memref<1000x64xf32, #tpu.memory_space<vmem>>) target(%dma_start3A_19 : memref<1000x64xf32, #tpu.memory_space<hbm>>) target_semaphore(%run_scoped3A : memref<!tpu.dma_semaphore, #tpu.memory_space<semaphore_mem>>)
        %dma_wait3A_20 = arith.constant 0 : i32
        %dma_wait3A_21 = tpu.memref_slice %arg4[%add3A_11, %dma_wait3A_20] : memref<160000x64xf32, #tpu.memory_space<hbm>> -> memref<1000x64xf32, #tpu.memory_space<hbm>>
        %dma_wait3A_22 = arith.constant 0 : i32
        %dma_wait3A_23 = tpu.memref_slice %arg4[%add3A_11, %dma_wait3A_22] : memref<160000x64xf32, #tpu.memory_space<hbm>> -> memref<1000x64xf32, #tpu.memory_space<hbm>>
        tpu.wait_dma2 semaphore(%run_scoped3A : memref<!tpu.dma_semaphore, #tpu.memory_space<semaphore_mem>>) src(%arg6 : memref<1000x64xf32, #tpu.memory_space<vmem>>) dst(%dma_wait3A_23 : memref<1000x64xf32, #tpu.memory_space<hbm>>)
        tpu.yield
      }) : () -> ()
    }
    %scan3A_7 = arith.constant 5 : i32
    return
  }
}

#map = affine_map<(d0, d1) -> (0, 0)>
#map1 = affine_map<(d0, d1) -> (0)>
module attributes {stable_mosaic.version = 14 : i64} {
  func.func @k(%arg0: i32, %arg1: i32, %arg2: memref<10000x64xf32, #tpu.memory_space<hbm>>, %arg3: memref<160000xi32, #tpu.memory_space<hbm>>, %arg4: memref<160000x64xf32, #tpu.memory_space<hbm>>, %arg5: memref<1000xi32, #tpu.memory_space<vmem>>, %arg6: memref<1000x64xf32, #tpu.memory_space<vmem>>, %arg7: memref<!tpu.dma_semaphore, #tpu.memory_space<semaphore_mem>>) attributes {dimension_semantics = [#tpu.dimension_semantics<core_parallel>, #tpu.dimension_semantics<subcore_parallel>], iteration_bounds = array<i64: 2, 16>, scalar_prefetch = 0 : i64, scratch_operands = 3 : i64, tpu.core_type = #tpu.core_type<sc_vector_subcore>, window_params = [{transform_indices = #map}, {transform_indices = #map1}, {transform_indices = #map}]} {
    %mul3A = arith.constant 2 : i32
    %mul3A_0 = arith.muli %arg1, %mul3A : i32
    %add3A = arith.addi %mul3A_0, %arg0 : i32
    %mul3A_1 = arith.constant 5000 : i32
    %mul3A_2 = arith.muli %add3A, %mul3A_1 : i32
    %scan3A = arith.constant 0 : i32
    %scan3A_3 = arith.constant 0 : i32
    %scan3A_4 = arith.constant 5 : i32
    %scan3A_5 = arith.addi %scan3A_3, %scan3A_4 : i32
    %scan3A_6 = arith.constant 1 : i32
    scf.for %scan3A_8 = %scan3A_3 to %scan3A_5 step %scan3A_6  : i32 {
      %mul3A_9 = arith.constant 1000 : i32
      %mul3A_10 = arith.muli %scan3A_8, %mul3A_9 : i32
      %add3A_11 = arith.addi %mul3A_2, %mul3A_10 : i32
      "tpu.region"() ({
        %run_scoped3A = tpu.sem_alloc : memref<!tpu.dma_semaphore, #tpu.memory_space<semaphore_mem>>
        %dma_start3A_16 = tpu.memref_slice %arg3[%add3A_11] : memref<160000xi32, #tpu.memory_space<hbm>> -> memref<1000xi32, #tpu.memory_space<hbm>>
        %dma_start3A_17 = tpu.memref_slice %arg3[%add3A_11] : memref<160000xi32, #tpu.memory_space<hbm>> -> memref<1000xi32, #tpu.memory_space<hbm>>
        tpu.enqueue_dma source(%dma_start3A_17 : memref<1000xi32, #tpu.memory_space<hbm>>) target(%arg5 : memref<1000xi32, #tpu.memory_space<vmem>>) target_semaphore(%run_scoped3A : memref<!tpu.dma_semaphore, #tpu.memory_space<semaphore_mem>>)
        %dma_wait3A_18 = tpu.memref_slice %arg3[%add3A_11] : memref<160000xi32, #tpu.memory_space<hbm>> -> memref<1000xi32, #tpu.memory_space<hbm>>
        %dma_wait3A_19 = tpu.memref_slice %arg3[%add3A_11] : memref<160000xi32, #tpu.memory_space<hbm>> -> memref<1000xi32, #tpu.memory_space<hbm>>
        tpu.wait_dma2 semaphore(%run_scoped3A : memref<!tpu.dma_semaphore, #tpu.memory_space<semaphore_mem>>) src(%dma_wait3A_19 : memref<1000xi32, #tpu.memory_space<hbm>>) dst(%arg5 : memref<1000xi32, #tpu.memory_space<vmem>>)
        tpu.yield
      }) : () -> ()
      %dma_start3A = arith.constant 0 : i32
      %dma_start3A_12 = arith.constant 0 : i32
      %dma_start3A_13 = tpu.memref_slice %arg2[%dma_start3A, %dma_start3A_12] : memref<10000x64xf32, #tpu.memory_space<hbm>> -> memref<10000x64xf32, #tpu.memory_space<hbm>>
      tpu.enqueue_indirect_dma source(%dma_start3A_13 : memref<10000x64xf32, #tpu.memory_space<hbm>>) target(%arg6 : memref<1000x64xf32, #tpu.memory_space<vmem>>) offsets(%arg5 : memref<1000xi32, #tpu.memory_space<vmem>>) semaphore(%arg7 : memref<!tpu.dma_semaphore, #tpu.memory_space<semaphore_mem>>)
      %dma_wait3A = arith.constant 0 : i32
      %dma_wait3A_14 = arith.constant 0 : i32
      %dma_wait3A_15 = tpu.memref_slice %arg2[%dma_wait3A, %dma_wait3A_14] : memref<10000x64xf32, #tpu.memory_space<hbm>> -> memref<10000x64xf32, #tpu.memory_space<hbm>>
      tpu.wait_indirect_dma semaphore(%arg7 : memref<!tpu.dma_semaphore, #tpu.memory_space<semaphore_mem>>) src(%dma_wait3A_15 : memref<10000x64xf32, #tpu.memory_space<hbm>>) dst(%arg6 : memref<1000x64xf32, #tpu.memory_space<vmem>>)
      "tpu.region"() ({
        %run_scoped3A = tpu.sem_alloc : memref<!tpu.dma_semaphore, #tpu.memory_space<semaphore_mem>>
        %dma_start3A_16 = arith.constant 0 : i32
        %dma_start3A_17 = tpu.memref_slice %arg4[%add3A_11, %dma_start3A_16] : memref<160000x64xf32, #tpu.memory_space<hbm>> -> memref<1000x64xf32, #tpu.memory_space<hbm>>
        %dma_start3A_18 = arith.constant 0 : i32
        %dma_start3A_19 = tpu.memref_slice %arg4[%add3A_11, %dma_start3A_18] : memref<160000x64xf32, #tpu.memory_space<hbm>> -> memref<1000x64xf32, #tpu.memory_space<hbm>>
        tpu.enqueue_dma source(%arg6 : memref<1000x64xf32, #tpu.memory_space<vmem>>) target(%dma_start3A_19 : memref<1000x64xf32, #tpu.memory_space<hbm>>) target_semaphore(%run_scoped3A : memref<!tpu.dma_semaphore, #tpu.memory_space<semaphore_mem>>)
        %dma_wait3A_20 = arith.constant 0 : i32
        %dma_wait3A_21 = tpu.memref_slice %arg4[%add3A_11, %dma_wait3A_20] : memref<160000x64xf32, #tpu.memory_space<hbm>> -> memref<1000x64xf32, #tpu.memory_space<hbm>>
        %dma_wait3A_22 = arith.constant 0 : i32
        %dma_wait3A_23 = tpu.memref_slice %arg4[%add3A_11, %dma_wait3A_22] : memref<160000x64xf32, #tpu.memory_space<hbm>> -> memref<1000x64xf32, #tpu.memory_space<hbm>>
        tpu.wait_dma2 semaphore(%run_scoped3A : memref<!tpu.dma_semaphore, #tpu.memory_space<semaphore_mem>>) src(%arg6 : memref<1000x64xf32, #tpu.memory_space<vmem>>) dst(%dma_wait3A_23 : memref<1000x64xf32, #tpu.memory_space<hbm>>)
        tpu.yield
      }) : () -> ()
    }
    %scan3A_7 = arith.constant 5 : i32
    return
  }
}

#map = affine_map<(d0, d1) -> (0, 0)>
#map1 = affine_map<(d0, d1) -> (0)>
#map2 = affine_map<(d0, d1) -> (0, 0, 0)>
module attributes {stable_mosaic.version = 14 : i64} {
  func.func @k(%arg0: i32, %arg1: i32, %arg2: memref<160000x64xf32, #tpu.memory_space<hbm>>, %arg3: memref<160000xi32, #tpu.memory_space<hbm>>, %arg4: memref<10000x64xf32, #tpu.memory_space<hbm>>, %arg5: memref<2x10000x64xf32, #tpu.memory_space<hbm>>, %arg6: memref<1000xi32, #tpu.memory_space<vmem>>, %arg7: memref<1000x64xf32, #tpu.memory_space<vmem>>, %arg8: memref<10000x64xf32, #tpu.memory_space<vmem_shared>>, %arg9: memref<!tpu.dma_semaphore, #tpu.memory_space<semaphore_mem>>) attributes {dimension_semantics = [#tpu.dimension_semantics<core_parallel>, #tpu.dimension_semantics<subcore_parallel>], iteration_bounds = array<i64: 2, 16>, scalar_prefetch = 0 : i64, scratch_operands = 4 : i64, tpu.core_type = #tpu.core_type<sc_vector_subcore>, window_params = [{transform_indices = #map}, {transform_indices = #map1}, {transform_indices = #map}, {transform_indices = #map2}]} {
    %mul3A = arith.constant 2 : i32
    %mul3A_0 = arith.muli %arg1, %mul3A : i32
    %add3A = arith.addi %mul3A_0, %arg0 : i32
    %mul3A_1 = arith.constant 5000 : i32
    %mul3A_2 = arith.muli %add3A, %mul3A_1 : i32
    %mul3A_3 = arith.constant 625 : i32
    %mul3A_4 = arith.muli %arg1, %mul3A_3 : i32
    "tpu.region"() ({
      %run_scoped3A = tpu.sem_alloc : memref<!tpu.dma_semaphore, #tpu.memory_space<semaphore_mem>>
      %dma_start3A = arith.constant 0 : i32
      %dma_start3A_11 = tpu.memref_slice %arg8[%mul3A_4, %dma_start3A] : memref<10000x64xf32, #tpu.memory_space<vmem_shared>> -> memref<625x64xf32, #tpu.memory_space<vmem_shared>>
      %dma_start3A_12 = arith.constant 0 : i32
      %dma_start3A_13 = tpu.memref_slice %arg4[%mul3A_4, %dma_start3A_12] : memref<10000x64xf32, #tpu.memory_space<hbm>> -> memref<625x64xf32, #tpu.memory_space<hbm>>
      tpu.enqueue_dma source(%dma_start3A_13 : memref<625x64xf32, #tpu.memory_space<hbm>>) target(%dma_start3A_11 : memref<625x64xf32, #tpu.memory_space<vmem_shared>>) target_semaphore(%run_scoped3A : memref<!tpu.dma_semaphore, #tpu.memory_space<semaphore_mem>>)
      %dma_wait3A = arith.constant 0 : i32
      %dma_wait3A_14 = tpu.memref_slice %arg8[%mul3A_4, %dma_wait3A] : memref<10000x64xf32, #tpu.memory_space<vmem_shared>> -> memref<625x64xf32, #tpu.memory_space<vmem_shared>>
      %dma_wait3A_15 = arith.constant 0 : i32
      %dma_wait3A_16 = tpu.memref_slice %arg4[%mul3A_4, %dma_wait3A_15] : memref<10000x64xf32, #tpu.memory_space<hbm>> -> memref<625x64xf32, #tpu.memory_space<hbm>>
      tpu.wait_dma2 semaphore(%run_scoped3A : memref<!tpu.dma_semaphore, #tpu.memory_space<semaphore_mem>>) src(%dma_wait3A_16 : memref<625x64xf32, #tpu.memory_space<hbm>>) dst(%dma_wait3A_14 : memref<625x64xf32, #tpu.memory_space<vmem_shared>>)
      tpu.yield
    }) : () -> ()
    %barrier3A = arith.constant 0 : index
    tpu.barrier barrier_id(%barrier3A)
    %scan3A = arith.constant 0 : i32
    %scan3A_5 = arith.constant 0 : i32
    %scan3A_6 = arith.constant 5 : i32
    %scan3A_7 = arith.addi %scan3A_5, %scan3A_6 : i32
    %scan3A_8 = arith.constant 1 : i32
    scf.for %scan3A_11 = %scan3A_5 to %scan3A_7 step %scan3A_8  : i32 {
      %mul3A_12 = arith.constant 1000 : i32
      %mul3A_13 = arith.muli %scan3A_11, %mul3A_12 : i32
      %add3A_14 = arith.addi %mul3A_2, %mul3A_13 : i32
      "tpu.region"() ({
        %run_scoped3A = tpu.sem_alloc : memref<!tpu.dma_semaphore, #tpu.memory_space<semaphore_mem>>
        %dma_start3A = tpu.memref_slice %arg3[%add3A_14] : memref<160000xi32, #tpu.memory_space<hbm>> -> memref<1000xi32, #tpu.memory_space<hbm>>
        %dma_start3A_15 = tpu.memref_slice %arg3[%add3A_14] : memref<160000xi32, #tpu.memory_space<hbm>> -> memref<1000xi32, #tpu.memory_space<hbm>>
        tpu.enqueue_dma source(%dma_start3A_15 : memref<1000xi32, #tpu.memory_space<hbm>>) target(%arg6 : memref<1000xi32, #tpu.memory_space<vmem>>) target_semaphore(%run_scoped3A : memref<!tpu.dma_semaphore, #tpu.memory_space<semaphore_mem>>)
        %dma_wait3A = tpu.memref_slice %arg3[%add3A_14] : memref<160000xi32, #tpu.memory_space<hbm>> -> memref<1000xi32, #tpu.memory_space<hbm>>
        %dma_wait3A_16 = tpu.memref_slice %arg3[%add3A_14] : memref<160000xi32, #tpu.memory_space<hbm>> -> memref<1000xi32, #tpu.memory_space<hbm>>
        tpu.wait_dma2 semaphore(%run_scoped3A : memref<!tpu.dma_semaphore, #tpu.memory_space<semaphore_mem>>) src(%dma_wait3A_16 : memref<1000xi32, #tpu.memory_space<hbm>>) dst(%arg6 : memref<1000xi32, #tpu.memory_space<vmem>>)
        tpu.yield
      }) : () -> ()
      "tpu.region"() ({
        %run_scoped3A = tpu.sem_alloc : memref<!tpu.dma_semaphore, #tpu.memory_space<semaphore_mem>>
        %dma_start3A = arith.constant 0 : i32
        %dma_start3A_15 = tpu.memref_slice %arg2[%add3A_14, %dma_start3A] : memref<160000x64xf32, #tpu.memory_space<hbm>> -> memref<1000x64xf32, #tpu.memory_space<hbm>>
        %dma_start3A_16 = arith.constant 0 : i32
        %dma_start3A_17 = tpu.memref_slice %arg2[%add3A_14, %dma_start3A_16] : memref<160000x64xf32, #tpu.memory_space<hbm>> -> memref<1000x64xf32, #tpu.memory_space<hbm>>
        tpu.enqueue_dma source(%dma_start3A_17 : memref<1000x64xf32, #tpu.memory_space<hbm>>) target(%arg7 : memref<1000x64xf32, #tpu.memory_space<vmem>>) target_semaphore(%run_scoped3A : memref<!tpu.dma_semaphore, #tpu.memory_space<semaphore_mem>>)
        %dma_wait3A = arith.constant 0 : i32
        %dma_wait3A_18 = tpu.memref_slice %arg2[%add3A_14, %dma_wait3A] : memref<160000x64xf32, #tpu.memory_space<hbm>> -> memref<1000x64xf32, #tpu.memory_space<hbm>>
        %dma_wait3A_19 = arith.constant 0 : i32
        %dma_wait3A_20 = tpu.memref_slice %arg2[%add3A_14, %dma_wait3A_19] : memref<160000x64xf32, #tpu.memory_space<hbm>> -> memref<1000x64xf32, #tpu.memory_space<hbm>>
        tpu.wait_dma2 semaphore(%run_scoped3A : memref<!tpu.dma_semaphore, #tpu.memory_space<semaphore_mem>>) src(%dma_wait3A_20 : memref<1000x64xf32, #tpu.memory_space<hbm>>) dst(%arg7 : memref<1000x64xf32, #tpu.memory_space<vmem>>)
        tpu.yield
      }) : () -> ()
      "tpu.region"() ({
        %run_scoped3A = tpu.sem_alloc : memref<!tpu.dma_semaphore, #tpu.memory_space<semaphore_mem>>
        %dma_start3A = arith.constant 0 : i32
        %dma_start3A_15 = arith.constant 0 : i32
        %dma_start3A_16 = tpu.memref_slice %arg8[%dma_start3A, %dma_start3A_15] : memref<10000x64xf32, #tpu.memory_space<vmem_shared>> -> memref<10000x64xf32, #tpu.memory_space<vmem_shared>>
        tpu.enqueue_indirect_dma source(%arg7 : memref<1000x64xf32, #tpu.memory_space<vmem>>) target(%dma_start3A_16 : memref<10000x64xf32, #tpu.memory_space<vmem_shared>>) offsets(%arg6 : memref<1000xi32, #tpu.memory_space<vmem>>) semaphore(%run_scoped3A : memref<!tpu.dma_semaphore, #tpu.memory_space<semaphore_mem>>) {add = true}
        %dma_wait3A = arith.constant 0 : i32
        %dma_wait3A_17 = arith.constant 0 : i32
        %dma_wait3A_18 = tpu.memref_slice %arg8[%dma_wait3A, %dma_wait3A_17] : memref<10000x64xf32, #tpu.memory_space<vmem_shared>> -> memref<10000x64xf32, #tpu.memory_space<vmem_shared>>
        tpu.wait_indirect_dma semaphore(%run_scoped3A : memref<!tpu.dma_semaphore, #tpu.memory_space<semaphore_mem>>) src(%arg7 : memref<1000x64xf32, #tpu.memory_space<vmem>>) dst(%dma_wait3A_18 : memref<10000x64xf32, #tpu.memory_space<vmem_shared>>)
        tpu.yield
      }) : () -> ()
    }
    %scan3A_9 = arith.constant 5 : i32
    %barrier3A_10 = arith.constant 0 : index
    tpu.barrier barrier_id(%barrier3A_10)
    "tpu.region"() ({
      %run_scoped3A = tpu.sem_alloc : memref<!tpu.dma_semaphore, #tpu.memory_space<semaphore_mem>>
      %dma_start3A = arith.constant 0 : i32
      %dma_start3A_11 = arith.constant 0 : i32
      %dma_start3A_12 = tpu.memref_slice %arg5[%arg0, %dma_start3A, %dma_start3A_11] : memref<2x10000x64xf32, #tpu.memory_space<hbm>> -> memref<1x10000x64xf32, #tpu.memory_space<hbm>>
      %dma_start3A_13 = tpu.memref_squeeze %dma_start3A_12 : memref<1x10000x64xf32, #tpu.memory_space<hbm>> -> memref<10000x64xf32, #tpu.memory_space<hbm>>
      %dma_start3A_14 = arith.constant 0 : i32
      %dma_start3A_15 = tpu.memref_slice %dma_start3A_13[%mul3A_4, %dma_start3A_14] : memref<10000x64xf32, #tpu.memory_space<hbm>> -> memref<625x64xf32, #tpu.memory_space<hbm>>
      %dma_start3A_16 = arith.constant 0 : i32
      %dma_start3A_17 = tpu.memref_slice %arg8[%mul3A_4, %dma_start3A_16] : memref<10000x64xf32, #tpu.memory_space<vmem_shared>> -> memref<625x64xf32, #tpu.memory_space<vmem_shared>>
      tpu.enqueue_dma source(%dma_start3A_17 : memref<625x64xf32, #tpu.memory_space<vmem_shared>>) target(%dma_start3A_15 : memref<625x64xf32, #tpu.memory_space<hbm>>) target_semaphore(%run_scoped3A : memref<!tpu.dma_semaphore, #tpu.memory_space<semaphore_mem>>)
      %dma_wait3A = arith.constant 0 : i32
      %dma_wait3A_18 = arith.constant 0 : i32
      %dma_wait3A_19 = tpu.memref_slice %arg5[%arg0, %dma_wait3A, %dma_wait3A_18] : memref<2x10000x64xf32, #tpu.memory_space<hbm>> -> memref<1x10000x64xf32, #tpu.memory_space<hbm>>
      %dma_wait3A_20 = tpu.memref_squeeze %dma_wait3A_19 : memref<1x10000x64xf32, #tpu.memory_space<hbm>> -> memref<10000x64xf32, #tpu.memory_space<hbm>>
      %dma_wait3A_21 = arith.constant 0 : i32
      %dma_wait3A_22 = tpu.memref_slice %dma_wait3A_20[%mul3A_4, %dma_wait3A_21] : memref<10000x64xf32, #tpu.memory_space<hbm>> -> memref<625x64xf32, #tpu.memory_space<hbm>>
      %dma_wait3A_23 = arith.constant 0 : i32
      %dma_wait3A_24 = tpu.memref_slice %arg8[%mul3A_4, %dma_wait3A_23] : memref<10000x64xf32, #tpu.memory_space<vmem_shared>> -> memref<625x64xf32, #tpu.memory_space<vmem_shared>>
      tpu.wait_dma2 semaphore(%run_scoped3A : memref<!tpu.dma_semaphore, #tpu.memory_space<semaphore_mem>>) src(%dma_wait3A_24 : memref<625x64xf32, #tpu.memory_space<vmem_shared>>) dst(%dma_wait3A_22 : memref<625x64xf32, #tpu.memory_space<hbm>>)
      tpu.yield
    }) : () -> ()
    return
  }
}

#map = affine_map<(d0, d1) -> (0, 0)>
#map1 = affine_map<(d0, d1) -> (0)>
#map2 = affine_map<(d0, d1) -> (0, 0, 0)>
module attributes {stable_mosaic.version = 14 : i64} {
  func.func @k(%arg0: i32, %arg1: i32, %arg2: memref<160000x64xf32, #tpu.memory_space<hbm>>, %arg3: memref<160000xi32, #tpu.memory_space<hbm>>, %arg4: memref<10000x64xf32, #tpu.memory_space<hbm>>, %arg5: memref<2x10000x64xf32, #tpu.memory_space<hbm>>, %arg6: memref<1000xi32, #tpu.memory_space<vmem>>, %arg7: memref<1000x64xf32, #tpu.memory_space<vmem>>, %arg8: memref<10000x64xf32, #tpu.memory_space<vmem_shared>>, %arg9: memref<!tpu.dma_semaphore, #tpu.memory_space<semaphore_mem>>) attributes {dimension_semantics = [#tpu.dimension_semantics<core_parallel>, #tpu.dimension_semantics<subcore_parallel>], iteration_bounds = array<i64: 2, 16>, scalar_prefetch = 0 : i64, scratch_operands = 4 : i64, tpu.core_type = #tpu.core_type<sc_vector_subcore>, window_params = [{transform_indices = #map}, {transform_indices = #map1}, {transform_indices = #map}, {transform_indices = #map2}]} {
    %mul3A = arith.constant 2 : i32
    %mul3A_0 = arith.muli %arg1, %mul3A : i32
    %add3A = arith.addi %mul3A_0, %arg0 : i32
    %mul3A_1 = arith.constant 5000 : i32
    %mul3A_2 = arith.muli %add3A, %mul3A_1 : i32
    %mul3A_3 = arith.constant 625 : i32
    %mul3A_4 = arith.muli %arg1, %mul3A_3 : i32
    "tpu.region"() ({
      %run_scoped3A = tpu.sem_alloc : memref<!tpu.dma_semaphore, #tpu.memory_space<semaphore_mem>>
      %dma_start3A = arith.constant 0 : i32
      %dma_start3A_11 = tpu.memref_slice %arg8[%mul3A_4, %dma_start3A] : memref<10000x64xf32, #tpu.memory_space<vmem_shared>> -> memref<625x64xf32, #tpu.memory_space<vmem_shared>>
      %dma_start3A_12 = arith.constant 0 : i32
      %dma_start3A_13 = tpu.memref_slice %arg4[%mul3A_4, %dma_start3A_12] : memref<10000x64xf32, #tpu.memory_space<hbm>> -> memref<625x64xf32, #tpu.memory_space<hbm>>
      tpu.enqueue_dma source(%dma_start3A_13 : memref<625x64xf32, #tpu.memory_space<hbm>>) target(%dma_start3A_11 : memref<625x64xf32, #tpu.memory_space<vmem_shared>>) target_semaphore(%run_scoped3A : memref<!tpu.dma_semaphore, #tpu.memory_space<semaphore_mem>>)
      %dma_wait3A = arith.constant 0 : i32
      %dma_wait3A_14 = tpu.memref_slice %arg8[%mul3A_4, %dma_wait3A] : memref<10000x64xf32, #tpu.memory_space<vmem_shared>> -> memref<625x64xf32, #tpu.memory_space<vmem_shared>>
      %dma_wait3A_15 = arith.constant 0 : i32
      %dma_wait3A_16 = tpu.memref_slice %arg4[%mul3A_4, %dma_wait3A_15] : memref<10000x64xf32, #tpu.memory_space<hbm>> -> memref<625x64xf32, #tpu.memory_space<hbm>>
      tpu.wait_dma2 semaphore(%run_scoped3A : memref<!tpu.dma_semaphore, #tpu.memory_space<semaphore_mem>>) src(%dma_wait3A_16 : memref<625x64xf32, #tpu.memory_space<hbm>>) dst(%dma_wait3A_14 : memref<625x64xf32, #tpu.memory_space<vmem_shared>>)
      tpu.yield
    }) : () -> ()
    %barrier3A = arith.constant 0 : index
    tpu.barrier barrier_id(%barrier3A)
    %scan3A = arith.constant 0 : i32
    %scan3A_5 = arith.constant 0 : i32
    %scan3A_6 = arith.constant 5 : i32
    %scan3A_7 = arith.addi %scan3A_5, %scan3A_6 : i32
    %scan3A_8 = arith.constant 1 : i32
    scf.for %scan3A_11 = %scan3A_5 to %scan3A_7 step %scan3A_8  : i32 {
      %mul3A_12 = arith.constant 1000 : i32
      %mul3A_13 = arith.muli %scan3A_11, %mul3A_12 : i32
      %add3A_14 = arith.addi %mul3A_2, %mul3A_13 : i32
      "tpu.region"() ({
        %run_scoped3A = tpu.sem_alloc : memref<!tpu.dma_semaphore, #tpu.memory_space<semaphore_mem>>
        %dma_start3A = tpu.memref_slice %arg3[%add3A_14] : memref<160000xi32, #tpu.memory_space<hbm>> -> memref<1000xi32, #tpu.memory_space<hbm>>
        %dma_start3A_15 = tpu.memref_slice %arg3[%add3A_14] : memref<160000xi32, #tpu.memory_space<hbm>> -> memref<1000xi32, #tpu.memory_space<hbm>>
        tpu.enqueue_dma source(%dma_start3A_15 : memref<1000xi32, #tpu.memory_space<hbm>>) target(%arg6 : memref<1000xi32, #tpu.memory_space<vmem>>) target_semaphore(%run_scoped3A : memref<!tpu.dma_semaphore, #tpu.memory_space<semaphore_mem>>)
        %dma_wait3A = tpu.memref_slice %arg3[%add3A_14] : memref<160000xi32, #tpu.memory_space<hbm>> -> memref<1000xi32, #tpu.memory_space<hbm>>
        %dma_wait3A_16 = tpu.memref_slice %arg3[%add3A_14] : memref<160000xi32, #tpu.memory_space<hbm>> -> memref<1000xi32, #tpu.memory_space<hbm>>
        tpu.wait_dma2 semaphore(%run_scoped3A : memref<!tpu.dma_semaphore, #tpu.memory_space<semaphore_mem>>) src(%dma_wait3A_16 : memref<1000xi32, #tpu.memory_space<hbm>>) dst(%arg6 : memref<1000xi32, #tpu.memory_space<vmem>>)
        tpu.yield
      }) : () -> ()
      "tpu.region"() ({
        %run_scoped3A = tpu.sem_alloc : memref<!tpu.dma_semaphore, #tpu.memory_space<semaphore_mem>>
        %dma_start3A = arith.constant 0 : i32
        %dma_start3A_15 = tpu.memref_slice %arg2[%add3A_14, %dma_start3A] : memref<160000x64xf32, #tpu.memory_space<hbm>> -> memref<1000x64xf32, #tpu.memory_space<hbm>>
        %dma_start3A_16 = arith.constant 0 : i32
        %dma_start3A_17 = tpu.memref_slice %arg2[%add3A_14, %dma_start3A_16] : memref<160000x64xf32, #tpu.memory_space<hbm>> -> memref<1000x64xf32, #tpu.memory_space<hbm>>
        tpu.enqueue_dma source(%dma_start3A_17 : memref<1000x64xf32, #tpu.memory_space<hbm>>) target(%arg7 : memref<1000x64xf32, #tpu.memory_space<vmem>>) target_semaphore(%run_scoped3A : memref<!tpu.dma_semaphore, #tpu.memory_space<semaphore_mem>>)
        %dma_wait3A = arith.constant 0 : i32
        %dma_wait3A_18 = tpu.memref_slice %arg2[%add3A_14, %dma_wait3A] : memref<160000x64xf32, #tpu.memory_space<hbm>> -> memref<1000x64xf32, #tpu.memory_space<hbm>>
        %dma_wait3A_19 = arith.constant 0 : i32
        %dma_wait3A_20 = tpu.memref_slice %arg2[%add3A_14, %dma_wait3A_19] : memref<160000x64xf32, #tpu.memory_space<hbm>> -> memref<1000x64xf32, #tpu.memory_space<hbm>>
        tpu.wait_dma2 semaphore(%run_scoped3A : memref<!tpu.dma_semaphore, #tpu.memory_space<semaphore_mem>>) src(%dma_wait3A_20 : memref<1000x64xf32, #tpu.memory_space<hbm>>) dst(%arg7 : memref<1000x64xf32, #tpu.memory_space<vmem>>)
        tpu.yield
      }) : () -> ()
      "tpu.region"() ({
        %run_scoped3A = tpu.sem_alloc : memref<!tpu.dma_semaphore, #tpu.memory_space<semaphore_mem>>
        %dma_start3A = arith.constant 0 : i32
        %dma_start3A_15 = arith.constant 0 : i32
        %dma_start3A_16 = tpu.memref_slice %arg8[%dma_start3A, %dma_start3A_15] : memref<10000x64xf32, #tpu.memory_space<vmem_shared>> -> memref<10000x64xf32, #tpu.memory_space<vmem_shared>>
        tpu.enqueue_indirect_dma source(%arg7 : memref<1000x64xf32, #tpu.memory_space<vmem>>) target(%dma_start3A_16 : memref<10000x64xf32, #tpu.memory_space<vmem_shared>>) offsets(%arg6 : memref<1000xi32, #tpu.memory_space<vmem>>) semaphore(%run_scoped3A : memref<!tpu.dma_semaphore, #tpu.memory_space<semaphore_mem>>) {add = true}
        %dma_wait3A = arith.constant 0 : i32
        %dma_wait3A_17 = arith.constant 0 : i32
        %dma_wait3A_18 = tpu.memref_slice %arg8[%dma_wait3A, %dma_wait3A_17] : memref<10000x64xf32, #tpu.memory_space<vmem_shared>> -> memref<10000x64xf32, #tpu.memory_space<vmem_shared>>
        tpu.wait_indirect_dma semaphore(%run_scoped3A : memref<!tpu.dma_semaphore, #tpu.memory_space<semaphore_mem>>) src(%arg7 : memref<1000x64xf32, #tpu.memory_space<vmem>>) dst(%dma_wait3A_18 : memref<10000x64xf32, #tpu.memory_space<vmem_shared>>)
        tpu.yield
      }) : () -> ()
    }
    %scan3A_9 = arith.constant 5 : i32
    %barrier3A_10 = arith.constant 0 : index
    tpu.barrier barrier_id(%barrier3A_10)
    "tpu.region"() ({
      %run_scoped3A = tpu.sem_alloc : memref<!tpu.dma_semaphore, #tpu.memory_space<semaphore_mem>>
      %dma_start3A = arith.constant 0 : i32
      %dma_start3A_11 = arith.constant 0 : i32
      %dma_start3A_12 = tpu.memref_slice %arg5[%arg0, %dma_start3A, %dma_start3A_11] : memref<2x10000x64xf32, #tpu.memory_space<hbm>> -> memref<1x10000x64xf32, #tpu.memory_space<hbm>>
      %dma_start3A_13 = tpu.memref_squeeze %dma_start3A_12 : memref<1x10000x64xf32, #tpu.memory_space<hbm>> -> memref<10000x64xf32, #tpu.memory_space<hbm>>
      %dma_start3A_14 = arith.constant 0 : i32
      %dma_start3A_15 = tpu.memref_slice %dma_start3A_13[%mul3A_4, %dma_start3A_14] : memref<10000x64xf32, #tpu.memory_space<hbm>> -> memref<625x64xf32, #tpu.memory_space<hbm>>
      %dma_start3A_16 = arith.constant 0 : i32
      %dma_start3A_17 = tpu.memref_slice %arg8[%mul3A_4, %dma_start3A_16] : memref<10000x64xf32, #tpu.memory_space<vmem_shared>> -> memref<625x64xf32, #tpu.memory_space<vmem_shared>>
      tpu.enqueue_dma source(%dma_start3A_17 : memref<625x64xf32, #tpu.memory_space<vmem_shared>>) target(%dma_start3A_15 : memref<625x64xf32, #tpu.memory_space<hbm>>) target_semaphore(%run_scoped3A : memref<!tpu.dma_semaphore, #tpu.memory_space<semaphore_mem>>)
      %dma_wait3A = arith.constant 0 : i32
      %dma_wait3A_18 = arith.constant 0 : i32
      %dma_wait3A_19 = tpu.memref_slice %arg5[%arg0, %dma_wait3A, %dma_wait3A_18] : memref<2x10000x64xf32, #tpu.memory_space<hbm>> -> memref<1x10000x64xf32, #tpu.memory_space<hbm>>
      %dma_wait3A_20 = tpu.memref_squeeze %dma_wait3A_19 : memref<1x10000x64xf32, #tpu.memory_space<hbm>> -> memref<10000x64xf32, #tpu.memory_space<hbm>>
      %dma_wait3A_21 = arith.constant 0 : i32
      %dma_wait3A_22 = tpu.memref_slice %dma_wait3A_20[%mul3A_4, %dma_wait3A_21] : memref<10000x64xf32, #tpu.memory_space<hbm>> -> memref<625x64xf32, #tpu.memory_space<hbm>>
      %dma_wait3A_23 = arith.constant 0 : i32
      %dma_wait3A_24 = tpu.memref_slice %arg8[%mul3A_4, %dma_wait3A_23] : memref<10000x64xf32, #tpu.memory_space<vmem_shared>> -> memref<625x64xf32, #tpu.memory_space<vmem_shared>>
      tpu.wait_dma2 semaphore(%run_scoped3A : memref<!tpu.dma_semaphore, #tpu.memory_space<semaphore_mem>>) src(%dma_wait3A_24 : memref<625x64xf32, #tpu.memory_space<vmem_shared>>) dst(%dma_wait3A_22 : memref<625x64xf32, #tpu.memory_space<hbm>>)
      tpu.yield
    }) : () -> ()
    return
  }
}

module attributes {stable_mosaic.version = 14 : i64} {
  func.func @_enc_body(%arg0: i32, %arg1: memref<400x128xf32, #tpu.memory_space<vmem>>, %arg2: memref<3200x8xf32, #tpu.memory_space<vmem>>, %arg3: memref<1x8xf32, #tpu.memory_space<vmem>>, %arg4: memref<8x128xf32, #tpu.memory_space<vmem>>, %arg5: memref<1x128xf32, #tpu.memory_space<vmem>>, %arg6: memref<128x128xf32, #tpu.memory_space<vmem>>, %arg7: memref<1x128xf32, #tpu.memory_space<vmem>>, %arg8: memref<128x64xf32, #tpu.memory_space<vmem>>, %arg9: memref<1x64xf32, #tpu.memory_space<vmem>>, %arg10: memref<64x64xf32, #tpu.memory_space<vmem>>, %arg11: memref<1x64xf32, #tpu.memory_space<vmem>>, %arg12: memref<8x64xf32, #tpu.memory_space<vmem>>, %arg13: memref<1x64xf32, #tpu.memory_space<vmem>>, %arg14: memref<64x64xf32, #tpu.memory_space<vmem>>, %arg15: memref<1x64xf32, #tpu.memory_space<vmem>>, %arg16: memref<64x64xf32, #tpu.memory_space<vmem>>, %arg17: memref<64x64xf32, #tpu.memory_space<vmem>>, %arg18: memref<64x64xf32, #tpu.memory_space<vmem>>, %arg19: memref<64x64xf32, #tpu.memory_space<vmem>>, %arg20: memref<64x64xf32, #tpu.memory_space<vmem>>, %arg21: memref<64x64xf32, #tpu.memory_space<vmem>>, %arg22: memref<1x64xf32, #tpu.memory_space<vmem>>, %arg23: memref<64x64xf32, #tpu.memory_space<vmem>>, %arg24: memref<64x64xf32, #tpu.memory_space<vmem>>, %arg25: memref<1x64xf32, #tpu.memory_space<vmem>>, %arg26: memref<3200x128xf32, #tpu.memory_space<vmem>>, %arg27: memref<400x64xf32, #tpu.memory_space<vmem>>, %arg28: memref<400x64xf32, #tpu.memory_space<vmem>>, %arg29: memref<400x64xf32, #tpu.memory_space<vmem>>, %arg30: memref<1x64xf32, #tpu.memory_space<vmem>>, %arg31: memref<1x64xf32, #tpu.memory_space<vmem>>, %arg32: memref<1x64xf32, #tpu.memory_space<vmem>>) attributes {dimension_semantics = [#tpu.dimension_semantics<arbitrary>], iteration_bounds = array<i64: 25>, scalar_prefetch = 0 : i64, scratch_operands = 0 : i64, tpu.core_type = #tpu.core_type<tc>, window_params = [{transform_indices = @transform_0, window_bounds = array<i64: 400, 128>}, {transform_indices = @transform_1, window_bounds = array<i64: 3200, 8>}, {pipeline_mode = #tpu.pipeline_mode<synchronous>, transform_indices = @transform_2, window_bounds = array<i64: 1, 8>}, {pipeline_mode = #tpu.pipeline_mode<synchronous>, transform_indices = @transform_3, window_bounds = array<i64: 8, 128>}, {pipeline_mode = #tpu.pipeline_mode<synchronous>, transform_indices = @transform_4, window_bounds = array<i64: 1, 128>}, {pipeline_mode = #tpu.pipeline_mode<synchronous>, transform_indices = @transform_5, window_bounds = array<i64: 128, 128>}, {pipeline_mode = #tpu.pipeline_mode<synchronous>, transform_indices = @transform_6, window_bounds = array<i64: 1, 128>}, {pipeline_mode = #tpu.pipeline_mode<synchronous>, transform_indices = @transform_7, window_bounds = array<i64: 128, 64>}, {pipeline_mode = #tpu.pipeline_mode<synchronous>, transform_indices = @transform_8, window_bounds = array<i64: 1, 64>}, {pipeline_mode = #tpu.pipeline_mode<synchronous>, transform_indices = @transform_9, window_bounds = array<i64: 64, 64>}, {pipeline_mode = #tpu.pipeline_mode<synchronous>, transform_indices = @transform_10, window_bounds = array<i64: 1, 64>}, {pipeline_mode = #tpu.pipeline_mode<synchronous>, transform_indices = @transform_11, window_bounds = array<i64: 8, 64>}, {pipeline_mode = #tpu.pipeline_mode<synchronous>, transform_indices = @transform_12, window_bounds = array<i64: 1, 64>}, {pipeline_mode = #tpu.pipeline_mode<synchronous>, transform_indices = @transform_13, window_bounds = array<i64: 64, 64>}, {pipeline_mode = #tpu.pipeline_mode<synchronous>, transform_indices = @transform_14, window_bounds = array<i64: 1, 64>}, {pipeline_mode = #tpu.pipeline_mode<synchronous>, transform_indices = @transform_15, window_bounds = array<i64: 64, 64>}, {pipeline_mode = #tpu.pipeline_mode<synchronous>, transform_indices = @transform_16, window_bounds = array<i64: 64, 64>}, {pipeline_mode = #tpu.pipeline_mode<synchronous>, transform_indices = @transform_17, window_bounds = array<i64: 64, 64>}, {pipeline_mode = #tpu.pipeline_mode<synchronous>, transform_indices = @transform_18, window_bounds = array<i64: 64, 64>}, {pipeline_mode = #tpu.pipeline_mode<synchronous>, transform_indices = @transform_19, window_bounds = array<i64: 64, 64>}, {pipeline_mode = #tpu.pipeline_mode<synchronous>, transform_indices = @transform_20, window_bounds = array<i64: 64, 64>}, {pipeline_mode = #tpu.pipeline_mode<synchronous>, transform_indices = @transform_21, window_bounds = array<i64: 1, 64>}, {pipeline_mode = #tpu.pipeline_mode<synchronous>, transform_indices = @transform_22, window_bounds = array<i64: 64, 64>}, {pipeline_mode = #tpu.pipeline_mode<synchronous>, transform_indices = @transform_23, window_bounds = array<i64: 64, 64>}, {pipeline_mode = #tpu.pipeline_mode<synchronous>, transform_indices = @transform_24, window_bounds = array<i64: 1, 64>}, {transform_indices = @transform_25, window_bounds = array<i64: 3200, 128>}, {transform_indices = @transform_26, window_bounds = array<i64: 400, 64>}, {transform_indices = @transform_27, window_bounds = array<i64: 400, 64>}, {transform_indices = @transform_28, window_bounds = array<i64: 400, 64>}, {pipeline_mode = #tpu.pipeline_mode<synchronous>, transform_indices = @transform_29, window_bounds = array<i64: 1, 64>}, {pipeline_mode = #tpu.pipeline_mode<synchronous>, transform_indices = @transform_30, window_bounds = array<i64: 1, 64>}, {pipeline_mode = #tpu.pipeline_mode<synchronous>, transform_indices = @transform_31, window_bounds = array<i64: 1, 64>}]} {
    %get3A = arith.constant 0 : index
    %get3A_0 = arith.constant 0 : index
    %get3A_1 = vector.load %arg3[%get3A, %get3A_0] : memref<1x8xf32, #tpu.memory_space<vmem>>, vector<1x8xf32>
    %get3A_2 = arith.constant 0 : index
    %get3A_3 = arith.constant 0 : index
    %get3A_4 = vector.load %arg12[%get3A_2, %get3A_3] : memref<8x64xf32, #tpu.memory_space<vmem>>, vector<8x64xf32>
    %dot_general3A = arith.constant dense<0.000000e+00> : vector<1x64xf32>
    %dot_general3A_5 = tpu.matmul %get3A_1, %get3A_4, %dot_general3A {dimension_numbers = #tpu.dot_dimension_numbers<[1], [0], [0], [1], [0, 0, 1, 1], [], []>, transpose_lhs_hint = false} : vector<1x8xf32>, vector<8x64xf32>, vector<1x64xf32> -> vector<1x64xf32>
    %get3A_6 = arith.constant 0 : index
    %get3A_7 = arith.constant 0 : index
    %get3A_8 = vector.load %arg13[%get3A_6, %get3A_7] : memref<1x64xf32, #tpu.memory_space<vmem>>, vector<1x64xf32>
    %add3A = arith.addf %dot_general3A_5, %get3A_8 : vector<1x64xf32>
    %max3A = arith.constant 0.000000e+00 : f32
    %max3A_9 = vector.broadcast %max3A : f32 to vector<1x64xf32>
    %max3A_10 = arith.maximumf %add3A, %max3A_9 : vector<1x64xf32>
    %abs3A = math.absf %add3A : vector<1x64xf32>
    %neg3A = arith.constant 0.000000e+00 : f32
    %neg3A_11 = vector.broadcast %neg3A : f32 to vector<1x64xf32>
    %neg3A_12 = arith.subf %neg3A_11, %abs3A : vector<1x64xf32>
    %exp3A = math.exp %neg3A_12 : vector<1x64xf32>
    %log1p3A = math.log1p %exp3A : vector<1x64xf32>
    %add3A_13 = arith.addf %max3A_10, %log1p3A : vector<1x64xf32>
    %get3A_14 = arith.constant 0 : index
    %get3A_15 = arith.constant 0 : index
    %get3A_16 = vector.load %arg14[%get3A_14, %get3A_15] : memref<64x64xf32, #tpu.memory_space<vmem>>, vector<64x64xf32>
    %dot_general3A_17 = arith.constant dense<0.000000e+00> : vector<1x64xf32>
    %dot_general3A_18 = tpu.matmul %add3A_13, %get3A_16, %dot_general3A_17 {dimension_numbers = #tpu.dot_dimension_numbers<[1], [0], [0], [1], [0, 0, 1, 1], [], []>, transpose_lhs_hint = false} : vector<1x64xf32>, vector<64x64xf32>, vector<1x64xf32> -> vector<1x64xf32>
    %get3A_19 = arith.constant 0 : index
    %get3A_20 = arith.constant 0 : index
    %get3A_21 = vector.load %arg15[%get3A_19, %get3A_20] : memref<1x64xf32, #tpu.memory_space<vmem>>, vector<1x64xf32>
    %add3A_22 = arith.addf %dot_general3A_18, %get3A_21 : vector<1x64xf32>
    %max3A_23 = arith.constant 0.000000e+00 : f32
    %max3A_24 = vector.broadcast %max3A_23 : f32 to vector<1x64xf32>
    %max3A_25 = arith.maximumf %add3A_22, %max3A_24 : vector<1x64xf32>
    %abs3A_26 = math.absf %add3A_22 : vector<1x64xf32>
    %neg3A_27 = arith.constant 0.000000e+00 : f32
    %neg3A_28 = vector.broadcast %neg3A_27 : f32 to vector<1x64xf32>
    %neg3A_29 = arith.subf %neg3A_28, %abs3A_26 : vector<1x64xf32>
    %exp3A_30 = math.exp %neg3A_29 : vector<1x64xf32>
    %log1p3A_31 = math.log1p %exp3A_30 : vector<1x64xf32>
    %add3A_32 = arith.addf %max3A_25, %log1p3A_31 : vector<1x64xf32>
    %swap3A = arith.constant 0 : index
    %swap3A_33 = arith.constant 0 : index
    %swap3A_34 = vector.load %arg32[%swap3A, %swap3A_33] : memref<1x64xf32, #tpu.memory_space<vmem>>, vector<1x64xf32>
    tpu.vector_store %arg32[%swap3A, %swap3A_33], %add3A_32 {strides = array<i32>} : memref<1x64xf32, #tpu.memory_space<vmem>>, vector<1x64xf32>,
    %get3A_35 = arith.constant 0 : index
    %get3A_36 = arith.constant 0 : index
    %get3A_37 = vector.load %arg1[%get3A_35, %get3A_36] : memref<400x128xf32, #tpu.memory_space<vmem>>, vector<400x128xf32>
    %get3A_38 = arith.constant 0 : index
    %get3A_39 = arith.constant 0 : index
    %get3A_40 = vector.load %arg8[%get3A_38, %get3A_39] : memref<128x64xf32, #tpu.memory_space<vmem>>, vector<128x64xf32>
    %dot_general3A_41 = arith.constant dense<0.000000e+00> : vector<400x64xf32>
    %dot_general3A_42 = tpu.matmul %get3A_37, %get3A_40, %dot_general3A_41 {dimension_numbers = #tpu.dot_dimension_numbers<[1], [0], [0], [1], [0, 0, 1, 1], [], []>, transpose_lhs_hint = false} : vector<400x128xf32>, vector<128x64xf32>, vector<400x64xf32> -> vector<400x64xf32>
    %get3A_43 = arith.constant 0 : index
    %get3A_44 = arith.constant 0 : index
    %get3A_45 = vector.load %arg9[%get3A_43, %get3A_44] : memref<1x64xf32, #tpu.memory_space<vmem>>, vector<1x64xf32>
    %add3A_46 = vector.broadcast %get3A_45 : vector<1x64xf32> to vector<400x64xf32>
    %add3A_47 = arith.addf %dot_general3A_42, %add3A_46 : vector<400x64xf32>
    %max3A_48 = arith.constant 0.000000e+00 : f32
    %max3A_49 = vector.broadcast %max3A_48 : f32 to vector<400x64xf32>
    %max3A_50 = arith.maximumf %add3A_47, %max3A_49 : vector<400x64xf32>
    %abs3A_51 = math.absf %add3A_47 : vector<400x64xf32>
    %neg3A_52 = arith.constant 0.000000e+00 : f32
    %neg3A_53 = vector.broadcast %neg3A_52 : f32 to vector<400x64xf32>
    %neg3A_54 = arith.subf %neg3A_53, %abs3A_51 : vector<400x64xf32>
    %exp3A_55 = math.exp %neg3A_54 : vector<400x64xf32>
    %log1p3A_56 = math.log1p %exp3A_55 : vector<400x64xf32>
    %add3A_57 = arith.addf %max3A_50, %log1p3A_56 : vector<400x64xf32>
    %get3A_58 = arith.constant 0 : index
    %get3A_59 = arith.constant 0 : index
    %get3A_60 = vector.load %arg10[%get3A_58, %get3A_59] : memref<64x64xf32, #tpu.memory_space<vmem>>, vector<64x64xf32>
    %dot_general3A_61 = arith.constant dense<0.000000e+00> : vector<400x64xf32>
    %dot_general3A_62 = tpu.matmul %add3A_57, %get3A_60, %dot_general3A_61 {dimension_numbers = #tpu.dot_dimension_numbers<[1], [0], [0], [1], [0, 0, 1, 1], [], []>, transpose_lhs_hint = false} : vector<400x64xf32>, vector<64x64xf32>, vector<400x64xf32> -> vector<400x64xf32>
    %get3A_63 = arith.constant 0 : index
    %get3A_64 = arith.constant 0 : index
    %get3A_65 = vector.load %arg11[%get3A_63, %get3A_64] : memref<1x64xf32, #tpu.memory_space<vmem>>, vector<1x64xf32>
    %add3A_66 = vector.broadcast %get3A_65 : vector<1x64xf32> to vector<400x64xf32>
    %add3A_67 = arith.addf %dot_general3A_62, %add3A_66 : vector<400x64xf32>
    %max3A_68 = arith.constant 0.000000e+00 : f32
    %max3A_69 = vector.broadcast %max3A_68 : f32 to vector<400x64xf32>
    %max3A_70 = arith.maximumf %add3A_67, %max3A_69 : vector<400x64xf32>
    %abs3A_71 = math.absf %add3A_67 : vector<400x64xf32>
    %neg3A_72 = arith.constant 0.000000e+00 : f32
    %neg3A_73 = vector.broadcast %neg3A_72 : f32 to vector<400x64xf32>
    %neg3A_74 = arith.subf %neg3A_73, %abs3A_71 : vector<400x64xf32>
    %exp3A_75 = math.exp %neg3A_74 : vector<400x64xf32>
    %log1p3A_76 = math.log1p %exp3A_75 : vector<400x64xf32>
    %add3A_77 = arith.addf %max3A_70, %log1p3A_76 : vector<400x64xf32>
    %swap3A_78 = arith.constant 0 : index
    %swap3A_79 = arith.constant 0 : index
    %swap3A_80 = vector.load %arg27[%swap3A_78, %swap3A_79] : memref<400x64xf32, #tpu.memory_space<vmem>>, vector<400x64xf32>
    tpu.vector_store %arg27[%swap3A_78, %swap3A_79], %add3A_77 {strides = array<i32>} : memref<400x64xf32, #tpu.memory_space<vmem>>, vector<400x64xf32>,
    %get3A_81 = arith.constant 0 : index
    %get3A_82 = arith.constant 0 : index
    %get3A_83 = vector.load %arg2[%get3A_81, %get3A_82] : memref<3200x8xf32, #tpu.memory_space<vmem>>, vector<3200x8xf32>
    %get3A_84 = arith.constant 0 : index
    %get3A_85 = arith.constant 0 : index
    %get3A_86 = vector.load %arg4[%get3A_84, %get3A_85] : memref<8x128xf32, #tpu.memory_space<vmem>>, vector<8x128xf32>
    %dot_general3A_87 = arith.constant dense<0.000000e+00> : vector<3200x128xf32>
    %dot_general3A_88 = tpu.matmul %get3A_83, %get3A_86, %dot_general3A_87 {dimension_numbers = #tpu.dot_dimension_numbers<[1], [0], [0], [1], [0, 0, 1, 1], [], []>, transpose_lhs_hint = false} : vector<3200x8xf32>, vector<8x128xf32>, vector<3200x128xf32> -> vector<3200x128xf32>
    %get3A_89 = arith.constant 0 : index
    %get3A_90 = arith.constant 0 : index
    %get3A_91 = vector.load %arg5[%get3A_89, %get3A_90] : memref<1x128xf32, #tpu.memory_space<vmem>>, vector<1x128xf32>
    %add3A_92 = vector.broadcast %get3A_91 : vector<1x128xf32> to vector<3200x128xf32>
    %add3A_93 = arith.addf %dot_general3A_88, %add3A_92 : vector<3200x128xf32>
    %max3A_94 = arith.constant 0.000000e+00 : f32
    %max3A_95 = vector.broadcast %max3A_94 : f32 to vector<3200x128xf32>
    %max3A_96 = arith.maximumf %add3A_93, %max3A_95 : vector<3200x128xf32>
    %abs3A_97 = math.absf %add3A_93 : vector<3200x128xf32>
    %neg3A_98 = arith.constant 0.000000e+00 : f32
    %neg3A_99 = vector.broadcast %neg3A_98 : f32 to vector<3200x128xf32>
    %neg3A_100 = arith.subf %neg3A_99, %abs3A_97 : vector<3200x128xf32>
    %exp3A_101 = math.exp %neg3A_100 : vector<3200x128xf32>
    %log1p3A_102 = math.log1p %exp3A_101 : vector<3200x128xf32>
    %add3A_103 = arith.addf %max3A_96, %log1p3A_102 : vector<3200x128xf32>
    %get3A_104 = arith.constant 0 : index
    %get3A_105 = arith.constant 0 : index
    %get3A_106 = vector.load %arg6[%get3A_104, %get3A_105] : memref<128x128xf32, #tpu.memory_space<vmem>>, vector<128x128xf32>
    %dot_general3A_107 = arith.constant dense<0.000000e+00> : vector<3200x128xf32>
    %dot_general3A_108 = tpu.matmul %add3A_103, %get3A_106, %dot_general3A_107 {dimension_numbers = #tpu.dot_dimension_numbers<[1], [0], [0], [1], [0, 0, 1, 1], [], []>, transpose_lhs_hint = false} : vector<3200x128xf32>, vector<128x128xf32>, vector<3200x128xf32> -> vector<3200x128xf32>
    %get3A_109 = arith.constant 0 : index
    %get3A_110 = arith.constant 0 : index
    %get3A_111 = vector.load %arg7[%get3A_109, %get3A_110] : memref<1x128xf32, #tpu.memory_space<vmem>>, vector<1x128xf32>
    %add3A_112 = vector.broadcast %get3A_111 : vector<1x128xf32> to vector<3200x128xf32>
    %add3A_113 = arith.addf %dot_general3A_108, %add3A_112 : vector<3200x128xf32>
    %max3A_114 = arith.constant 0.000000e+00 : f32
    %max3A_115 = vector.broadcast %max3A_114 : f32 to vector<3200x128xf32>
    %max3A_116 = arith.maximumf %add3A_113, %max3A_115 : vector<3200x128xf32>
    %abs3A_117 = math.absf %add3A_113 : vector<3200x128xf32>
    %neg3A_118 = arith.constant 0.000000e+00 : f32
    %neg3A_119 = vector.broadcast %neg3A_118 : f32 to vector<3200x128xf32>
    %neg3A_120 = arith.subf %neg3A_119, %abs3A_117 : vector<3200x128xf32>
    %exp3A_121 = math.exp %neg3A_120 : vector<3200x128xf32>
    %log1p3A_122 = math.log1p %exp3A_121 : vector<3200x128xf32>
    %add3A_123 = arith.addf %max3A_116, %log1p3A_122 : vector<3200x128xf32>
    %swap3A_124 = arith.constant 0 : index
    %swap3A_125 = arith.constant 0 : index
    %swap3A_126 = vector.load %arg26[%swap3A_124, %swap3A_125] : memref<3200x128xf32, #tpu.memory_space<vmem>>, vector<3200x128xf32>
    tpu.vector_store %arg26[%swap3A_124, %swap3A_125], %add3A_123 {strides = array<i32>} : memref<3200x128xf32, #tpu.memory_space<vmem>>, vector<3200x128xf32>,
    %get3A_127 = arith.constant 0 : index
    %get3A_128 = arith.constant 0 : index
    %get3A_129 = vector.load %arg16[%get3A_127, %get3A_128] : memref<64x64xf32, #tpu.memory_space<vmem>>, vector<64x64xf32>
    %dot_general3A_130 = arith.constant dense<0.000000e+00> : vector<400x64xf32>
    %dot_general3A_131 = tpu.matmul %add3A_77, %get3A_129, %dot_general3A_130 {dimension_numbers = #tpu.dot_dimension_numbers<[1], [0], [0], [1], [0, 0, 1, 1], [], []>, transpose_lhs_hint = false} : vector<400x64xf32>, vector<64x64xf32>, vector<400x64xf32> -> vector<400x64xf32>
    %get3A_132 = arith.constant 0 : index
    %get3A_133 = arith.constant 0 : index
    %get3A_134 = vector.load %arg17[%get3A_132, %get3A_133] : memref<64x64xf32, #tpu.memory_space<vmem>>, vector<64x64xf32>
    %dot_general3A_135 = arith.constant dense<0.000000e+00> : vector<400x64xf32>
    %dot_general3A_136 = tpu.matmul %add3A_77, %get3A_134, %dot_general3A_135 {dimension_numbers = #tpu.dot_dimension_numbers<[1], [0], [0], [1], [0, 0, 1, 1], [], []>, transpose_lhs_hint = false} : vector<400x64xf32>, vector<64x64xf32>, vector<400x64xf32> -> vector<400x64xf32>
    %add3A_137 = arith.addf %dot_general3A_131, %dot_general3A_136 : vector<400x64xf32>
    %swap3A_138 = arith.constant 0 : index
    %swap3A_139 = arith.constant 0 : index
    %swap3A_140 = vector.load %arg28[%swap3A_138, %swap3A_139] : memref<400x64xf32, #tpu.memory_space<vmem>>, vector<400x64xf32>
    tpu.vector_store %arg28[%swap3A_138, %swap3A_139], %add3A_137 {strides = array<i32>} : memref<400x64xf32, #tpu.memory_space<vmem>>, vector<400x64xf32>,
    %get3A_141 = arith.constant 0 : index
    %get3A_142 = arith.constant 0 : index
    %get3A_143 = vector.load %arg18[%get3A_141, %get3A_142] : memref<64x64xf32, #tpu.memory_space<vmem>>, vector<64x64xf32>
    %dot_general3A_144 = arith.constant dense<0.000000e+00> : vector<400x64xf32>
    %dot_general3A_145 = tpu.matmul %add3A_77, %get3A_143, %dot_general3A_144 {dimension_numbers = #tpu.dot_dimension_numbers<[1], [0], [0], [1], [0, 0, 1, 1], [], []>, transpose_lhs_hint = false} : vector<400x64xf32>, vector<64x64xf32>, vector<400x64xf32> -> vector<400x64xf32>
    %get3A_146 = arith.constant 0 : index
    %get3A_147 = arith.constant 0 : index
    %get3A_148 = vector.load %arg19[%get3A_146, %get3A_147] : memref<64x64xf32, #tpu.memory_space<vmem>>, vector<64x64xf32>
    %dot_general3A_149 = arith.constant dense<0.000000e+00> : vector<400x64xf32>
    %dot_general3A_150 = tpu.matmul %add3A_77, %get3A_148, %dot_general3A_149 {dimension_numbers = #tpu.dot_dimension_numbers<[1], [0], [0], [1], [0, 0, 1, 1], [], []>, transpose_lhs_hint = false} : vector<400x64xf32>, vector<64x64xf32>, vector<400x64xf32> -> vector<400x64xf32>
    %add3A_151 = arith.addf %dot_general3A_145, %dot_general3A_150 : vector<400x64xf32>
    %swap3A_152 = arith.constant 0 : index
    %swap3A_153 = arith.constant 0 : index
    %swap3A_154 = vector.load %arg29[%swap3A_152, %swap3A_153] : memref<400x64xf32, #tpu.memory_space<vmem>>, vector<400x64xf32>
    tpu.vector_store %arg29[%swap3A_152, %swap3A_153], %add3A_151 {strides = array<i32>} : memref<400x64xf32, #tpu.memory_space<vmem>>, vector<400x64xf32>,
    %get3A_155 = arith.constant 0 : index
    %get3A_156 = arith.constant 0 : index
    %get3A_157 = vector.load %arg20[%get3A_155, %get3A_156] : memref<64x64xf32, #tpu.memory_space<vmem>>, vector<64x64xf32>
    %dot_general3A_158 = arith.constant dense<0.000000e+00> : vector<1x64xf32>
    %dot_general3A_159 = tpu.matmul %add3A_32, %get3A_157, %dot_general3A_158 {dimension_numbers = #tpu.dot_dimension_numbers<[1], [0], [0], [1], [0, 0, 1, 1], [], []>, transpose_lhs_hint = false} : vector<1x64xf32>, vector<64x64xf32>, vector<1x64xf32> -> vector<1x64xf32>
    %get3A_160 = arith.constant 0 : index
    %get3A_161 = arith.constant 0 : index
    %get3A_162 = vector.load %arg21[%get3A_160, %get3A_161] : memref<64x64xf32, #tpu.memory_space<vmem>>, vector<64x64xf32>
    %dot_general3A_163 = arith.constant dense<0.000000e+00> : vector<1x64xf32>
    %dot_general3A_164 = tpu.matmul %add3A_32, %get3A_162, %dot_general3A_163 {dimension_numbers = #tpu.dot_dimension_numbers<[1], [0], [0], [1], [0, 0, 1, 1], [], []>, transpose_lhs_hint = false} : vector<1x64xf32>, vector<64x64xf32>, vector<1x64xf32> -> vector<1x64xf32>
    %add3A_165 = arith.addf %dot_general3A_159, %dot_general3A_164 : vector<1x64xf32>
    %get3A_166 = arith.constant 0 : index
    %get3A_167 = arith.constant 0 : index
    %get3A_168 = vector.load %arg22[%get3A_166, %get3A_167] : memref<1x64xf32, #tpu.memory_space<vmem>>, vector<1x64xf32>
    %add3A_169 = arith.addf %add3A_165, %get3A_168 : vector<1x64xf32>
    %swap3A_170 = arith.constant 0 : index
    %swap3A_171 = arith.constant 0 : index
    %swap3A_172 = vector.load %arg30[%swap3A_170, %swap3A_171] : memref<1x64xf32, #tpu.memory_space<vmem>>, vector<1x64xf32>
    tpu.vector_store %arg30[%swap3A_170, %swap3A_171], %add3A_169 {strides = array<i32>} : memref<1x64xf32, #tpu.memory_space<vmem>>, vector<1x64xf32>,
    %get3A_173 = arith.constant 0 : index
    %get3A_174 = arith.constant 0 : index
    %get3A_175 = vector.load %arg23[%get3A_173, %get3A_174] : memref<64x64xf32, #tpu.memory_space<vmem>>, vector<64x64xf32>
    %dot_general3A_176 = arith.constant dense<0.000000e+00> : vector<1x64xf32>
    %dot_general3A_177 = tpu.matmul %add3A_32, %get3A_175, %dot_general3A_176 {dimension_numbers = #tpu.dot_dimension_numbers<[1], [0], [0], [1], [0, 0, 1, 1], [], []>, transpose_lhs_hint = false} : vector<1x64xf32>, vector<64x64xf32>, vector<1x64xf32> -> vector<1x64xf32>
    %get3A_178 = arith.constant 0 : index
    %get3A_179 = arith.constant 0 : index
    %get3A_180 = vector.load %arg24[%get3A_178, %get3A_179] : memref<64x64xf32, #tpu.memory_space<vmem>>, vector<64x64xf32>
    %dot_general3A_181 = arith.constant dense<0.000000e+00> : vector<1x64xf32>
    %dot_general3A_182 = tpu.matmul %add3A_32, %get3A_180, %dot_general3A_181 {dimension_numbers = #tpu.dot_dimension_numbers<[1], [0], [0], [1], [0, 0, 1, 1], [], []>, transpose_lhs_hint = false} : vector<1x64xf32>, vector<64x64xf32>, vector<1x64xf32> -> vector<1x64xf32>
    %add3A_183 = arith.addf %dot_general3A_177, %dot_general3A_182 : vector<1x64xf32>
    %get3A_184 = arith.constant 0 : index
    %get3A_185 = arith.constant 0 : index
    %get3A_186 = vector.load %arg25[%get3A_184, %get3A_185] : memref<1x64xf32, #tpu.memory_space<vmem>>, vector<1x64xf32>
    %add3A_187 = arith.addf %add3A_183, %get3A_186 : vector<1x64xf32>
    %swap3A_188 = arith.constant 0 : index
    %swap3A_189 = arith.constant 0 : index
    %swap3A_190 = vector.load %arg31[%swap3A_188, %swap3A_189] : memref<1x64xf32, #tpu.memory_space<vmem>>, vector<1x64xf32>
    tpu.vector_store %arg31[%swap3A_188, %swap3A_189], %add3A_187 {strides = array<i32>} : memref<1x64xf32, #tpu.memory_space<vmem>>, vector<1x64xf32>,
    return
  }
  func.func @transform_0(%arg0: i32) -> (i32, i32) {
    %c0_i32 = arith.constant 0 : i32
    %c0_i32_0 = arith.constant 0 : i32
    return %arg0, %c0_i32 : i32, i32
  }
  func.func @transform_1(%arg0: i32) -> (i32, i32) {
    %c0_i32 = arith.constant 0 : i32
    %c0_i32_0 = arith.constant 0 : i32
    return %arg0, %c0_i32 : i32, i32
  }
  func.func @transform_2(%arg0: i32) -> (i32, i32) {
    %c0_i32 = arith.constant 0 : i32
    %c0_i32_0 = arith.constant 0 : i32
    %c0_i32_1 = arith.constant 0 : i32
    return %c0_i32, %c0_i32_0 : i32, i32
  }
  func.func @transform_3(%arg0: i32) -> (i32, i32) {
    %c0_i32 = arith.constant 0 : i32
    %c0_i32_0 = arith.constant 0 : i32
    %c0_i32_1 = arith.constant 0 : i32
    return %c0_i32, %c0_i32_0 : i32, i32
  }
  func.func @transform_4(%arg0: i32) -> (i32, i32) {
    %c0_i32 = arith.constant 0 : i32
    %c0_i32_0 = arith.constant 0 : i32
    %c0_i32_1 = arith.constant 0 : i32
    return %c0_i32, %c0_i32_0 : i32, i32
  }
  func.func @transform_5(%arg0: i32) -> (i32, i32) {
    %c0_i32 = arith.constant 0 : i32
    %c0_i32_0 = arith.constant 0 : i32
    %c0_i32_1 = arith.constant 0 : i32
    return %c0_i32, %c0_i32_0 : i32, i32
  }
  func.func @transform_6(%arg0: i32) -> (i32, i32) {
    %c0_i32 = arith.constant 0 : i32
    %c0_i32_0 = arith.constant 0 : i32
    %c0_i32_1 = arith.constant 0 : i32
    return %c0_i32, %c0_i32_0 : i32, i32
  }
  func.func @transform_7(%arg0: i32) -> (i32, i32) {
    %c0_i32 = arith.constant 0 : i32
    %c0_i32_0 = arith.constant 0 : i32
    %c0_i32_1 = arith.constant 0 : i32
    return %c0_i32, %c0_i32_0 : i32, i32
  }
  func.func @transform_8(%arg0: i32) -> (i32, i32) {
    %c0_i32 = arith.constant 0 : i32
    %c0_i32_0 = arith.constant 0 : i32
    %c0_i32_1 = arith.constant 0 : i32
    return %c0_i32, %c0_i32_0 : i32, i32
  }
  func.func @transform_9(%arg0: i32) -> (i32, i32) {
    %c0_i32 = arith.constant 0 : i32
    %c0_i32_0 = arith.constant 0 : i32
    %c0_i32_1 = arith.constant 0 : i32
    return %c0_i32, %c0_i32_0 : i32, i32
  }
  func.func @transform_10(%arg0: i32) -> (i32, i32) {
    %c0_i32 = arith.constant 0 : i32
    %c0_i32_0 = arith.constant 0 : i32
    %c0_i32_1 = arith.constant 0 : i32
    return %c0_i32, %c0_i32_0 : i32, i32
  }
  func.func @transform_11(%arg0: i32) -> (i32, i32) {
    %c0_i32 = arith.constant 0 : i32
    %c0_i32_0 = arith.constant 0 : i32
    %c0_i32_1 = arith.constant 0 : i32
    return %c0_i32, %c0_i32_0 : i32, i32
  }
  func.func @transform_12(%arg0: i32) -> (i32, i32) {
    %c0_i32 = arith.constant 0 : i32
    %c0_i32_0 = arith.constant 0 : i32
    %c0_i32_1 = arith.constant 0 : i32
    return %c0_i32, %c0_i32_0 : i32, i32
  }
  func.func @transform_13(%arg0: i32) -> (i32, i32) {
    %c0_i32 = arith.constant 0 : i32
    %c0_i32_0 = arith.constant 0 : i32
    %c0_i32_1 = arith.constant 0 : i32
    return %c0_i32, %c0_i32_0 : i32, i32
  }
  func.func @transform_14(%arg0: i32) -> (i32, i32) {
    %c0_i32 = arith.constant 0 : i32
    %c0_i32_0 = arith.constant 0 : i32
    %c0_i32_1 = arith.constant 0 : i32
    return %c0_i32, %c0_i32_0 : i32, i32
  }
  func.func @transform_15(%arg0: i32) -> (i32, i32) {
    %c0_i32 = arith.constant 0 : i32
    %c0_i32_0 = arith.constant 0 : i32
    %c0_i32_1 = arith.constant 0 : i32
    return %c0_i32, %c0_i32_0 : i32, i32
  }
  func.func @transform_16(%arg0: i32) -> (i32, i32) {
    %c0_i32 = arith.constant 0 : i32
    %c0_i32_0 = arith.constant 0 : i32
    %c0_i32_1 = arith.constant 0 : i32
    return %c0_i32, %c0_i32_0 : i32, i32
  }
  func.func @transform_17(%arg0: i32) -> (i32, i32) {
    %c0_i32 = arith.constant 0 : i32
    %c0_i32_0 = arith.constant 0 : i32
    %c0_i32_1 = arith.constant 0 : i32
    return %c0_i32, %c0_i32_0 : i32, i32
  }
  func.func @transform_18(%arg0: i32) -> (i32, i32) {
    %c0_i32 = arith.constant 0 : i32
    %c0_i32_0 = arith.constant 0 : i32
    %c0_i32_1 = arith.constant 0 : i32
    return %c0_i32, %c0_i32_0 : i32, i32
  }
  func.func @transform_19(%arg0: i32) -> (i32, i32) {
    %c0_i32 = arith.constant 0 : i32
    %c0_i32_0 = arith.constant 0 : i32
    %c0_i32_1 = arith.constant 0 : i32
    return %c0_i32, %c0_i32_0 : i32, i32
  }
  func.func @transform_20(%arg0: i32) -> (i32, i32) {
    %c0_i32 = arith.constant 0 : i32
    %c0_i32_0 = arith.constant 0 : i32
    %c0_i32_1 = arith.constant 0 : i32
    return %c0_i32, %c0_i32_0 : i32, i32
  }
  func.func @transform_21(%arg0: i32) -> (i32, i32) {
    %c0_i32 = arith.constant 0 : i32
    %c0_i32_0 = arith.constant 0 : i32
    %c0_i32_1 = arith.constant 0 : i32
    return %c0_i32, %c0_i32_0 : i32, i32
  }
  func.func @transform_22(%arg0: i32) -> (i32, i32) {
    %c0_i32 = arith.constant 0 : i32
    %c0_i32_0 = arith.constant 0 : i32
    %c0_i32_1 = arith.constant 0 : i32
    return %c0_i32, %c0_i32_0 : i32, i32
  }
  func.func @transform_23(%arg0: i32) -> (i32, i32) {
    %c0_i32 = arith.constant 0 : i32
    %c0_i32_0 = arith.constant 0 : i32
    %c0_i32_1 = arith.constant 0 : i32
    return %c0_i32, %c0_i32_0 : i32, i32
  }
  func.func @transform_24(%arg0: i32) -> (i32, i32) {
    %c0_i32 = arith.constant 0 : i32
    %c0_i32_0 = arith.constant 0 : i32
    %c0_i32_1 = arith.constant 0 : i32
    return %c0_i32, %c0_i32_0 : i32, i32
  }
  func.func @transform_25(%arg0: i32) -> (i32, i32) {
    %c0_i32 = arith.constant 0 : i32
    %c0_i32_0 = arith.constant 0 : i32
    return %arg0, %c0_i32 : i32, i32
  }
  func.func @transform_26(%arg0: i32) -> (i32, i32) {
    %c0_i32 = arith.constant 0 : i32
    %c0_i32_0 = arith.constant 0 : i32
    return %arg0, %c0_i32 : i32, i32
  }
  func.func @transform_27(%arg0: i32) -> (i32, i32) {
    %c0_i32 = arith.constant 0 : i32
    %c0_i32_0 = arith.constant 0 : i32
    return %arg0, %c0_i32 : i32, i32
  }
  func.func @transform_28(%arg0: i32) -> (i32, i32) {
    %c0_i32 = arith.constant 0 : i32
    %c0_i32_0 = arith.constant 0 : i32
    return %arg0, %c0_i32 : i32, i32
  }
  func.func @transform_29(%arg0: i32) -> (i32, i32) {
    %c0_i32 = arith.constant 0 : i32
    %c0_i32_0 = arith.constant 0 : i32
    %c0_i32_1 = arith.constant 0 : i32
    return %c0_i32, %c0_i32_0 : i32, i32
  }
  func.func @transform_30(%arg0: i32) -> (i32, i32) {
    %c0_i32 = arith.constant 0 : i32
    %c0_i32_0 = arith.constant 0 : i32
    %c0_i32_1 = arith.constant 0 : i32
    return %c0_i32, %c0_i32_0 : i32, i32
  }
  func.func @transform_31(%arg0: i32) -> (i32, i32) {
    %c0_i32 = arith.constant 0 : i32
    %c0_i32_0 = arith.constant 0 : i32
    %c0_i32_1 = arith.constant 0 : i32
    return %c0_i32, %c0_i32_0 : i32, i32
  }
}

module attributes {stable_mosaic.version = 14 : i64} {
  func.func @_edge0_body(%arg0: i32, %arg1: memref<3200x128xf32, #tpu.memory_space<vmem>>, %arg2: memref<3200x128xf32, #tpu.memory_space<vmem>>, %arg3: memref<400x64xf32, #tpu.memory_space<vmem>>, %arg4: memref<1x64xf32, #tpu.memory_space<vmem>>, %arg5: memref<128x128xf32, #tpu.memory_space<vmem>>, %arg6: memref<128x128xf32, #tpu.memory_space<vmem>>, %arg7: memref<128x128xf32, #tpu.memory_space<vmem>>, %arg8: memref<1x128xf32, #tpu.memory_space<vmem>>, %arg9: memref<3200x128xf32, #tpu.memory_space<vmem>>, %arg10: memref<400x128xf32, #tpu.memory_space<vmem>>) attributes {dimension_semantics = [#tpu.dimension_semantics<arbitrary>], iteration_bounds = array<i64: 25>, scalar_prefetch = 0 : i64, scratch_operands = 0 : i64, tpu.core_type = #tpu.core_type<tc>, window_params = [{transform_indices = @transform_0, window_bounds = array<i64: 3200, 128>}, {transform_indices = @transform_1, window_bounds = array<i64: 3200, 128>}, {transform_indices = @transform_2, window_bounds = array<i64: 400, 64>}, {pipeline_mode = #tpu.pipeline_mode<synchronous>, transform_indices = @transform_3, window_bounds = array<i64: 1, 64>}, {pipeline_mode = #tpu.pipeline_mode<synchronous>, transform_indices = @transform_4, window_bounds = array<i64: 128, 128>}, {pipeline_mode = #tpu.pipeline_mode<synchronous>, transform_indices = @transform_5, window_bounds = array<i64: 128, 128>}, {pipeline_mode = #tpu.pipeline_mode<synchronous>, transform_indices = @transform_6, window_bounds = array<i64: 128, 128>}, {pipeline_mode = #tpu.pipeline_mode<synchronous>, transform_indices = @transform_7, window_bounds = array<i64: 1, 128>}, {transform_indices = @transform_8, window_bounds = array<i64: 3200, 128>}, {transform_indices = @transform_9, window_bounds = array<i64: 400, 128>}]} {
    %get3A = arith.constant 0 : index
    %get3A_0 = arith.constant 0 : index
    %get3A_1 = vector.load %arg1[%get3A, %get3A_0] : memref<3200x128xf32, #tpu.memory_space<vmem>>, vector<3200x128xf32>
    %get3A_2 = arith.constant 0 : index
    %get3A_3 = arith.constant 0 : index
    %get3A_4 = vector.load %arg5[%get3A_2, %get3A_3] : memref<128x128xf32, #tpu.memory_space<vmem>>, vector<128x128xf32>
    %dot_general3A = arith.constant dense<0.000000e+00> : vector<3200x128xf32>
    %dot_general3A_5 = tpu.matmul %get3A_1, %get3A_4, %dot_general3A {dimension_numbers = #tpu.dot_dimension_numbers<[1], [0], [0], [1], [0, 0, 1, 1], [], []>, transpose_lhs_hint = false} : vector<3200x128xf32>, vector<128x128xf32>, vector<3200x128xf32> -> vector<3200x128xf32>
    %get3A_6 = arith.constant 0 : index
    %get3A_7 = arith.constant 0 : index
    %get3A_8 = vector.load %arg6[%get3A_6, %get3A_7] : memref<128x128xf32, #tpu.memory_space<vmem>>, vector<128x128xf32>
    %dot_general3A_9 = arith.constant dense<0.000000e+00> : vector<3200x128xf32>
    %dot_general3A_10 = tpu.matmul %get3A_1, %get3A_8, %dot_general3A_9 {dimension_numbers = #tpu.dot_dimension_numbers<[1], [0], [0], [1], [0, 0, 1, 1], [], []>, transpose_lhs_hint = false} : vector<3200x128xf32>, vector<128x128xf32>, vector<3200x128xf32> -> vector<3200x128xf32>
    %add3A = arith.addf %dot_general3A_5, %dot_general3A_10 : vector<3200x128xf32>
    %get3A_11 = arith.constant 0 : index
    %get3A_12 = arith.constant 0 : index
    %get3A_13 = vector.load %arg2[%get3A_11, %get3A_12] : memref<3200x128xf32, #tpu.memory_space<vmem>>, vector<3200x128xf32>
    %add3A_14 = arith.addf %add3A, %get3A_13 : vector<3200x128xf32>
    %get3A_15 = arith.constant 0 : index
    %get3A_16 = arith.constant 0 : index
    %get3A_17 = vector.load %arg3[%get3A_15, %get3A_16] : memref<400x64xf32, #tpu.memory_space<vmem>>, vector<400x64xf32>
    %get3A_18 = arith.constant 0 : index
    %get3A_19 = arith.constant 0 : index
    %get3A_20 = vector.load %arg4[%get3A_18, %get3A_19] : memref<1x64xf32, #tpu.memory_space<vmem>>, vector<1x64xf32>
    %add3A_21 = vector.broadcast %get3A_20 : vector<1x64xf32> to vector<400x64xf32>
    %add3A_22 = arith.addf %get3A_17, %add3A_21 : vector<400x64xf32>
    %concatenate3A = tpu.concatenate %add3A_22, %add3A_22 in 1 : vector<400x64xf32>, vector<400x64xf32> -> vector<400x128xf32>
    %broadcast_in_dim3A = vector.shape_cast %concatenate3A : vector<400x128xf32> to vector<400x1x128xf32>
    %broadcast_in_dim3A_23 = vector.shape_cast %broadcast_in_dim3A : vector<400x1x128xf32> to vector<400x1x128xf32>
    %broadcast_in_dim3A_24 = vector.broadcast %broadcast_in_dim3A_23 : vector<400x1x128xf32> to vector<400x8x128xf32>
    %reshape3A = vector.shape_cast %broadcast_in_dim3A_24 : vector<400x8x128xf32> to vector<3200x128xf32>
    %add3A_25 = arith.addf %add3A_14, %reshape3A : vector<3200x128xf32>
    %max3A = arith.constant 0.000000e+00 : f32
    %max3A_26 = vector.broadcast %max3A : f32 to vector<3200x128xf32>
    %max3A_27 = arith.maximumf %add3A_25, %max3A_26 : vector<3200x128xf32>
    %abs3A = math.absf %add3A_25 : vector<3200x128xf32>
    %neg3A = arith.constant 0.000000e+00 : f32
    %neg3A_28 = vector.broadcast %neg3A : f32 to vector<3200x128xf32>
    %neg3A_29 = arith.subf %neg3A_28, %abs3A : vector<3200x128xf32>
    %exp3A = math.exp %neg3A_29 : vector<3200x128xf32>
    %log1p3A = math.log1p %exp3A : vector<3200x128xf32>
    %add3A_30 = arith.addf %max3A_27, %log1p3A : vector<3200x128xf32>
    %get3A_31 = arith.constant 0 : index
    %get3A_32 = arith.constant 0 : index
    %get3A_33 = vector.load %arg7[%get3A_31, %get3A_32] : memref<128x128xf32, #tpu.memory_space<vmem>>, vector<128x128xf32>
    %dot_general3A_34 = arith.constant dense<0.000000e+00> : vector<3200x128xf32>
    %dot_general3A_35 = tpu.matmul %add3A_30, %get3A_33, %dot_general3A_34 {dimension_numbers = #tpu.dot_dimension_numbers<[1], [0], [0], [1], [0, 0, 1, 1], [], []>, transpose_lhs_hint = false} : vector<3200x128xf32>, vector<128x128xf32>, vector<3200x128xf32> -> vector<3200x128xf32>
    %get3A_36 = arith.constant 0 : index
    %get3A_37 = arith.constant 0 : index
    %get3A_38 = vector.load %arg8[%get3A_36, %get3A_37] : memref<1x128xf32, #tpu.memory_space<vmem>>, vector<1x128xf32>
    %add3A_39 = vector.broadcast %get3A_38 : vector<1x128xf32> to vector<3200x128xf32>
    %add3A_40 = arith.addf %dot_general3A_35, %add3A_39 : vector<3200x128xf32>
    %max3A_41 = arith.constant 0.000000e+00 : f32
    %max3A_42 = vector.broadcast %max3A_41 : f32 to vector<3200x128xf32>
    %max3A_43 = arith.maximumf %add3A_40, %max3A_42 : vector<3200x128xf32>
    %abs3A_44 = math.absf %add3A_40 : vector<3200x128xf32>
    %neg3A_45 = arith.constant 0.000000e+00 : f32
    %neg3A_46 = vector.broadcast %neg3A_45 : f32 to vector<3200x128xf32>
    %neg3A_47 = arith.subf %neg3A_46, %abs3A_44 : vector<3200x128xf32>
    %exp3A_48 = math.exp %neg3A_47 : vector<3200x128xf32>
    %log1p3A_49 = math.log1p %exp3A_48 : vector<3200x128xf32>
    %add3A_50 = arith.addf %max3A_43, %log1p3A_49 : vector<3200x128xf32>
    %swap3A = arith.constant 0 : index
    %swap3A_51 = arith.constant 0 : index
    %swap3A_52 = vector.load %arg9[%swap3A, %swap3A_51] : memref<3200x128xf32, #tpu.memory_space<vmem>>, vector<3200x128xf32>
    tpu.vector_store %arg9[%swap3A, %swap3A_51], %add3A_50 {strides = array<i32>} : memref<3200x128xf32, #tpu.memory_space<vmem>>, vector<3200x128xf32>,
    %reshape3A_53 = vector.shape_cast %add3A_50 : vector<3200x128xf32> to vector<400x8x128xf32>
    %reduce_sum3A = arith.constant dense<0.000000e+00> : vector<400x128xf32>
    %reduce_sum3A_54 = vector.multi_reduction <add>, %reshape3A_53, %reduce_sum3A [1] : vector<400x8x128xf32> to vector<400x128xf32>
    %swap3A_55 = arith.constant 0 : index
    %swap3A_56 = arith.constant 0 : index
    %swap3A_57 = vector.load %arg10[%swap3A_55, %swap3A_56] : memref<400x128xf32, #tpu.memory_space<vmem>>, vector<400x128xf32>
    tpu.vector_store %arg10[%swap3A_55, %swap3A_56], %reduce_sum3A_54 {strides = array<i32>} : memref<400x128xf32, #tpu.memory_space<vmem>>, vector<400x128xf32>,
    return
  }
  func.func @transform_0(%arg0: i32) -> (i32, i32) {
    %c0_i32 = arith.constant 0 : i32
    %c0_i32_0 = arith.constant 0 : i32
    return %arg0, %c0_i32 : i32, i32
  }
  func.func @transform_1(%arg0: i32) -> (i32, i32) {
    %c0_i32 = arith.constant 0 : i32
    %c0_i32_0 = arith.constant 0 : i32
    return %arg0, %c0_i32 : i32, i32
  }
  func.func @transform_2(%arg0: i32) -> (i32, i32) {
    %c0_i32 = arith.constant 0 : i32
    %c0_i32_0 = arith.constant 0 : i32
    return %arg0, %c0_i32 : i32, i32
  }
  func.func @transform_3(%arg0: i32) -> (i32, i32) {
    %c0_i32 = arith.constant 0 : i32
    %c0_i32_0 = arith.constant 0 : i32
    %c0_i32_1 = arith.constant 0 : i32
    return %c0_i32, %c0_i32_0 : i32, i32
  }
  func.func @transform_4(%arg0: i32) -> (i32, i32) {
    %c0_i32 = arith.constant 0 : i32
    %c0_i32_0 = arith.constant 0 : i32
    %c0_i32_1 = arith.constant 0 : i32
    return %c0_i32, %c0_i32_0 : i32, i32
  }
  func.func @transform_5(%arg0: i32) -> (i32, i32) {
    %c0_i32 = arith.constant 0 : i32
    %c0_i32_0 = arith.constant 0 : i32
    %c0_i32_1 = arith.constant 0 : i32
    return %c0_i32, %c0_i32_0 : i32, i32
  }
  func.func @transform_6(%arg0: i32) -> (i32, i32) {
    %c0_i32 = arith.constant 0 : i32
    %c0_i32_0 = arith.constant 0 : i32
    %c0_i32_1 = arith.constant 0 : i32
    return %c0_i32, %c0_i32_0 : i32, i32
  }
  func.func @transform_7(%arg0: i32) -> (i32, i32) {
    %c0_i32 = arith.constant 0 : i32
    %c0_i32_0 = arith.constant 0 : i32
    %c0_i32_1 = arith.constant 0 : i32
    return %c0_i32, %c0_i32_0 : i32, i32
  }
  func.func @transform_8(%arg0: i32) -> (i32, i32) {
    %c0_i32 = arith.constant 0 : i32
    %c0_i32_0 = arith.constant 0 : i32
    return %arg0, %c0_i32 : i32, i32
  }
  func.func @transform_9(%arg0: i32) -> (i32, i32) {
    %c0_i32 = arith.constant 0 : i32
    %c0_i32_0 = arith.constant 0 : i32
    return %arg0, %c0_i32 : i32, i32
  }
}

module attributes {stable_mosaic.version = 14 : i64} {
  func.func @_node0_body(%arg0: memref<10000x64xf32, #tpu.memory_space<vmem>>, %arg1: memref<10000x128xf32, #tpu.memory_space<vmem>>, %arg2: memref<2x10000x64xf32, #tpu.memory_space<vmem>>, %arg3: memref<1x64xf32, #tpu.memory_space<vmem>>, %arg4: memref<64x64xf32, #tpu.memory_space<vmem>>, %arg5: memref<64x64xf32, #tpu.memory_space<vmem>>, %arg6: memref<64x64xf32, #tpu.memory_space<vmem>>, %arg7: memref<64x64xf32, #tpu.memory_space<vmem>>, %arg8: memref<64x64xf32, #tpu.memory_space<vmem>>, %arg9: memref<1x64xf32, #tpu.memory_space<vmem>>, %arg10: memref<64x64xf32, #tpu.memory_space<vmem>>, %arg11: memref<64x64xf32, #tpu.memory_space<vmem>>, %arg12: memref<64x64xf32, #tpu.memory_space<vmem>>, %arg13: memref<64x64xf32, #tpu.memory_space<vmem>>, %arg14: memref<10000x64xf32, #tpu.memory_space<vmem>>, %arg15: memref<10000x64xf32, #tpu.memory_space<vmem>>, %arg16: memref<10000x64xf32, #tpu.memory_space<vmem>>, %arg17: memref<1x64xf32, #tpu.memory_space<vmem>>, %arg18: memref<1x64xf32, #tpu.memory_space<vmem>>) attributes {dimension_semantics = [], scalar_prefetch = 0 : i64, scratch_operands = 0 : i64, tpu.core_type = #tpu.core_type<tc>} {
    %get3A = arith.constant 0 : index
    %get3A_0 = arith.constant 0 : index
    %get3A_1 = vector.load %arg0[%get3A, %get3A_0] : memref<10000x64xf32, #tpu.memory_space<vmem>>, vector<10000x64xf32>
    %get3A_2 = arith.constant 0 : index
    %get3A_3 = arith.constant 0 : index
    %get3A_4 = vector.load %arg1[%get3A_2, %get3A_3] : memref<10000x128xf32, #tpu.memory_space<vmem>>, vector<10000x128xf32>
    %slice3A = vector.extract_strided_slice %get3A_4 {offsets = [0, 0], sizes = [10000, 64], strides = [1, 1]} : vector<10000x128xf32> to vector<10000x64xf32>
    %slice3A_5 = vector.extract_strided_slice %get3A_4 {offsets = [0, 64], sizes = [10000, 64], strides = [1, 1]} : vector<10000x128xf32> to vector<10000x64xf32>
    %add3A = arith.addf %slice3A, %slice3A_5 : vector<10000x64xf32>
    %get3A_6 = arith.constant 0 : index
    %get3A_7 = arith.constant 0 : index
    %get3A_8 = arith.constant 0 : index
    %get3A_9 = vector.load %arg2[%get3A_6, %get3A_7, %get3A_8] : memref<2x10000x64xf32, #tpu.memory_space<vmem>>, vector<1x10000x64xf32>
    %get3A_10 = vector.shape_cast %get3A_9 : vector<1x10000x64xf32> to vector<10000x64xf32>
    %get3A_11 = arith.constant 1 : index
    %get3A_12 = arith.constant 0 : index
    %get3A_13 = arith.constant 0 : index
    %get3A_14 = vector.load %arg2[%get3A_11, %get3A_12, %get3A_13] : memref<2x10000x64xf32, #tpu.memory_space<vmem>>, vector<1x10000x64xf32>
    %get3A_15 = vector.shape_cast %get3A_14 : vector<1x10000x64xf32> to vector<10000x64xf32>
    %add3A_16 = arith.addf %get3A_10, %get3A_15 : vector<10000x64xf32>
    %get3A_17 = arith.constant 0 : index
    %get3A_18 = arith.constant 0 : index
    %get3A_19 = vector.load %arg4[%get3A_17, %get3A_18] : memref<64x64xf32, #tpu.memory_space<vmem>>, vector<64x64xf32>
    %dot_general3A = arith.constant dense<0.000000e+00> : vector<10000x64xf32>
    %dot_general3A_20 = tpu.matmul %get3A_1, %get3A_19, %dot_general3A {dimension_numbers = #tpu.dot_dimension_numbers<[1], [0], [0], [1], [0, 0, 1, 1], [], []>, transpose_lhs_hint = false} : vector<10000x64xf32>, vector<64x64xf32>, vector<10000x64xf32> -> vector<10000x64xf32>
    %get3A_21 = arith.constant 0 : index
    %get3A_22 = arith.constant 0 : index
    %get3A_23 = vector.load %arg5[%get3A_21, %get3A_22] : memref<64x64xf32, #tpu.memory_space<vmem>>, vector<64x64xf32>
    %dot_general3A_24 = arith.constant dense<0.000000e+00> : vector<10000x64xf32>
    %dot_general3A_25 = tpu.matmul %get3A_1, %get3A_23, %dot_general3A_24 {dimension_numbers = #tpu.dot_dimension_numbers<[1], [0], [0], [1], [0, 0, 1, 1], [], []>, transpose_lhs_hint = false} : vector<10000x64xf32>, vector<64x64xf32>, vector<10000x64xf32> -> vector<10000x64xf32>
    %add3A_26 = arith.addf %dot_general3A_20, %dot_general3A_25 : vector<10000x64xf32>
    %get3A_27 = arith.constant 0 : index
    %get3A_28 = arith.constant 0 : index
    %get3A_29 = vector.load %arg6[%get3A_27, %get3A_28] : memref<64x64xf32, #tpu.memory_space<vmem>>, vector<64x64xf32>
    %dot_general3A_30 = arith.constant dense<0.000000e+00> : vector<10000x64xf32>
    %dot_general3A_31 = tpu.matmul %add3A, %get3A_29, %dot_general3A_30 {dimension_numbers = #tpu.dot_dimension_numbers<[1], [0], [0], [1], [0, 0, 1, 1], [], []>, transpose_lhs_hint = false} : vector<10000x64xf32>, vector<64x64xf32>, vector<10000x64xf32> -> vector<10000x64xf32>
    %add3A_32 = arith.addf %add3A_26, %dot_general3A_31 : vector<10000x64xf32>
    %get3A_33 = arith.constant 0 : index
    %get3A_34 = arith.constant 0 : index
    %get3A_35 = vector.load %arg7[%get3A_33, %get3A_34] : memref<64x64xf32, #tpu.memory_space<vmem>>, vector<64x64xf32>
    %dot_general3A_36 = arith.constant dense<0.000000e+00> : vector<10000x64xf32>
    %dot_general3A_37 = tpu.matmul %add3A_16, %get3A_35, %dot_general3A_36 {dimension_numbers = #tpu.dot_dimension_numbers<[1], [0], [0], [1], [0, 0, 1, 1], [], []>, transpose_lhs_hint = false} : vector<10000x64xf32>, vector<64x64xf32>, vector<10000x64xf32> -> vector<10000x64xf32>
    %add3A_38 = arith.addf %add3A_32, %dot_general3A_37 : vector<10000x64xf32>
    %get3A_39 = arith.constant 0 : index
    %get3A_40 = arith.constant 0 : index
    %get3A_41 = vector.load %arg3[%get3A_39, %get3A_40] : memref<1x64xf32, #tpu.memory_space<vmem>>, vector<1x64xf32>
    %add3A_42 = vector.broadcast %get3A_41 : vector<1x64xf32> to vector<10000x64xf32>
    %add3A_43 = arith.addf %add3A_38, %add3A_42 : vector<10000x64xf32>
    %max3A = arith.constant 0.000000e+00 : f32
    %max3A_44 = vector.broadcast %max3A : f32 to vector<10000x64xf32>
    %max3A_45 = arith.maximumf %add3A_43, %max3A_44 : vector<10000x64xf32>
    %abs3A = math.absf %add3A_43 : vector<10000x64xf32>
    %neg3A = arith.constant 0.000000e+00 : f32
    %neg3A_46 = vector.broadcast %neg3A : f32 to vector<10000x64xf32>
    %neg3A_47 = arith.subf %neg3A_46, %abs3A : vector<10000x64xf32>
    %exp3A = math.exp %neg3A_47 : vector<10000x64xf32>
    %log1p3A = math.log1p %exp3A : vector<10000x64xf32>
    %add3A_48 = arith.addf %max3A_45, %log1p3A : vector<10000x64xf32>
    %get3A_49 = arith.constant 0 : index
    %get3A_50 = arith.constant 0 : index
    %get3A_51 = vector.load %arg8[%get3A_49, %get3A_50] : memref<64x64xf32, #tpu.memory_space<vmem>>, vector<64x64xf32>
    %dot_general3A_52 = arith.constant dense<0.000000e+00> : vector<10000x64xf32>
    %dot_general3A_53 = tpu.matmul %add3A_48, %get3A_51, %dot_general3A_52 {dimension_numbers = #tpu.dot_dimension_numbers<[1], [0], [0], [1], [0, 0, 1, 1], [], []>, transpose_lhs_hint = false} : vector<10000x64xf32>, vector<64x64xf32>, vector<10000x64xf32> -> vector<10000x64xf32>
    %get3A_54 = arith.constant 0 : index
    %get3A_55 = arith.constant 0 : index
    %get3A_56 = vector.load %arg9[%get3A_54, %get3A_55] : memref<1x64xf32, #tpu.memory_space<vmem>>, vector<1x64xf32>
    %add3A_57 = vector.broadcast %get3A_56 : vector<1x64xf32> to vector<10000x64xf32>
    %add3A_58 = arith.addf %dot_general3A_53, %add3A_57 : vector<10000x64xf32>
    %max3A_59 = arith.constant 0.000000e+00 : f32
    %max3A_60 = vector.broadcast %max3A_59 : f32 to vector<10000x64xf32>
    %max3A_61 = arith.maximumf %add3A_58, %max3A_60 : vector<10000x64xf32>
    %abs3A_62 = math.absf %add3A_58 : vector<10000x64xf32>
    %neg3A_63 = arith.constant 0.000000e+00 : f32
    %neg3A_64 = vector.broadcast %neg3A_63 : f32 to vector<10000x64xf32>
    %neg3A_65 = arith.subf %neg3A_64, %abs3A_62 : vector<10000x64xf32>
    %exp3A_66 = math.exp %neg3A_65 : vector<10000x64xf32>
    %log1p3A_67 = math.log1p %exp3A_66 : vector<10000x64xf32>
    %add3A_68 = arith.addf %max3A_61, %log1p3A_67 : vector<10000x64xf32>
    %swap3A = arith.constant 0 : index
    %swap3A_69 = arith.constant 0 : index
    %swap3A_70 = vector.load %arg14[%swap3A, %swap3A_69] : memref<10000x64xf32, #tpu.memory_space<vmem>>, vector<10000x64xf32>
    tpu.vector_store %arg14[%swap3A, %swap3A_69], %add3A_68 {strides = array<i32>} : memref<10000x64xf32, #tpu.memory_space<vmem>>, vector<10000x64xf32>,
    %get3A_71 = arith.constant 0 : index
    %get3A_72 = arith.constant 0 : index
    %get3A_73 = vector.load %arg10[%get3A_71, %get3A_72] : memref<64x64xf32, #tpu.memory_space<vmem>>, vector<64x64xf32>
    %dot_general3A_74 = arith.constant dense<0.000000e+00> : vector<10000x64xf32>
    %dot_general3A_75 = tpu.matmul %add3A_68, %get3A_73, %dot_general3A_74 {dimension_numbers = #tpu.dot_dimension_numbers<[1], [0], [0], [1], [0, 0, 1, 1], [], []>, transpose_lhs_hint = false} : vector<10000x64xf32>, vector<64x64xf32>, vector<10000x64xf32> -> vector<10000x64xf32>
    %get3A_76 = arith.constant 0 : index
    %get3A_77 = arith.constant 0 : index
    %get3A_78 = vector.load %arg11[%get3A_76, %get3A_77] : memref<64x64xf32, #tpu.memory_space<vmem>>, vector<64x64xf32>
    %dot_general3A_79 = arith.constant dense<0.000000e+00> : vector<10000x64xf32>
    %dot_general3A_80 = tpu.matmul %get3A_1, %get3A_78, %dot_general3A_79 {dimension_numbers = #tpu.dot_dimension_numbers<[1], [0], [0], [1], [0, 0, 1, 1], [], []>, transpose_lhs_hint = false} : vector<10000x64xf32>, vector<64x64xf32>, vector<10000x64xf32> -> vector<10000x64xf32>
    %add3A_81 = arith.addf %dot_general3A_75, %dot_general3A_80 : vector<10000x64xf32>
    %swap3A_82 = arith.constant 0 : index
    %swap3A_83 = arith.constant 0 : index
    %swap3A_84 = vector.load %arg15[%swap3A_82, %swap3A_83] : memref<10000x64xf32, #tpu.memory_space<vmem>>, vector<10000x64xf32>
    tpu.vector_store %arg15[%swap3A_82, %swap3A_83], %add3A_81 {strides = array<i32>} : memref<10000x64xf32, #tpu.memory_space<vmem>>, vector<10000x64xf32>,
    %get3A_85 = arith.constant 0 : index
    %get3A_86 = arith.constant 0 : index
    %get3A_87 = vector.load %arg12[%get3A_85, %get3A_86] : memref<64x64xf32, #tpu.memory_space<vmem>>, vector<64x64xf32>
    %dot_general3A_88 = arith.constant dense<0.000000e+00> : vector<10000x64xf32>
    %dot_general3A_89 = tpu.matmul %add3A_68, %get3A_87, %dot_general3A_88 {dimension_numbers = #tpu.dot_dimension_numbers<[1], [0], [0], [1], [0, 0, 1, 1], [], []>, transpose_lhs_hint = false} : vector<10000x64xf32>, vector<64x64xf32>, vector<10000x64xf32> -> vector<10000x64xf32>
    %get3A_90 = arith.constant 0 : index
    %get3A_91 = arith.constant 0 : index
    %get3A_92 = vector.load %arg13[%get3A_90, %get3A_91] : memref<64x64xf32, #tpu.memory_space<vmem>>, vector<64x64xf32>
    %dot_general3A_93 = arith.constant dense<0.000000e+00> : vector<10000x64xf32>
    %dot_general3A_94 = tpu.matmul %get3A_1, %get3A_92, %dot_general3A_93 {dimension_numbers = #tpu.dot_dimension_numbers<[1], [0], [0], [1], [0, 0, 1, 1], [], []>, transpose_lhs_hint = false} : vector<10000x64xf32>, vector<64x64xf32>, vector<10000x64xf32> -> vector<10000x64xf32>
    %add3A_95 = arith.addf %dot_general3A_89, %dot_general3A_94 : vector<10000x64xf32>
    %swap3A_96 = arith.constant 0 : index
    %swap3A_97 = arith.constant 0 : index
    %swap3A_98 = vector.load %arg16[%swap3A_96, %swap3A_97] : memref<10000x64xf32, #tpu.memory_space<vmem>>, vector<10000x64xf32>
    tpu.vector_store %arg16[%swap3A_96, %swap3A_97], %add3A_95 {strides = array<i32>} : memref<10000x64xf32, #tpu.memory_space<vmem>>, vector<10000x64xf32>,
    %reduce_sum3A = arith.constant dense<0.000000e+00> : vector<64xf32>
    %reduce_sum3A_99 = vector.multi_reduction <add>, %add3A_68, %reduce_sum3A [0] : vector<10000x64xf32> to vector<64xf32>
    %broadcast_in_dim3A = vector.shape_cast %reduce_sum3A_99 : vector<64xf32> to vector<1x64xf32>
    %swap3A_100 = arith.constant 0 : index
    %swap3A_101 = arith.constant 0 : index
    %swap3A_102 = vector.load %arg17[%swap3A_100, %swap3A_101] : memref<1x64xf32, #tpu.memory_space<vmem>>, vector<1x64xf32>
    tpu.vector_store %arg17[%swap3A_100, %swap3A_101], %broadcast_in_dim3A {strides = array<i32>} : memref<1x64xf32, #tpu.memory_space<vmem>>, vector<1x64xf32>,
    %reduce_sum3A_103 = arith.constant dense<0.000000e+00> : vector<64xf32>
    %reduce_sum3A_104 = vector.multi_reduction <add>, %add3A, %reduce_sum3A_103 [0] : vector<10000x64xf32> to vector<64xf32>
    %broadcast_in_dim3A_105 = vector.shape_cast %reduce_sum3A_104 : vector<64xf32> to vector<1x64xf32>
    %swap3A_106 = arith.constant 0 : index
    %swap3A_107 = arith.constant 0 : index
    %swap3A_108 = vector.load %arg18[%swap3A_106, %swap3A_107] : memref<1x64xf32, #tpu.memory_space<vmem>>, vector<1x64xf32>
    tpu.vector_store %arg18[%swap3A_106, %swap3A_107], %broadcast_in_dim3A_105 {strides = array<i32>} : memref<1x64xf32, #tpu.memory_space<vmem>>, vector<1x64xf32>,
    return
  }
}

module attributes {stable_mosaic.version = 14 : i64} {
  func.func @_glob0_body(%arg0: memref<1x64xf32, #tpu.memory_space<vmem>>, %arg1: memref<1x64xf32, #tpu.memory_space<vmem>>, %arg2: memref<1x64xf32, #tpu.memory_space<vmem>>, %arg3: memref<64x64xf32, #tpu.memory_space<vmem>>, %arg4: memref<64x64xf32, #tpu.memory_space<vmem>>, %arg5: memref<64x64xf32, #tpu.memory_space<vmem>>, %arg6: memref<64x64xf32, #tpu.memory_space<vmem>>, %arg7: memref<1x64xf32, #tpu.memory_space<vmem>>, %arg8: memref<64x64xf32, #tpu.memory_space<vmem>>, %arg9: memref<1x64xf32, #tpu.memory_space<vmem>>, %arg10: memref<64x64xf32, #tpu.memory_space<vmem>>, %arg11: memref<64x64xf32, #tpu.memory_space<vmem>>, %arg12: memref<1x64xf32, #tpu.memory_space<vmem>>, %arg13: memref<64x64xf32, #tpu.memory_space<vmem>>, %arg14: memref<64x64xf32, #tpu.memory_space<vmem>>, %arg15: memref<1x64xf32, #tpu.memory_space<vmem>>, %arg16: memref<1x64xf32, #tpu.memory_space<vmem>>, %arg17: memref<1x64xf32, #tpu.memory_space<vmem>>, %arg18: memref<1x64xf32, #tpu.memory_space<vmem>>) attributes {dimension_semantics = [], scalar_prefetch = 0 : i64, scratch_operands = 0 : i64, tpu.core_type = #tpu.core_type<tc>} {
    %get3A = arith.constant 0 : index
    %get3A_0 = arith.constant 0 : index
    %get3A_1 = vector.load %arg2[%get3A, %get3A_0] : memref<1x64xf32, #tpu.memory_space<vmem>>, vector<1x64xf32>
    %get3A_2 = arith.constant 0 : index
    %get3A_3 = arith.constant 0 : index
    %get3A_4 = vector.load %arg0[%get3A_2, %get3A_3] : memref<1x64xf32, #tpu.memory_space<vmem>>, vector<1x64xf32>
    %get3A_5 = arith.constant 0 : index
    %get3A_6 = arith.constant 0 : index
    %get3A_7 = vector.load %arg3[%get3A_5, %get3A_6] : memref<64x64xf32, #tpu.memory_space<vmem>>, vector<64x64xf32>
    %dot_general3A = arith.constant dense<0.000000e+00> : vector<1x64xf32>
    %dot_general3A_8 = tpu.matmul %get3A_4, %get3A_7, %dot_general3A {dimension_numbers = #tpu.dot_dimension_numbers<[1], [0], [0], [1], [0, 0, 1, 1], [], []>, transpose_lhs_hint = false} : vector<1x64xf32>, vector<64x64xf32>, vector<1x64xf32> -> vector<1x64xf32>
    %get3A_9 = arith.constant 0 : index
    %get3A_10 = arith.constant 0 : index
    %get3A_11 = vector.load %arg1[%get3A_9, %get3A_10] : memref<1x64xf32, #tpu.memory_space<vmem>>, vector<1x64xf32>
    %get3A_12 = arith.constant 0 : index
    %get3A_13 = arith.constant 0 : index
    %get3A_14 = vector.load %arg4[%get3A_12, %get3A_13] : memref<64x64xf32, #tpu.memory_space<vmem>>, vector<64x64xf32>
    %dot_general3A_15 = arith.constant dense<0.000000e+00> : vector<1x64xf32>
    %dot_general3A_16 = tpu.matmul %get3A_11, %get3A_14, %dot_general3A_15 {dimension_numbers = #tpu.dot_dimension_numbers<[1], [0], [0], [1], [0, 0, 1, 1], [], []>, transpose_lhs_hint = false} : vector<1x64xf32>, vector<64x64xf32>, vector<1x64xf32> -> vector<1x64xf32>
    %add3A = arith.addf %dot_general3A_8, %dot_general3A_16 : vector<1x64xf32>
    %get3A_17 = arith.constant 0 : index
    %get3A_18 = arith.constant 0 : index
    %get3A_19 = vector.load %arg5[%get3A_17, %get3A_18] : memref<64x64xf32, #tpu.memory_space<vmem>>, vector<64x64xf32>
    %dot_general3A_20 = arith.constant dense<0.000000e+00> : vector<1x64xf32>
    %dot_general3A_21 = tpu.matmul %get3A_1, %get3A_19, %dot_general3A_20 {dimension_numbers = #tpu.dot_dimension_numbers<[1], [0], [0], [1], [0, 0, 1, 1], [], []>, transpose_lhs_hint = false} : vector<1x64xf32>, vector<64x64xf32>, vector<1x64xf32> -> vector<1x64xf32>
    %add3A_22 = arith.addf %add3A, %dot_general3A_21 : vector<1x64xf32>
    %get3A_23 = arith.constant 0 : index
    %get3A_24 = arith.constant 0 : index
    %get3A_25 = vector.load %arg6[%get3A_23, %get3A_24] : memref<64x64xf32, #tpu.memory_space<vmem>>, vector<64x64xf32>
    %dot_general3A_26 = arith.constant dense<0.000000e+00> : vector<1x64xf32>
    %dot_general3A_27 = tpu.matmul %get3A_1, %get3A_25, %dot_general3A_26 {dimension_numbers = #tpu.dot_dimension_numbers<[1], [0], [0], [1], [0, 0, 1, 1], [], []>, transpose_lhs_hint = false} : vector<1x64xf32>, vector<64x64xf32>, vector<1x64xf32> -> vector<1x64xf32>
    %add3A_28 = arith.addf %add3A_22, %dot_general3A_27 : vector<1x64xf32>
    %get3A_29 = arith.constant 0 : index
    %get3A_30 = arith.constant 0 : index
    %get3A_31 = vector.load %arg7[%get3A_29, %get3A_30] : memref<1x64xf32, #tpu.memory_space<vmem>>, vector<1x64xf32>
    %add3A_32 = arith.addf %add3A_28, %get3A_31 : vector<1x64xf32>
    %max3A = arith.constant 0.000000e+00 : f32
    %max3A_33 = vector.broadcast %max3A : f32 to vector<1x64xf32>
    %max3A_34 = arith.maximumf %add3A_32, %max3A_33 : vector<1x64xf32>
    %abs3A = math.absf %add3A_32 : vector<1x64xf32>
    %neg3A = arith.constant 0.000000e+00 : f32
    %neg3A_35 = vector.broadcast %neg3A : f32 to vector<1x64xf32>
    %neg3A_36 = arith.subf %neg3A_35, %abs3A : vector<1x64xf32>
    %exp3A = math.exp %neg3A_36 : vector<1x64xf32>
    %log1p3A = math.log1p %exp3A : vector<1x64xf32>
    %add3A_37 = arith.addf %max3A_34, %log1p3A : vector<1x64xf32>
    %get3A_38 = arith.constant 0 : index
    %get3A_39 = arith.constant 0 : index
    %get3A_40 = vector.load %arg8[%get3A_38, %get3A_39] : memref<64x64xf32, #tpu.memory_space<vmem>>, vector<64x64xf32>
    %dot_general3A_41 = arith.constant dense<0.000000e+00> : vector<1x64xf32>
    %dot_general3A_42 = tpu.matmul %add3A_37, %get3A_40, %dot_general3A_41 {dimension_numbers = #tpu.dot_dimension_numbers<[1], [0], [0], [1], [0, 0, 1, 1], [], []>, transpose_lhs_hint = false} : vector<1x64xf32>, vector<64x64xf32>, vector<1x64xf32> -> vector<1x64xf32>
    %get3A_43 = arith.constant 0 : index
    %get3A_44 = arith.constant 0 : index
    %get3A_45 = vector.load %arg9[%get3A_43, %get3A_44] : memref<1x64xf32, #tpu.memory_space<vmem>>, vector<1x64xf32>
    %add3A_46 = arith.addf %dot_general3A_42, %get3A_45 : vector<1x64xf32>
    %max3A_47 = arith.constant 0.000000e+00 : f32
    %max3A_48 = vector.broadcast %max3A_47 : f32 to vector<1x64xf32>
    %max3A_49 = arith.maximumf %add3A_46, %max3A_48 : vector<1x64xf32>
    %abs3A_50 = math.absf %add3A_46 : vector<1x64xf32>
    %neg3A_51 = arith.constant 0.000000e+00 : f32
    %neg3A_52 = vector.broadcast %neg3A_51 : f32 to vector<1x64xf32>
    %neg3A_53 = arith.subf %neg3A_52, %abs3A_50 : vector<1x64xf32>
    %exp3A_54 = math.exp %neg3A_53 : vector<1x64xf32>
    %log1p3A_55 = math.log1p %exp3A_54 : vector<1x64xf32>
    %add3A_56 = arith.addf %max3A_49, %log1p3A_55 : vector<1x64xf32>
    %swap3A = arith.constant 0 : index
    %swap3A_57 = arith.constant 0 : index
    %swap3A_58 = vector.load %arg16[%swap3A, %swap3A_57] : memref<1x64xf32, #tpu.memory_space<vmem>>, vector<1x64xf32>
    tpu.vector_store %arg16[%swap3A, %swap3A_57], %add3A_56 {strides = array<i32>} : memref<1x64xf32, #tpu.memory_space<vmem>>, vector<1x64xf32>,
    %get3A_59 = arith.constant 0 : index
    %get3A_60 = arith.constant 0 : index
    %get3A_61 = vector.load %arg10[%get3A_59, %get3A_60] : memref<64x64xf32, #tpu.memory_space<vmem>>, vector<64x64xf32>
    %dot_general3A_62 = arith.constant dense<0.000000e+00> : vector<1x64xf32>
    %dot_general3A_63 = tpu.matmul %add3A_56, %get3A_61, %dot_general3A_62 {dimension_numbers = #tpu.dot_dimension_numbers<[1], [0], [0], [1], [0, 0, 1, 1], [], []>, transpose_lhs_hint = false} : vector<1x64xf32>, vector<64x64xf32>, vector<1x64xf32> -> vector<1x64xf32>
    %get3A_64 = arith.constant 0 : index
    %get3A_65 = arith.constant 0 : index
    %get3A_66 = vector.load %arg11[%get3A_64, %get3A_65] : memref<64x64xf32, #tpu.memory_space<vmem>>, vector<64x64xf32>
    %dot_general3A_67 = arith.constant dense<0.000000e+00> : vector<1x64xf32>
    %dot_general3A_68 = tpu.matmul %get3A_1, %get3A_66, %dot_general3A_67 {dimension_numbers = #tpu.dot_dimension_numbers<[1], [0], [0], [1], [0, 0, 1, 1], [], []>, transpose_lhs_hint = false} : vector<1x64xf32>, vector<64x64xf32>, vector<1x64xf32> -> vector<1x64xf32>
    %add3A_69 = arith.addf %dot_general3A_63, %dot_general3A_68 : vector<1x64xf32>
    %get3A_70 = arith.constant 0 : index
    %get3A_71 = arith.constant 0 : index
    %get3A_72 = vector.load %arg12[%get3A_70, %get3A_71] : memref<1x64xf32, #tpu.memory_space<vmem>>, vector<1x64xf32>
    %add3A_73 = arith.addf %add3A_69, %get3A_72 : vector<1x64xf32>
    %swap3A_74 = arith.constant 0 : index
    %swap3A_75 = arith.constant 0 : index
    %swap3A_76 = vector.load %arg17[%swap3A_74, %swap3A_75] : memref<1x64xf32, #tpu.memory_space<vmem>>, vector<1x64xf32>
    tpu.vector_store %arg17[%swap3A_74, %swap3A_75], %add3A_73 {strides = array<i32>} : memref<1x64xf32, #tpu.memory_space<vmem>>, vector<1x64xf32>,
    %get3A_77 = arith.constant 0 : index
    %get3A_78 = arith.constant 0 : index
    %get3A_79 = vector.load %arg13[%get3A_77, %get3A_78] : memref<64x64xf32, #tpu.memory_space<vmem>>, vector<64x64xf32>
    %dot_general3A_80 = arith.constant dense<0.000000e+00> : vector<1x64xf32>
    %dot_general3A_81 = tpu.matmul %add3A_56, %get3A_79, %dot_general3A_80 {dimension_numbers = #tpu.dot_dimension_numbers<[1], [0], [0], [1], [0, 0, 1, 1], [], []>, transpose_lhs_hint = false} : vector<1x64xf32>, vector<64x64xf32>, vector<1x64xf32> -> vector<1x64xf32>
    %get3A_82 = arith.constant 0 : index
    %get3A_83 = arith.constant 0 : index
    %get3A_84 = vector.load %arg14[%get3A_82, %get3A_83] : memref<64x64xf32, #tpu.memory_space<vmem>>, vector<64x64xf32>
    %dot_general3A_85 = arith.constant dense<0.000000e+00> : vector<1x64xf32>
    %dot_general3A_86 = tpu.matmul %get3A_1, %get3A_84, %dot_general3A_85 {dimension_numbers = #tpu.dot_dimension_numbers<[1], [0], [0], [1], [0, 0, 1, 1], [], []>, transpose_lhs_hint = false} : vector<1x64xf32>, vector<64x64xf32>, vector<1x64xf32> -> vector<1x64xf32>
    %add3A_87 = arith.addf %dot_general3A_81, %dot_general3A_86 : vector<1x64xf32>
    %get3A_88 = arith.constant 0 : index
    %get3A_89 = arith.constant 0 : index
    %get3A_90 = vector.load %arg15[%get3A_88, %get3A_89] : memref<1x64xf32, #tpu.memory_space<vmem>>, vector<1x64xf32>
    %add3A_91 = arith.addf %add3A_87, %get3A_90 : vector<1x64xf32>
    %swap3A_92 = arith.constant 0 : index
    %swap3A_93 = arith.constant 0 : index
    %swap3A_94 = vector.load %arg18[%swap3A_92, %swap3A_93] : memref<1x64xf32, #tpu.memory_space<vmem>>, vector<1x64xf32>
    tpu.vector_store %arg18[%swap3A_92, %swap3A_93], %add3A_91 {strides = array<i32>} : memref<1x64xf32, #tpu.memory_space<vmem>>, vector<1x64xf32>,
    return
  }
}

module attributes {stable_mosaic.version = 14 : i64} {
  func.func @_edge1_body(%arg0: i32, %arg1: memref<3200x128xf32, #tpu.memory_space<vmem>>, %arg2: memref<3200x128xf32, #tpu.memory_space<vmem>>, %arg3: memref<3200x128xf32, #tpu.memory_space<vmem>>, %arg4: memref<400x64xf32, #tpu.memory_space<vmem>>, %arg5: memref<1x64xf32, #tpu.memory_space<vmem>>, %arg6: memref<128x128xf32, #tpu.memory_space<vmem>>, %arg7: memref<128x128xf32, #tpu.memory_space<vmem>>, %arg8: memref<128x128xf32, #tpu.memory_space<vmem>>, %arg9: memref<1x128xf32, #tpu.memory_space<vmem>>, %arg10: memref<3200x128xf32, #tpu.memory_space<vmem>>, %arg11: memref<400x128xf32, #tpu.memory_space<vmem>>) attributes {dimension_semantics = [#tpu.dimension_semantics<arbitrary>], iteration_bounds = array<i64: 25>, scalar_prefetch = 0 : i64, scratch_operands = 0 : i64, tpu.core_type = #tpu.core_type<tc>, window_params = [{transform_indices = @transform_0, window_bounds = array<i64: 3200, 128>}, {transform_indices = @transform_1, window_bounds = array<i64: 3200, 128>}, {transform_indices = @transform_2, window_bounds = array<i64: 3200, 128>}, {transform_indices = @transform_3, window_bounds = array<i64: 400, 64>}, {pipeline_mode = #tpu.pipeline_mode<synchronous>, transform_indices = @transform_4, window_bounds = array<i64: 1, 64>}, {pipeline_mode = #tpu.pipeline_mode<synchronous>, transform_indices = @transform_5, window_bounds = array<i64: 128, 128>}, {pipeline_mode = #tpu.pipeline_mode<synchronous>, transform_indices = @transform_6, window_bounds = array<i64: 128, 128>}, {pipeline_mode = #tpu.pipeline_mode<synchronous>, transform_indices = @transform_7, window_bounds = array<i64: 128, 128>}, {pipeline_mode = #tpu.pipeline_mode<synchronous>, transform_indices = @transform_8, window_bounds = array<i64: 1, 128>}, {transform_indices = @transform_9, window_bounds = array<i64: 3200, 128>}, {transform_indices = @transform_10, window_bounds = array<i64: 400, 128>}]} {
    %get3A = arith.constant 0 : index
    %get3A_0 = arith.constant 0 : index
    %get3A_1 = vector.load %arg1[%get3A, %get3A_0] : memref<3200x128xf32, #tpu.memory_space<vmem>>, vector<3200x128xf32>
    %get3A_2 = arith.constant 0 : index
    %get3A_3 = arith.constant 0 : index
    %get3A_4 = vector.load %arg6[%get3A_2, %get3A_3] : memref<128x128xf32, #tpu.memory_space<vmem>>, vector<128x128xf32>
    %dot_general3A = arith.constant dense<0.000000e+00> : vector<3200x128xf32>
    %dot_general3A_5 = tpu.matmul %get3A_1, %get3A_4, %dot_general3A {dimension_numbers = #tpu.dot_dimension_numbers<[1], [0], [0], [1], [0, 0, 1, 1], [], []>, transpose_lhs_hint = false} : vector<3200x128xf32>, vector<128x128xf32>, vector<3200x128xf32> -> vector<3200x128xf32>
    %get3A_6 = arith.constant 0 : index
    %get3A_7 = arith.constant 0 : index
    %get3A_8 = vector.load %arg2[%get3A_6, %get3A_7] : memref<3200x128xf32, #tpu.memory_space<vmem>>, vector<3200x128xf32>
    %get3A_9 = arith.constant 0 : index
    %get3A_10 = arith.constant 0 : index
    %get3A_11 = vector.load %arg7[%get3A_9, %get3A_10] : memref<128x128xf32, #tpu.memory_space<vmem>>, vector<128x128xf32>
    %dot_general3A_12 = arith.constant dense<0.000000e+00> : vector<3200x128xf32>
    %dot_general3A_13 = tpu.matmul %get3A_8, %get3A_11, %dot_general3A_12 {dimension_numbers = #tpu.dot_dimension_numbers<[1], [0], [0], [1], [0, 0, 1, 1], [], []>, transpose_lhs_hint = false} : vector<3200x128xf32>, vector<128x128xf32>, vector<3200x128xf32> -> vector<3200x128xf32>
    %add3A = arith.addf %dot_general3A_5, %dot_general3A_13 : vector<3200x128xf32>
    %get3A_14 = arith.constant 0 : index
    %get3A_15 = arith.constant 0 : index
    %get3A_16 = vector.load %arg3[%get3A_14, %get3A_15] : memref<3200x128xf32, #tpu.memory_space<vmem>>, vector<3200x128xf32>
    %add3A_17 = arith.addf %add3A, %get3A_16 : vector<3200x128xf32>
    %get3A_18 = arith.constant 0 : index
    %get3A_19 = arith.constant 0 : index
    %get3A_20 = vector.load %arg4[%get3A_18, %get3A_19] : memref<400x64xf32, #tpu.memory_space<vmem>>, vector<400x64xf32>
    %get3A_21 = arith.constant 0 : index
    %get3A_22 = arith.constant 0 : index
    %get3A_23 = vector.load %arg5[%get3A_21, %get3A_22] : memref<1x64xf32, #tpu.memory_space<vmem>>, vector<1x64xf32>
    %add3A_24 = vector.broadcast %get3A_23 : vector<1x64xf32> to vector<400x64xf32>
    %add3A_25 = arith.addf %get3A_20, %add3A_24 : vector<400x64xf32>
    %concatenate3A = tpu.concatenate %add3A_25, %add3A_25 in 1 : vector<400x64xf32>, vector<400x64xf32> -> vector<400x128xf32>
    %broadcast_in_dim3A = vector.shape_cast %concatenate3A : vector<400x128xf32> to vector<400x1x128xf32>
    %broadcast_in_dim3A_26 = vector.shape_cast %broadcast_in_dim3A : vector<400x1x128xf32> to vector<400x1x128xf32>
    %broadcast_in_dim3A_27 = vector.broadcast %broadcast_in_dim3A_26 : vector<400x1x128xf32> to vector<400x8x128xf32>
    %reshape3A = vector.shape_cast %broadcast_in_dim3A_27 : vector<400x8x128xf32> to vector<3200x128xf32>
    %add3A_28 = arith.addf %add3A_17, %reshape3A : vector<3200x128xf32>
    %max3A = arith.constant 0.000000e+00 : f32
    %max3A_29 = vector.broadcast %max3A : f32 to vector<3200x128xf32>
    %max3A_30 = arith.maximumf %add3A_28, %max3A_29 : vector<3200x128xf32>
    %abs3A = math.absf %add3A_28 : vector<3200x128xf32>
    %neg3A = arith.constant 0.000000e+00 : f32
    %neg3A_31 = vector.broadcast %neg3A : f32 to vector<3200x128xf32>
    %neg3A_32 = arith.subf %neg3A_31, %abs3A : vector<3200x128xf32>
    %exp3A = math.exp %neg3A_32 : vector<3200x128xf32>
    %log1p3A = math.log1p %exp3A : vector<3200x128xf32>
    %add3A_33 = arith.addf %max3A_30, %log1p3A : vector<3200x128xf32>
    %get3A_34 = arith.constant 0 : index
    %get3A_35 = arith.constant 0 : index
    %get3A_36 = vector.load %arg8[%get3A_34, %get3A_35] : memref<128x128xf32, #tpu.memory_space<vmem>>, vector<128x128xf32>
    %dot_general3A_37 = arith.constant dense<0.000000e+00> : vector<3200x128xf32>
    %dot_general3A_38 = tpu.matmul %add3A_33, %get3A_36, %dot_general3A_37 {dimension_numbers = #tpu.dot_dimension_numbers<[1], [0], [0], [1], [0, 0, 1, 1], [], []>, transpose_lhs_hint = false} : vector<3200x128xf32>, vector<128x128xf32>, vector<3200x128xf32> -> vector<3200x128xf32>
    %get3A_39 = arith.constant 0 : index
    %get3A_40 = arith.constant 0 : index
    %get3A_41 = vector.load %arg9[%get3A_39, %get3A_40] : memref<1x128xf32, #tpu.memory_space<vmem>>, vector<1x128xf32>
    %add3A_42 = vector.broadcast %get3A_41 : vector<1x128xf32> to vector<3200x128xf32>
    %add3A_43 = arith.addf %dot_general3A_38, %add3A_42 : vector<3200x128xf32>
    %max3A_44 = arith.constant 0.000000e+00 : f32
    %max3A_45 = vector.broadcast %max3A_44 : f32 to vector<3200x128xf32>
    %max3A_46 = arith.maximumf %add3A_43, %max3A_45 : vector<3200x128xf32>
    %abs3A_47 = math.absf %add3A_43 : vector<3200x128xf32>
    %neg3A_48 = arith.constant 0.000000e+00 : f32
    %neg3A_49 = vector.broadcast %neg3A_48 : f32 to vector<3200x128xf32>
    %neg3A_50 = arith.subf %neg3A_49, %abs3A_47 : vector<3200x128xf32>
    %exp3A_51 = math.exp %neg3A_50 : vector<3200x128xf32>
    %log1p3A_52 = math.log1p %exp3A_51 : vector<3200x128xf32>
    %add3A_53 = arith.addf %max3A_46, %log1p3A_52 : vector<3200x128xf32>
    %swap3A = arith.constant 0 : index
    %swap3A_54 = arith.constant 0 : index
    %swap3A_55 = vector.load %arg10[%swap3A, %swap3A_54] : memref<3200x128xf32, #tpu.memory_space<vmem>>, vector<3200x128xf32>
    tpu.vector_store %arg10[%swap3A, %swap3A_54], %add3A_53 {strides = array<i32>} : memref<3200x128xf32, #tpu.memory_space<vmem>>, vector<3200x128xf32>,
    %reshape3A_56 = vector.shape_cast %add3A_53 : vector<3200x128xf32> to vector<400x8x128xf32>
    %reduce_sum3A = arith.constant dense<0.000000e+00> : vector<400x128xf32>
    %reduce_sum3A_57 = vector.multi_reduction <add>, %reshape3A_56, %reduce_sum3A [1] : vector<400x8x128xf32> to vector<400x128xf32>
    %swap3A_58 = arith.constant 0 : index
    %swap3A_59 = arith.constant 0 : index
    %swap3A_60 = vector.load %arg11[%swap3A_58, %swap3A_59] : memref<400x128xf32, #tpu.memory_space<vmem>>, vector<400x128xf32>
    tpu.vector_store %arg11[%swap3A_58, %swap3A_59], %reduce_sum3A_57 {strides = array<i32>} : memref<400x128xf32, #tpu.memory_space<vmem>>, vector<400x128xf32>,
    return
  }
  func.func @transform_0(%arg0: i32) -> (i32, i32) {
    %c0_i32 = arith.constant 0 : i32
    %c0_i32_0 = arith.constant 0 : i32
    return %arg0, %c0_i32 : i32, i32
  }
  func.func @transform_1(%arg0: i32) -> (i32, i32) {
    %c0_i32 = arith.constant 0 : i32
    %c0_i32_0 = arith.constant 0 : i32
    return %arg0, %c0_i32 : i32, i32
  }
  func.func @transform_2(%arg0: i32) -> (i32, i32) {
    %c0_i32 = arith.constant 0 : i32
    %c0_i32_0 = arith.constant 0 : i32
    return %arg0, %c0_i32 : i32, i32
  }
  func.func @transform_3(%arg0: i32) -> (i32, i32) {
    %c0_i32 = arith.constant 0 : i32
    %c0_i32_0 = arith.constant 0 : i32
    return %arg0, %c0_i32 : i32, i32
  }
  func.func @transform_4(%arg0: i32) -> (i32, i32) {
    %c0_i32 = arith.constant 0 : i32
    %c0_i32_0 = arith.constant 0 : i32
    %c0_i32_1 = arith.constant 0 : i32
    return %c0_i32, %c0_i32_0 : i32, i32
  }
  func.func @transform_5(%arg0: i32) -> (i32, i32) {
    %c0_i32 = arith.constant 0 : i32
    %c0_i32_0 = arith.constant 0 : i32
    %c0_i32_1 = arith.constant 0 : i32
    return %c0_i32, %c0_i32_0 : i32, i32
  }
  func.func @transform_6(%arg0: i32) -> (i32, i32) {
    %c0_i32 = arith.constant 0 : i32
    %c0_i32_0 = arith.constant 0 : i32
    %c0_i32_1 = arith.constant 0 : i32
    return %c0_i32, %c0_i32_0 : i32, i32
  }
  func.func @transform_7(%arg0: i32) -> (i32, i32) {
    %c0_i32 = arith.constant 0 : i32
    %c0_i32_0 = arith.constant 0 : i32
    %c0_i32_1 = arith.constant 0 : i32
    return %c0_i32, %c0_i32_0 : i32, i32
  }
  func.func @transform_8(%arg0: i32) -> (i32, i32) {
    %c0_i32 = arith.constant 0 : i32
    %c0_i32_0 = arith.constant 0 : i32
    %c0_i32_1 = arith.constant 0 : i32
    return %c0_i32, %c0_i32_0 : i32, i32
  }
  func.func @transform_9(%arg0: i32) -> (i32, i32) {
    %c0_i32 = arith.constant 0 : i32
    %c0_i32_0 = arith.constant 0 : i32
    return %arg0, %c0_i32 : i32, i32
  }
  func.func @transform_10(%arg0: i32) -> (i32, i32) {
    %c0_i32 = arith.constant 0 : i32
    %c0_i32_0 = arith.constant 0 : i32
    return %arg0, %c0_i32 : i32, i32
  }
}

module attributes {stable_mosaic.version = 14 : i64} {
  func.func @_node1_body(%arg0: memref<10000x64xf32, #tpu.memory_space<vmem>>, %arg1: memref<10000x64xf32, #tpu.memory_space<vmem>>, %arg2: memref<10000x128xf32, #tpu.memory_space<vmem>>, %arg3: memref<2x10000x64xf32, #tpu.memory_space<vmem>>, %arg4: memref<1x64xf32, #tpu.memory_space<vmem>>, %arg5: memref<64x64xf32, #tpu.memory_space<vmem>>, %arg6: memref<64x64xf32, #tpu.memory_space<vmem>>, %arg7: memref<64x64xf32, #tpu.memory_space<vmem>>, %arg8: memref<64x64xf32, #tpu.memory_space<vmem>>, %arg9: memref<64x64xf32, #tpu.memory_space<vmem>>, %arg10: memref<1x64xf32, #tpu.memory_space<vmem>>, %arg11: memref<1x64xf32, #tpu.memory_space<vmem>>, %arg12: memref<1x64xf32, #tpu.memory_space<vmem>>) attributes {dimension_semantics = [], scalar_prefetch = 0 : i64, scratch_operands = 0 : i64, tpu.core_type = #tpu.core_type<tc>} {
    %get3A = arith.constant 0 : index
    %get3A_0 = arith.constant 0 : index
    %get3A_1 = vector.load %arg2[%get3A, %get3A_0] : memref<10000x128xf32, #tpu.memory_space<vmem>>, vector<10000x128xf32>
    %slice3A = vector.extract_strided_slice %get3A_1 {offsets = [0, 0], sizes = [10000, 64], strides = [1, 1]} : vector<10000x128xf32> to vector<10000x64xf32>
    %slice3A_2 = vector.extract_strided_slice %get3A_1 {offsets = [0, 64], sizes = [10000, 64], strides = [1, 1]} : vector<10000x128xf32> to vector<10000x64xf32>
    %add3A = arith.addf %slice3A, %slice3A_2 : vector<10000x64xf32>
    %get3A_3 = arith.constant 0 : index
    %get3A_4 = arith.constant 0 : index
    %get3A_5 = arith.constant 0 : index
    %get3A_6 = vector.load %arg3[%get3A_3, %get3A_4, %get3A_5] : memref<2x10000x64xf32, #tpu.memory_space<vmem>>, vector<1x10000x64xf32>
    %get3A_7 = vector.shape_cast %get3A_6 : vector<1x10000x64xf32> to vector<10000x64xf32>
    %get3A_8 = arith.constant 1 : index
    %get3A_9 = arith.constant 0 : index
    %get3A_10 = arith.constant 0 : index
    %get3A_11 = vector.load %arg3[%get3A_8, %get3A_9, %get3A_10] : memref<2x10000x64xf32, #tpu.memory_space<vmem>>, vector<1x10000x64xf32>
    %get3A_12 = vector.shape_cast %get3A_11 : vector<1x10000x64xf32> to vector<10000x64xf32>
    %add3A_13 = arith.addf %get3A_7, %get3A_12 : vector<10000x64xf32>
    %get3A_14 = arith.constant 0 : index
    %get3A_15 = arith.constant 0 : index
    %get3A_16 = vector.load %arg0[%get3A_14, %get3A_15] : memref<10000x64xf32, #tpu.memory_space<vmem>>, vector<10000x64xf32>
    %get3A_17 = arith.constant 0 : index
    %get3A_18 = arith.constant 0 : index
    %get3A_19 = vector.load %arg5[%get3A_17, %get3A_18] : memref<64x64xf32, #tpu.memory_space<vmem>>, vector<64x64xf32>
    %dot_general3A = arith.constant dense<0.000000e+00> : vector<10000x64xf32>
    %dot_general3A_20 = tpu.matmul %get3A_16, %get3A_19, %dot_general3A {dimension_numbers = #tpu.dot_dimension_numbers<[1], [0], [0], [1], [0, 0, 1, 1], [], []>, transpose_lhs_hint = false} : vector<10000x64xf32>, vector<64x64xf32>, vector<10000x64xf32> -> vector<10000x64xf32>
    %get3A_21 = arith.constant 0 : index
    %get3A_22 = arith.constant 0 : index
    %get3A_23 = vector.load %arg1[%get3A_21, %get3A_22] : memref<10000x64xf32, #tpu.memory_space<vmem>>, vector<10000x64xf32>
    %get3A_24 = arith.constant 0 : index
    %get3A_25 = arith.constant 0 : index
    %get3A_26 = vector.load %arg6[%get3A_24, %get3A_25] : memref<64x64xf32, #tpu.memory_space<vmem>>, vector<64x64xf32>
    %dot_general3A_27 = arith.constant dense<0.000000e+00> : vector<10000x64xf32>
    %dot_general3A_28 = tpu.matmul %get3A_23, %get3A_26, %dot_general3A_27 {dimension_numbers = #tpu.dot_dimension_numbers<[1], [0], [0], [1], [0, 0, 1, 1], [], []>, transpose_lhs_hint = false} : vector<10000x64xf32>, vector<64x64xf32>, vector<10000x64xf32> -> vector<10000x64xf32>
    %add3A_29 = arith.addf %dot_general3A_20, %dot_general3A_28 : vector<10000x64xf32>
    %get3A_30 = arith.constant 0 : index
    %get3A_31 = arith.constant 0 : index
    %get3A_32 = vector.load %arg7[%get3A_30, %get3A_31] : memref<64x64xf32, #tpu.memory_space<vmem>>, vector<64x64xf32>
    %dot_general3A_33 = arith.constant dense<0.000000e+00> : vector<10000x64xf32>
    %dot_general3A_34 = tpu.matmul %add3A, %get3A_32, %dot_general3A_33 {dimension_numbers = #tpu.dot_dimension_numbers<[1], [0], [0], [1], [0, 0, 1, 1], [], []>, transpose_lhs_hint = false} : vector<10000x64xf32>, vector<64x64xf32>, vector<10000x64xf32> -> vector<10000x64xf32>
    %add3A_35 = arith.addf %add3A_29, %dot_general3A_34 : vector<10000x64xf32>
    %get3A_36 = arith.constant 0 : index
    %get3A_37 = arith.constant 0 : index
    %get3A_38 = vector.load %arg8[%get3A_36, %get3A_37] : memref<64x64xf32, #tpu.memory_space<vmem>>, vector<64x64xf32>
    %dot_general3A_39 = arith.constant dense<0.000000e+00> : vector<10000x64xf32>
    %dot_general3A_40 = tpu.matmul %add3A_13, %get3A_38, %dot_general3A_39 {dimension_numbers = #tpu.dot_dimension_numbers<[1], [0], [0], [1], [0, 0, 1, 1], [], []>, transpose_lhs_hint = false} : vector<10000x64xf32>, vector<64x64xf32>, vector<10000x64xf32> -> vector<10000x64xf32>
    %add3A_41 = arith.addf %add3A_35, %dot_general3A_40 : vector<10000x64xf32>
    %get3A_42 = arith.constant 0 : index
    %get3A_43 = arith.constant 0 : index
    %get3A_44 = vector.load %arg4[%get3A_42, %get3A_43] : memref<1x64xf32, #tpu.memory_space<vmem>>, vector<1x64xf32>
    %add3A_45 = vector.broadcast %get3A_44 : vector<1x64xf32> to vector<10000x64xf32>
    %add3A_46 = arith.addf %add3A_41, %add3A_45 : vector<10000x64xf32>
    %max3A = arith.constant 0.000000e+00 : f32
    %max3A_47 = vector.broadcast %max3A : f32 to vector<10000x64xf32>
    %max3A_48 = arith.maximumf %add3A_46, %max3A_47 : vector<10000x64xf32>
    %abs3A = math.absf %add3A_46 : vector<10000x64xf32>
    %neg3A = arith.constant 0.000000e+00 : f32
    %neg3A_49 = vector.broadcast %neg3A : f32 to vector<10000x64xf32>
    %neg3A_50 = arith.subf %neg3A_49, %abs3A : vector<10000x64xf32>
    %exp3A = math.exp %neg3A_50 : vector<10000x64xf32>
    %log1p3A = math.log1p %exp3A : vector<10000x64xf32>
    %add3A_51 = arith.addf %max3A_48, %log1p3A : vector<10000x64xf32>
    %get3A_52 = arith.constant 0 : index
    %get3A_53 = arith.constant 0 : index
    %get3A_54 = vector.load %arg9[%get3A_52, %get3A_53] : memref<64x64xf32, #tpu.memory_space<vmem>>, vector<64x64xf32>
    %dot_general3A_55 = arith.constant dense<0.000000e+00> : vector<10000x64xf32>
    %dot_general3A_56 = tpu.matmul %add3A_51, %get3A_54, %dot_general3A_55 {dimension_numbers = #tpu.dot_dimension_numbers<[1], [0], [0], [1], [0, 0, 1, 1], [], []>, transpose_lhs_hint = false} : vector<10000x64xf32>, vector<64x64xf32>, vector<10000x64xf32> -> vector<10000x64xf32>
    %get3A_57 = arith.constant 0 : index
    %get3A_58 = arith.constant 0 : index
    %get3A_59 = vector.load %arg10[%get3A_57, %get3A_58] : memref<1x64xf32, #tpu.memory_space<vmem>>, vector<1x64xf32>
    %add3A_60 = vector.broadcast %get3A_59 : vector<1x64xf32> to vector<10000x64xf32>
    %add3A_61 = arith.addf %dot_general3A_56, %add3A_60 : vector<10000x64xf32>
    %max3A_62 = arith.constant 0.000000e+00 : f32
    %max3A_63 = vector.broadcast %max3A_62 : f32 to vector<10000x64xf32>
    %max3A_64 = arith.maximumf %add3A_61, %max3A_63 : vector<10000x64xf32>
    %abs3A_65 = math.absf %add3A_61 : vector<10000x64xf32>
    %neg3A_66 = arith.constant 0.000000e+00 : f32
    %neg3A_67 = vector.broadcast %neg3A_66 : f32 to vector<10000x64xf32>
    %neg3A_68 = arith.subf %neg3A_67, %abs3A_65 : vector<10000x64xf32>
    %exp3A_69 = math.exp %neg3A_68 : vector<10000x64xf32>
    %log1p3A_70 = math.log1p %exp3A_69 : vector<10000x64xf32>
    %add3A_71 = arith.addf %max3A_64, %log1p3A_70 : vector<10000x64xf32>
    %reduce_sum3A = arith.constant dense<0.000000e+00> : vector<64xf32>
    %reduce_sum3A_72 = vector.multi_reduction <add>, %add3A_71, %reduce_sum3A [0] : vector<10000x64xf32> to vector<64xf32>
    %broadcast_in_dim3A = vector.shape_cast %reduce_sum3A_72 : vector<64xf32> to vector<1x64xf32>
    %swap3A = arith.constant 0 : index
    %swap3A_73 = arith.constant 0 : index
    %swap3A_74 = vector.load %arg11[%swap3A, %swap3A_73] : memref<1x64xf32, #tpu.memory_space<vmem>>, vector<1x64xf32>
    tpu.vector_store %arg11[%swap3A, %swap3A_73], %broadcast_in_dim3A {strides = array<i32>} : memref<1x64xf32, #tpu.memory_space<vmem>>, vector<1x64xf32>,
    %reduce_sum3A_75 = arith.constant dense<0.000000e+00> : vector<64xf32>
    %reduce_sum3A_76 = vector.multi_reduction <add>, %add3A, %reduce_sum3A_75 [0] : vector<10000x64xf32> to vector<64xf32>
    %broadcast_in_dim3A_77 = vector.shape_cast %reduce_sum3A_76 : vector<64xf32> to vector<1x64xf32>
    %swap3A_78 = arith.constant 0 : index
    %swap3A_79 = arith.constant 0 : index
    %swap3A_80 = vector.load %arg12[%swap3A_78, %swap3A_79] : memref<1x64xf32, #tpu.memory_space<vmem>>, vector<1x64xf32>
    tpu.vector_store %arg12[%swap3A_78, %swap3A_79], %broadcast_in_dim3A_77 {strides = array<i32>} : memref<1x64xf32, #tpu.memory_space<vmem>>, vector<1x64xf32>,
    return
  }
}

module attributes {stable_mosaic.version = 14 : i64} {
  func.func @_glob1_body(%arg0: memref<1x64xf32, #tpu.memory_space<vmem>>, %arg1: memref<1x64xf32, #tpu.memory_space<vmem>>, %arg2: memref<1x64xf32, #tpu.memory_space<vmem>>, %arg3: memref<1x64xf32, #tpu.memory_space<vmem>>, %arg4: memref<64x64xf32, #tpu.memory_space<vmem>>, %arg5: memref<64x64xf32, #tpu.memory_space<vmem>>, %arg6: memref<64x64xf32, #tpu.memory_space<vmem>>, %arg7: memref<64x64xf32, #tpu.memory_space<vmem>>, %arg8: memref<1x64xf32, #tpu.memory_space<vmem>>, %arg9: memref<64x64xf32, #tpu.memory_space<vmem>>, %arg10: memref<1x64xf32, #tpu.memory_space<vmem>>, %arg11: memref<64x64xf32, #tpu.memory_space<vmem>>, %arg12: memref<1x64xf32, #tpu.memory_space<vmem>>, %arg13: memref<64x64xf32, #tpu.memory_space<vmem>>, %arg14: memref<1x64xf32, #tpu.memory_space<vmem>>, %arg15: memref<1x64xf32, #tpu.memory_space<vmem>>, %arg16: memref<1x1xf32, #tpu.memory_space<vmem>>, %arg17: memref<1x1xf32, #tpu.memory_space<vmem>>) attributes {dimension_semantics = [], scalar_prefetch = 0 : i64, scratch_operands = 0 : i64, tpu.core_type = #tpu.core_type<tc>} {
    %get3A = arith.constant 0 : index
    %get3A_0 = arith.constant 0 : index
    %get3A_1 = vector.load %arg0[%get3A, %get3A_0] : memref<1x64xf32, #tpu.memory_space<vmem>>, vector<1x64xf32>
    %get3A_2 = arith.constant 0 : index
    %get3A_3 = arith.constant 0 : index
    %get3A_4 = vector.load %arg4[%get3A_2, %get3A_3] : memref<64x64xf32, #tpu.memory_space<vmem>>, vector<64x64xf32>
    %dot_general3A = arith.constant dense<0.000000e+00> : vector<1x64xf32>
    %dot_general3A_5 = tpu.matmul %get3A_1, %get3A_4, %dot_general3A {dimension_numbers = #tpu.dot_dimension_numbers<[1], [0], [0], [1], [0, 0, 1, 1], [], []>, transpose_lhs_hint = false} : vector<1x64xf32>, vector<64x64xf32>, vector<1x64xf32> -> vector<1x64xf32>
    %get3A_6 = arith.constant 0 : index
    %get3A_7 = arith.constant 0 : index
    %get3A_8 = vector.load %arg1[%get3A_6, %get3A_7] : memref<1x64xf32, #tpu.memory_space<vmem>>, vector<1x64xf32>
    %get3A_9 = arith.constant 0 : index
    %get3A_10 = arith.constant 0 : index
    %get3A_11 = vector.load %arg5[%get3A_9, %get3A_10] : memref<64x64xf32, #tpu.memory_space<vmem>>, vector<64x64xf32>
    %dot_general3A_12 = arith.constant dense<0.000000e+00> : vector<1x64xf32>
    %dot_general3A_13 = tpu.matmul %get3A_8, %get3A_11, %dot_general3A_12 {dimension_numbers = #tpu.dot_dimension_numbers<[1], [0], [0], [1], [0, 0, 1, 1], [], []>, transpose_lhs_hint = false} : vector<1x64xf32>, vector<64x64xf32>, vector<1x64xf32> -> vector<1x64xf32>
    %add3A = arith.addf %dot_general3A_5, %dot_general3A_13 : vector<1x64xf32>
    %get3A_14 = arith.constant 0 : index
    %get3A_15 = arith.constant 0 : index
    %get3A_16 = vector.load %arg2[%get3A_14, %get3A_15] : memref<1x64xf32, #tpu.memory_space<vmem>>, vector<1x64xf32>
    %get3A_17 = arith.constant 0 : index
    %get3A_18 = arith.constant 0 : index
    %get3A_19 = vector.load %arg6[%get3A_17, %get3A_18] : memref<64x64xf32, #tpu.memory_space<vmem>>, vector<64x64xf32>
    %dot_general3A_20 = arith.constant dense<0.000000e+00> : vector<1x64xf32>
    %dot_general3A_21 = tpu.matmul %get3A_16, %get3A_19, %dot_general3A_20 {dimension_numbers = #tpu.dot_dimension_numbers<[1], [0], [0], [1], [0, 0, 1, 1], [], []>, transpose_lhs_hint = false} : vector<1x64xf32>, vector<64x64xf32>, vector<1x64xf32> -> vector<1x64xf32>
    %add3A_22 = arith.addf %add3A, %dot_general3A_21 : vector<1x64xf32>
    %get3A_23 = arith.constant 0 : index
    %get3A_24 = arith.constant 0 : index
    %get3A_25 = vector.load %arg3[%get3A_23, %get3A_24] : memref<1x64xf32, #tpu.memory_space<vmem>>, vector<1x64xf32>
    %get3A_26 = arith.constant 0 : index
    %get3A_27 = arith.constant 0 : index
    %get3A_28 = vector.load %arg7[%get3A_26, %get3A_27] : memref<64x64xf32, #tpu.memory_space<vmem>>, vector<64x64xf32>
    %dot_general3A_29 = arith.constant dense<0.000000e+00> : vector<1x64xf32>
    %dot_general3A_30 = tpu.matmul %get3A_25, %get3A_28, %dot_general3A_29 {dimension_numbers = #tpu.dot_dimension_numbers<[1], [0], [0], [1], [0, 0, 1, 1], [], []>, transpose_lhs_hint = false} : vector<1x64xf32>, vector<64x64xf32>, vector<1x64xf32> -> vector<1x64xf32>
    %add3A_31 = arith.addf %add3A_22, %dot_general3A_30 : vector<1x64xf32>
    %get3A_32 = arith.constant 0 : index
    %get3A_33 = arith.constant 0 : index
    %get3A_34 = vector.load %arg8[%get3A_32, %get3A_33] : memref<1x64xf32, #tpu.memory_space<vmem>>, vector<1x64xf32>
    %add3A_35 = arith.addf %add3A_31, %get3A_34 : vector<1x64xf32>
    %max3A = arith.constant 0.000000e+00 : f32
    %max3A_36 = vector.broadcast %max3A : f32 to vector<1x64xf32>
    %max3A_37 = arith.maximumf %add3A_35, %max3A_36 : vector<1x64xf32>
    %abs3A = math.absf %add3A_35 : vector<1x64xf32>
    %neg3A = arith.constant 0.000000e+00 : f32
    %neg3A_38 = vector.broadcast %neg3A : f32 to vector<1x64xf32>
    %neg3A_39 = arith.subf %neg3A_38, %abs3A : vector<1x64xf32>
    %exp3A = math.exp %neg3A_39 : vector<1x64xf32>
    %log1p3A = math.log1p %exp3A : vector<1x64xf32>
    %add3A_40 = arith.addf %max3A_37, %log1p3A : vector<1x64xf32>
    %get3A_41 = arith.constant 0 : index
    %get3A_42 = arith.constant 0 : index
    %get3A_43 = vector.load %arg9[%get3A_41, %get3A_42] : memref<64x64xf32, #tpu.memory_space<vmem>>, vector<64x64xf32>
    %dot_general3A_44 = arith.constant dense<0.000000e+00> : vector<1x64xf32>
    %dot_general3A_45 = tpu.matmul %add3A_40, %get3A_43, %dot_general3A_44 {dimension_numbers = #tpu.dot_dimension_numbers<[1], [0], [0], [1], [0, 0, 1, 1], [], []>, transpose_lhs_hint = false} : vector<1x64xf32>, vector<64x64xf32>, vector<1x64xf32> -> vector<1x64xf32>
    %get3A_46 = arith.constant 0 : index
    %get3A_47 = arith.constant 0 : index
    %get3A_48 = vector.load %arg10[%get3A_46, %get3A_47] : memref<1x64xf32, #tpu.memory_space<vmem>>, vector<1x64xf32>
    %add3A_49 = arith.addf %dot_general3A_45, %get3A_48 : vector<1x64xf32>
    %max3A_50 = arith.constant 0.000000e+00 : f32
    %max3A_51 = vector.broadcast %max3A_50 : f32 to vector<1x64xf32>
    %max3A_52 = arith.maximumf %add3A_49, %max3A_51 : vector<1x64xf32>
    %abs3A_53 = math.absf %add3A_49 : vector<1x64xf32>
    %neg3A_54 = arith.constant 0.000000e+00 : f32
    %neg3A_55 = vector.broadcast %neg3A_54 : f32 to vector<1x64xf32>
    %neg3A_56 = arith.subf %neg3A_55, %abs3A_53 : vector<1x64xf32>
    %exp3A_57 = math.exp %neg3A_56 : vector<1x64xf32>
    %log1p3A_58 = math.log1p %exp3A_57 : vector<1x64xf32>
    %add3A_59 = arith.addf %max3A_52, %log1p3A_58 : vector<1x64xf32>
    %get3A_60 = arith.constant 0 : index
    %get3A_61 = arith.constant 0 : index
    %get3A_62 = vector.load %arg11[%get3A_60, %get3A_61] : memref<64x64xf32, #tpu.memory_space<vmem>>, vector<64x64xf32>
    %dot_general3A_63 = arith.constant dense<0.000000e+00> : vector<1x64xf32>
    %dot_general3A_64 = tpu.matmul %add3A_59, %get3A_62, %dot_general3A_63 {dimension_numbers = #tpu.dot_dimension_numbers<[1], [0], [0], [1], [0, 0, 1, 1], [], []>, transpose_lhs_hint = false} : vector<1x64xf32>, vector<64x64xf32>, vector<1x64xf32> -> vector<1x64xf32>
    %get3A_65 = arith.constant 0 : index
    %get3A_66 = arith.constant 0 : index
    %get3A_67 = vector.load %arg12[%get3A_65, %get3A_66] : memref<1x64xf32, #tpu.memory_space<vmem>>, vector<1x64xf32>
    %add3A_68 = arith.addf %dot_general3A_64, %get3A_67 : vector<1x64xf32>
    %max3A_69 = arith.constant 0.000000e+00 : f32
    %max3A_70 = vector.broadcast %max3A_69 : f32 to vector<1x64xf32>
    %max3A_71 = arith.maximumf %add3A_68, %max3A_70 : vector<1x64xf32>
    %abs3A_72 = math.absf %add3A_68 : vector<1x64xf32>
    %neg3A_73 = arith.constant 0.000000e+00 : f32
    %neg3A_74 = vector.broadcast %neg3A_73 : f32 to vector<1x64xf32>
    %neg3A_75 = arith.subf %neg3A_74, %abs3A_72 : vector<1x64xf32>
    %exp3A_76 = math.exp %neg3A_75 : vector<1x64xf32>
    %log1p3A_77 = math.log1p %exp3A_76 : vector<1x64xf32>
    %add3A_78 = arith.addf %max3A_71, %log1p3A_77 : vector<1x64xf32>
    %get3A_79 = arith.constant 0 : index
    %get3A_80 = arith.constant 0 : index
    %get3A_81 = vector.load %arg13[%get3A_79, %get3A_80] : memref<64x64xf32, #tpu.memory_space<vmem>>, vector<64x64xf32>
    %dot_general3A_82 = arith.constant dense<0.000000e+00> : vector<1x64xf32>
    %dot_general3A_83 = tpu.matmul %add3A_78, %get3A_81, %dot_general3A_82 {dimension_numbers = #tpu.dot_dimension_numbers<[1], [0], [0], [1], [0, 0, 1, 1], [], []>, transpose_lhs_hint = false} : vector<1x64xf32>, vector<64x64xf32>, vector<1x64xf32> -> vector<1x64xf32>
    %get3A_84 = arith.constant 0 : index
    %get3A_85 = arith.constant 0 : index
    %get3A_86 = vector.load %arg14[%get3A_84, %get3A_85] : memref<1x64xf32, #tpu.memory_space<vmem>>, vector<1x64xf32>
    %add3A_87 = arith.addf %dot_general3A_83, %get3A_86 : vector<1x64xf32>
    %max3A_88 = arith.constant 0.000000e+00 : f32
    %max3A_89 = vector.broadcast %max3A_88 : f32 to vector<1x64xf32>
    %max3A_90 = arith.maximumf %add3A_87, %max3A_89 : vector<1x64xf32>
    %abs3A_91 = math.absf %add3A_87 : vector<1x64xf32>
    %neg3A_92 = arith.constant 0.000000e+00 : f32
    %neg3A_93 = vector.broadcast %neg3A_92 : f32 to vector<1x64xf32>
    %neg3A_94 = arith.subf %neg3A_93, %abs3A_91 : vector<1x64xf32>
    %exp3A_95 = math.exp %neg3A_94 : vector<1x64xf32>
    %log1p3A_96 = math.log1p %exp3A_95 : vector<1x64xf32>
    %add3A_97 = arith.addf %max3A_90, %log1p3A_96 : vector<1x64xf32>
    %get3A_98 = arith.constant 0 : index
    %get3A_99 = arith.constant 0 : index
    %get3A_100 = vector.load %arg15[%get3A_98, %get3A_99] : memref<1x64xf32, #tpu.memory_space<vmem>>, vector<1x64xf32>
    %mul3A = arith.mulf %add3A_97, %get3A_100 : vector<1x64xf32>
    %reduce_sum3A = arith.constant dense<0.000000e+00> : vector<1xf32>
    %reduce_sum3A_101 = vector.multi_reduction <add>, %mul3A, %reduce_sum3A [1] : vector<1x64xf32> to vector<1xf32>
    %broadcast_in_dim3A = vector.shape_cast %reduce_sum3A_101 : vector<1xf32> to vector<1x1xf32>
    %get3A_102 = arith.constant 0 : index
    %get3A_103 = arith.constant 0 : index
    %get3A_104 = vector.load %arg16[%get3A_102, %get3A_103] : memref<1x1xf32, #tpu.memory_space<vmem>>, vector<1x1xf32>
    %add3A_105 = arith.addf %broadcast_in_dim3A, %get3A_104 : vector<1x1xf32>
    %swap3A = arith.constant 0 : index
    %swap3A_106 = arith.constant 0 : index
    %swap3A_107 = vector.load %arg17[%swap3A, %swap3A_106] : memref<1x1xf32, #tpu.memory_space<vmem>>, vector<1x1xf32>
    tpu.vector_store %arg17[%swap3A, %swap3A_106], %add3A_105 {strides = array<i32>} : memref<1x1xf32, #tpu.memory_space<vmem>>, vector<1x1xf32>,
    return
  }
}

</mosaic_0001>

<sc_bundles>
// kernel: kernel.13.cloned.1.call-start
scs
__scs_entry_jumppad:
0x0: {  	(pc) =	sbr.rel $0x88, $3  }
0x1: {  	(tag) =	ssettag $0x0;
	lr =	simm.s32 $0x1  }
0x2: {  	[smem:$0x3F7F] =	sst lr;
	_ =	strace $0xD0000000  }
0x3: {  	_ = 	snop  }
0x4: {  	_ = 	snop  }
0x5: {  	_ = 	snop  }
0x6: {  	_ = 	snop  }
0x7: {  	_ = 	snop  }
__scs_overlays_trampoline_lowered:
0x8: {  	[smem:$0x3F8E] =	sst s0  }
0x9: {  	[smem:$0x3F8F] =	sst s1  }
0xa: {  	[smem:$0x3F90] =	sst s2  }
0xb: {  	[smem:$0x3F91] =	sst s3  }
0xc: {  	[smem:$0x3F92] =	sst s4  }
0xd: {  	[smem:$0x3F93] =	sst s5  }
0xe: {  	[smem:$0x3F94] =	sst s6  }
0xf: {  	[smem:$0x3F95] =	sst s7  }
0x10: {  	[smem:$0x3F96] =	sst s8  }
0x11: {  	[smem:$0x3F97] =	sst s9;
	s0 =	simm.s32 @!p0 $0x0  }
0x12: {  	s1 =	sld [smem:$0x3F7D];
	s0 =	simm.s32 @p0 $0x1  }
0x13: {  	[smem:$0x3F98] =	sst s0;
	s0 =	simm.s32 @!p1 $0x0  }
0x14: {  	s2 =	sld [smem:$0x3F7C];
	s0 =	simm.s32 @p1 $0x1  }
0x15: {  	[smem:$0x3F99] =	sst s0;
	s0 =	simm.s32 @!p2 $0x0  }
0x16: {  	s3 =	sld [smem:$0x3FDB];
	s0 =	simm.s32 @p2 $0x1  }
0x17: {  	s4 =	simm.s32 $0x1BF5;
	[smem:$0x3F9B] =	sst s0  }
0x18: {  	s0 =	sld [smem:$0x3F7E];
	_ =	swait.ge [sflag:s4], $0x0  }
0x19: {  	s7 =	sld [smem:$0x3F7F]  }
0x1a: {  	s8 =	sadd.s32 $0xFFFFE003, lr  }
0x1b: {  	s9 =	sadd.s32 $0xFFFFFEF7, lr;
	s5 =	simm.s32 $0xFFFFFFFF;
	p2 =	slt.u32 s8, $0xFFFFF086  }
0x1c: {  	p1 =	slt.u32 s9, $0xF7A;
	s5 =	simm.s32 @!p2 $0x0  }
0x1d: {  	s5 =	simm.s32 @p1 $0x1;
	p0 =	seq.s32 s7, s2  }
0x1e: {  	s7 =	smul.u32 @!p0 $0xF7A, s2;
	p2 =	seq.s32 @!p0 s5, $0x0  }
0x1f: {  	s9 =	smul.u32 $0xF7A, s1;
	s8 =	simm.s32 @!p0 $0x1BF5;
	p2 =	por !p2, p0  }
0x20: {  	[sflag:s8] =	ssyncset.s32 @!p0 $0xFFFFF086;
	s6 =	sadd.s32 @!p0 s3, s7;
	s7 =	simm.s32 @!p0 $0x108  }
0x21: {  	s3 =	sadd.s32 s3, s9;
	s6 =	sadd.s32 @!p0 $0x88, s6;
	s7 =	simm.s32 @p2 $0x1082  }
0x22: {  	[simem:s7], [sflag:s8] =	dma.local @!p0 [hbm:s6], $0xF7A  }
0x23: {  	s9 =	sor.u32 $0xD0000000, s2;
	s6 =	simm.s32 $0x108;
	_ =	swait.ge @!p0 [sflag:s8], $0x0  }
0x24: {  	s3 =	sadd.s32 $0x88, s3;
	s6 =	simm.s32 @!p1 $0x1082;
	[sflag:s4] =	ssyncset.s32 $0xFFFFF086  }
0x25: {  	[simem:s6], [sflag:s4] =	dma.local [hbm:s3], $0xF7A  }
0x26: {  	[smem:$0x3F7F] =	sst s1;
	(tag) =	ssettag s2;
	_ =	strace s9  }
0x27: {  	s1 =	sld [smem:$0x3F8F]  }
0x28: {  	s2 =	sld [smem:$0x3F90]  }
0x29: {  	s4 =	sld [smem:$0x3F92]  }
0x2a: {  	p0 =	seq.s32 s5, $0x0;
	s5 =	sld [smem:$0x3F93]  }
0x2b: {  	s6 =	sld [smem:$0x3F94]  }
0x2c: {  	s7 =	sld [smem:$0x3F95]  }
0x2d: {  	s3 =	simm.s32 $0x108;
	s8 =	sld [smem:$0x3F96]  }
0x2e: {  	s3 =	simm.s32 @!p0 $0x1082;
	s9 =	sld [smem:$0x3F97]  }
0x2f: {  	lr =	sadd.s32 s0, s3;
	s0 =	sld [smem:$0x3F8E]  }
0x30: {  	s3 =	sld [smem:$0x3F91]  }
0x31: {  	[smem:$0x3F9A] =	sst s10  }
0x32: {  	s10 =	sld [smem:$0x3F98];
	_ =	sdelay $0x3  }
0x33: {  	p0 =	seq.s32 s10, $0x1;
	s10 =	sld [smem:$0x3F9A];
	_ =	sdelay $0x3  }
0x34: {  	[smem:$0x3F9A] =	sst s10  }
0x35: {  	s10 =	sld [smem:$0x3F99];
	_ =	sdelay $0x3  }
0x36: {  	p1 =	seq.s32 s10, $0x1;
	s10 =	sld [smem:$0x3F9A];
	_ =	sdelay $0x3  }
0x37: {  	[smem:$0x3F9A] =	sst s10  }
0x38: {  	s10 =	sld [smem:$0x3F9B]  }
0x39: {  	_ = 	snop;
	(pc) =	sbr.ind lr, $3  }
0x3a: {  	_ = 	snop  }
0x3b: {  	_ = 	snop  }
0x3c: {  	p2 =	seq.s32 s10, $0x1;
	s10 =	sld [smem:$0x3F9A]  }
0x3d: {  	_ =	shalt  }
0x3e: {  	_ =	shalt  }
0x3f: {  	_ =	shalt  }
0x40: {  	_ =	shalt  }
0x41: {  	_ =	shalt  }
0x42: {  	_ =	shalt  }
0x43: {  	_ =	shalt  }
0x44: {  	_ =	shalt  }
0x45: {  	_ =	shalt  }
0x46: {  	_ =	shalt  }
0x47: {  	_ =	shalt  }
0x48: {  	_ =	shalt  }
0x49: {  	_ =	shalt  }
0x4a: {  	_ =	shalt  }
0x4b: {  	_ =	shalt  }
0x4c: {  	_ =	shalt  }
0x4d: {  	_ =	shalt  }
0x4e: {  	_ =	shalt  }
0x4f: {  	_ =	shalt  }
0x50: {  	_ =	shalt  }
0x51: {  	_ =	shalt  }
0x52: {  	_ =	shalt  }
0x53: {  	_ =	shalt  }
0x54: {  	_ =	shalt  }
0x55: {  	_ =	shalt  }
0x56: {  	_ =	shalt  }
0x57: {  	_ =	shalt  }
0x58: {  	_ =	shalt  }
0x59: {  	_ =	shalt  }
0x5a: {  	_ =	shalt  }
0x5b: {  	_ =	shalt  }
0x5c: {  	_ =	shalt  }
0x5d: {  	_ =	shalt  }
0x5e: {  	_ =	shalt  }
0x5f: {  	_ =	shalt  }
0x60: {  	_ =	shalt  }
0x61: {  	_ =	shalt  }
0x62: {  	_ =	shalt  }
0x63: {  	_ =	shalt  }
0x64: {  	_ =	shalt  }
0x65: {  	_ =	shalt  }
0x66: {  	_ =	shalt  }
0x67: {  	_ =	shalt  }
0x68: {  	_ =	shalt  }
0x69: {  	_ =	shalt  }
0x6a: {  	_ =	shalt  }
0x6b: {  	_ =	shalt  }
0x6c: {  	_ =	shalt  }
0x6d: {  	_ =	shalt  }
0x6e: {  	_ =	shalt  }
0x6f: {  	_ =	shalt  }
0x70: {  	_ =	shalt  }
0x71: {  	_ =	shalt  }
0x72: {  	_ =	shalt  }
0x73: {  	_ =	shalt  }
0x74: {  	_ =	shalt  }
0x75: {  	_ =	shalt  }
0x76: {  	_ =	shalt  }
0x77: {  	_ =	shalt  }
0x78: {  	_ =	shalt  }
0x79: {  	_ =	shalt  }
0x7a: {  	_ =	shalt  }
0x7b: {  	_ =	shalt  }
0x7c: {  	_ =	shalt  }
0x7d: {  	_ =	shalt  }
0x7e: {  	_ =	shalt  }
0x7f: {  	_ =	shalt  }
0x80: {  	_ =	shalt  }
0x81: {  	_ =	shalt  }
0x82: {  	_ =	shalt  }
0x83: {  	_ =	shalt  }
0x84: {  	_ =	shalt  }
0x85: {  	_ =	shalt  }
0x86: {  	_ =	shalt  }
0x87: {  	_ =	shalt  }
.Lfunc_end0:
.L_simem_size_0:
called_computation_lowered:
.L_overlay_start_0:
0x88: {  	s2 =	sld [smem:$0x3FD9]  }
0x89: {  	s3 =	sld [smem:$0x3FFE];
	_ =	sdelay $0x1  }
0x8a: {  	s1 =	srdreg.scid  }
0x8b: {  	s0 =	sand.u32 $0x1, s1  }
0x8c: {  	s16 =	sshll.u32 s0, $0xA;
	s2 =	sadd.s32 s3, s2  }
0x8d: {  	s2 =	sadd.s32 s2, s16  }
0x8e: {  	[smem:$0x3FA6] =	sst s2  }
0x8f: {  	_ = 	snop  }
0x90: {  	(tm) =	ssettm $0x1  }
0x91: {  	s17 =	sld [smem:$0x3FFB];
	_ =	sdelay $0x3  }
0x92: {  	_ =	strace s17  }
0x93: {  	s2 =	sld [smem:$0x3FFC];
	_ =	sdelay $0x3  }
0x94: {  	_ =	strace s2  }
0x95: {  	s2 =	sld [smem:$0x3FFD];
	_ =	sdelay $0x3  }
0x96: {  	_ =	strace s2  }
0x97: {  	_ =	strace $0x8FFFFFFF  }
0x98: {  	s18 =	sld [smem:$0x3FDB];
	_ =	sdelay $0x1  }
0x99: {  	s19 =	simm.s32 $_scs_section_size  }
0x9a: {  	s4 =	simm.s32 $_size__tile_overlayer_lowered;
	s5 =	simm.s32 $_tile_overlayer_lowered  }
0x9b: {  	s22 =	simm.s32 $0x1BFF;
	s21 =	sshll.u32 s5, $0x1;
	s2 =	sadd.s32 s19, s18  }
0x9c: {  	s6 =	simm.s32 $0x0;
	s20 =	sshll.u32 s4, $0x1;
	s4 =	sadd.s32 s21, s2  }
0x9d: {  	[timem:s6], [sflag:s22] =	dma.local [hbm:s4], s20  }
0x9e: {  	_ =	swait.ge [sflag:s22], s20  }
0x9f: {  	s3 =	ssub.s32 $0x0, s20;
	[sflag:s22] =	ssyncset.done $0x0  }
0xa0: {  	[sflag:s22] =	ssyncadd.s32 s3;
	_ =	sdelay $0x1  }
0xa1: {  	s23 =	simm.s32 $0x1B8B  }
0xa2: {  	_ =	swait.ge [sflag:s23], $0x1  }
0xa3: {  	[sflag:s23] =	ssyncset.done $0x0  }
0xa4: {  	s25 =	simm.s32 $0x1B8E;
	s24 =	sld [smem:$0x3FFE];
	[sflag:s23] =	ssyncadd.s32 $0xFFFFFFFF  }
0xa5: {  	s26 =	simm.s32 $execute0_lowered;
	[smem:$0x3FD2] =	sst s25  }
0xa6: {  	s4 =	sshll.u32 s26, $0x1;
	_ =	strace $0x80000046;
	[dreg:$0x1] =	wrdreg $0xFFFFFFFF  }
0xa7: {  	s28 =	simm.s32 $_size_execute0_lowered;
	s2 =	sadd.s32 s2, s4;
	[dreg:$0x0] =	wrdreg $0x0  }
0xa8: {  	s4 =	sshll.u32 s28, $0x1;
	[dreg:$0x2] =	wrdreg s2  }
0xa9: {  	[dreg:$0x3] =	wrdreg s4  }
0xaa: {  	[dreg:$0x4] =	wrdreg $0xC0  }
0xab: {  	_ =	task [dreg:s6], $0x5FFFF  }
0xac: {  	[dreg:$0x1] =	wrdreg $0xFFFFFFFF  }
0xad: {  	[dreg:$0x0] =	wrdreg $0x60  }
0xae: {  	[dreg:$0x2] =	wrdreg s24  }
0xaf: {  	[dreg:$0x3] =	wrdreg $0x9  }
0xb0: {  	_ =	task.clear_ibuf [dreg:s6], $0x4FFFF;
	_ =	strace $0x90000046  }
0xb1: {  	s29 =	simm.s32 $0x9;
	_ =	strace $0x80000048  }
0xb2: {  	_ =	swait.ge [sflag:s29], $0x1  }
0xb3: {  	[sflag:s29] =	ssyncadd.s32 $0xFFFFFFFF  }
0xb4: {  	_ =	strace $0x90000048  }
0xb5: {  	_ =	sfence  }
0xb6: {  	s30 =	sld [smem:$0x0];
	_ =	sdelay $0x2  }
0xb7: {  	s31 =	sshll.u32 s1, $0xD;
	s1 =	sshrl.u32 s1, $0x2  }
0xb8: {  	s3 =	sand.u32 $0x4000, s31;
	s1 =	sadd.s32 s1, s30  }
0xb9: {  	s0 =	sor.u32 s3, s0;
	s1 =	sshll.u32 s1, $0x11  }
0xba: {  	s0 =	sor.u32 s1, s0  }
0xbb: {  	s0 =	sadd.s32 $0x8F2B, s0  }
0xbc: {  	[sflag:s0] =	ssyncadd.remote.s32 $0x1  }
0xbd: {  	_ =	sfence.sel $0xFFFF  }
0xbe: {  	[dreg:$0x0] =	wrdreg $0xFFFFFFFF;
	(pc) =	sbr.abs _section_cstart, $3  }
0xbf: {  	[dreg:$0x1] =	wrdreg $0xFFFFFFFF  }
0xc0: {  	_ =	task.clear_ibuf [dreg:s6], $0x2FFFF;
	_ =	strace $0x9FFFFFFF  }
0xc1: {  	(tm) =	ssettm $0x7FFFFFFF  }
tec
execute0_lowered:
.L_overlay_start_1:
0x0: {  	(tag) =	ssettag $0x1  }
0x1: {  	s1 =	srdreg.scid;
	s0 =	stileid.u32  }
0x2: {  	s16 =	sand.u32 $0x1, s1;
	s26 =	sshll.u32 s0, $0x1  }
0x3: {  	s8 =	sor.u32 s16, s26  }
0x4: {  	s9 =	rddreg [dreg:$0x0];
	s17 =	smul.u32 $0x1388, s8  }
0x5: {  	s2 =	simm.s32 $0x0;
	s1 =	rddreg [dreg:$0x1]  }
0x6: {  	[smem:$0x7FF] =	sst s2;
	s15 =	sadd.s32 $0x155600, s9;
	s3 =	sshrl.u32 s17, $0x3  }
0x7: {  	_ =	strace $0x80000047;
	s4 =	sadd.s32 s15, s3;
	s3 =	simm.s32 $0x2  }
0x8: {  	[tilespmem:s2], [sflag:$0x2] =	stream.linear.gather [hbm4b:s4+s2], $0x3E8, $0x38;
	[tilespmem:$0xFDE8] =	vst v63  }
0x9: {  	_ =	swait.ge [sflag:s3], $0x3E8  }
0xa: {  	s6 =	simm.s32 $0x3E8;
	[sflag:s3] =	ssyncset.done $0x0  }
0xb: {  	s7 =	simm.s32 $0x1;
	s5 =	sadd.s32 $0x141C00, s9;
	[sflag:s3] =	ssyncadd.s32 $0xFFFFFC18  }
0xc: {  	[tilespmem:s6], [sflag:$0x1] =	stream.indirect.gather [hbm4b:s5+s6], $0x40, s2, s6, $0xb8;
	[tilespmem:$0xFDE8] =	vst v63  }
0xd: {  	s8 =	smul.u32 $0x9C40, s8;
	_ =	swait.ge [sflag:s7], $0xFA00  }
0xe: {  	s18 =	sadd.s32 $0x15A600, s9;
	[sflag:s7] =	ssyncset.done $0x0  }
0xf: {  	s8 =	sadd.s32 s18, s8;
	[sflag:s7] =	ssyncadd.s32 $0xFFFF0600  }
0x10: {  	[hbm4b:s8+s2] =	stream.linear.scatter [tilespmem:s6], [sflag:$0x2], $0xFA00, $0x38;
	[tilespmem:$0xFDE8] =	vst v63  }
0x11: {  	s10 =	sadd.s32 $0x3E8, s17;
	_ =	swait.ge [sflag:s3], $0xFA00  }
0x12: {  	s28 =	sshrl.u32 s10, $0x3;
	[sflag:s3] =	ssyncset.done $0x0  }
0x13: {  	s9 =	sadd.s32 s15, s28;
	[sflag:s3] =	ssyncadd.s32 $0xFFFF0600  }
0x14: {  	[tilespmem:s2], [sflag:$0x2] =	stream.linear.gather [hbm4b:s9+s2], $0x3E8, $0x38;
	[tilespmem:$0xFDE8] =	vst v63  }
0x15: {  	_ =	swait.ge [sflag:s3], $0x3E8  }
0x16: {  	[sflag:s3] =	ssyncset.done $0x0  }
0x17: {  	[sflag:s3] =	ssyncadd.s32 $0xFFFFFC18  }
0x18: {  	[tilespmem:s6], [sflag:$0x1] =	stream.indirect.gather [hbm4b:s5+s6], $0x40, s2, s6, $0xb8;
	[tilespmem:$0xFDE8] =	vst v63  }
0x19: {  	_ =	swait.ge [sflag:s7], $0xFA00  }
0x1a: {  	s10 =	sshll.u32 s10, $0x3;
	[sflag:s7] =	ssyncset.done $0x0  }
0x1b: {  	s10 =	sadd.s32 s18, s10;
	[sflag:s7] =	ssyncadd.s32 $0xFFFF0600  }
0x1c: {  	[hbm4b:s10+s2] =	stream.linear.scatter [tilespmem:s6], [sflag:$0x2], $0xFA00, $0x38;
	[tilespmem:$0xFDE8] =	vst v63  }
0x1d: {  	s12 =	sadd.s32 $0x7D0, s17;
	_ =	swait.ge [sflag:s3], $0xFA00  }
0x1e: {  	s11 =	sshrl.u32 s12, $0x3;
	[sflag:s3] =	ssyncset.done $0x0  }
0x1f: {  	s11 =	sadd.s32 s15, s11;
	[sflag:s3] =	ssyncadd.s32 $0xFFFF0600  }
0x20: {  	[tilespmem:s2], [sflag:$0x2] =	stream.linear.gather [hbm4b:s11+s2], $0x3E8, $0x38;
	[tilespmem:$0xFDE8] =	vst v63  }
0x21: {  	_ =	swait.ge [sflag:s3], $0x3E8  }
0x22: {  	[sflag:s3] =	ssyncset.done $0x0  }
0x23: {  	[sflag:s3] =	ssyncadd.s32 $0xFFFFFC18  }
0x24: {  	[tilespmem:s6], [sflag:$0x1] =	stream.indirect.gather [hbm4b:s5+s6], $0x40, s2, s6, $0xb8;
	[tilespmem:$0xFDE8] =	vst v63  }
0x25: {  	_ =	swait.ge [sflag:s7], $0xFA00  }
0x26: {  	s12 =	sshll.u32 s12, $0x3;
	[sflag:s7] =	ssyncset.done $0x0  }
0x27: {  	s12 =	sadd.s32 s18, s12;
	[sflag:s7] =	ssyncadd.s32 $0xFFFF0600  }
0x28: {  	[hbm4b:s12+s2] =	stream.linear.scatter [tilespmem:s6], [sflag:$0x2], $0xFA00, $0x38;
	[tilespmem:$0xFDE8] =	vst v63  }
0x29: {  	s14 =	sadd.s32 $0xBB8, s17;
	_ =	swait.ge [sflag:s3], $0xFA00  }
0x2a: {  	s13 =	sshrl.u32 s14, $0x3;
	[sflag:s3] =	ssyncset.done $0x0  }
0x2b: {  	s13 =	sadd.s32 s15, s13;
	[sflag:s3] =	ssyncadd.s32 $0xFFFF0600  }
0x2c: {  	[tilespmem:s2], [sflag:$0x2] =	stream.linear.gather [hbm4b:s13+s2], $0x3E8, $0x38;
	[tilespmem:$0xFDE8] =	vst v63  }
0x2d: {  	_ =	swait.ge [sflag:s3], $0x3E8  }
0x2e: {  	[sflag:s3] =	ssyncset.done $0x0  }
0x2f: {  	[sflag:s3] =	ssyncadd.s32 $0xFFFFFC18  }
0x30: {  	[tilespmem:s6], [sflag:$0x1] =	stream.indirect.gather [hbm4b:s5+s6], $0x40, s2, s6, $0xb8;
	[tilespmem:$0xFDE8] =	vst v63  }
0x31: {  	_ =	swait.ge [sflag:s7], $0xFA00  }
0x32: {  	s14 =	sshll.u32 s14, $0x3;
	[sflag:s7] =	ssyncset.done $0x0  }
0x33: {  	s14 =	sadd.s32 s18, s14;
	[sflag:s7] =	ssyncadd.s32 $0xFFFF0600  }
0x34: {  	[hbm4b:s14+s2] =	stream.linear.scatter [tilespmem:s6], [sflag:$0x2], $0xFA00, $0x38;
	[tilespmem:$0xFDE8] =	vst v63  }
0x35: {  	s17 =	sadd.s32 $0xFA0, s17;
	_ =	swait.ge [sflag:s3], $0xFA00  }
0x36: {  	s19 =	sshrl.u32 s17, $0x3;
	[sflag:s3] =	ssyncset.done $0x0  }
0x37: {  	s16 =	ssub.s32 $0x2, s16;
	s15 =	sadd.s32 s15, s19;
	[sflag:s3] =	ssyncadd.s32 $0xFFFF0600  }
0x38: {  	[tilespmem:s2], [sflag:$0x2] =	stream.linear.gather [hbm4b:s15+s2], $0x3E8, $0x38;
	[tilespmem:$0xFDE8] =	vst v63  }
0x39: {  	s29 =	sshrl.u32 s16, $0x1;
	_ =	swait.ge [sflag:s3], $0x3E8  }
0x3a: {  	s19 =	ssub.s32 s16, s29;
	[sflag:s3] =	ssyncset.done $0x0  }
0x3b: {  	s31 =	smax.u32 s19, $0x1;
	[sflag:s3] =	ssyncadd.s32 $0xFFFFFC18  }
0x3c: {  	[tilespmem:s6], [sflag:$0x1] =	stream.indirect.gather [hbm4b:s5+s6], $0x40, s2, s6, $0xb8;
	[tilespmem:$0xFDE8] =	vst v63  }
0x3d: {  	p0 =	sne.s32 s31, $0x1;
	_ =	swait.ge [sflag:s7], $0xFA00  }
.Ltmp0:
0x3e: {  	s30 =	sshll.u32 s17, $0x3;
	[sflag:s7] =	ssyncset.done $0x0;
	(pc) =	sbr.rel @!p0 .LBB2_2-.Ltmp0, $4  }
0x3f: {  	s16 =	sadd.s32 s18, s30;
	[sflag:s7] =	ssyncadd.s32 $0xFFFF0600  }
0x40: {  	[hbm4b:s16+s2] =	stream.linear.scatter [tilespmem:s6], [sflag:$0x2], $0xFA00, $0x38;
	[tilespmem:$0xFDE8] =	vst v63  }
0x41: {  	_ =	swait.ge [sflag:s3], $0xFA00  }
0x42: {  	s17 =	sadd.s32 $0xFFFFFFFF, s31;
	[sflag:s3] =	ssyncset.done $0x0  }
.LBB2_1:
0x43: {  	p0 =	sne.s32 s17, $0x1;
	s17 =	sadd.s32 $0xFFFFFFFF, s17;
	[sflag:s3] =	ssyncadd.s32 $0xFFFF0600  }
0x44: {  	[tilespmem:s2], [sflag:$0x2] =	stream.linear.gather [hbm4b:s4+s2], $0x3E8, $0x38;
	[tilespmem:$0xFDE8] =	vst v63  }
0x45: {  	_ =	swait.ge [sflag:s3], $0x3E8  }
0x46: {  	[sflag:s3] =	ssyncset.done $0x0  }
0x47: {  	[sflag:s3] =	ssyncadd.s32 $0xFFFFFC18  }
0x48: {  	[tilespmem:s6], [sflag:$0x1] =	stream.indirect.gather [hbm4b:s5+s6], $0x40, s2, s6, $0xb8;
	[tilespmem:$0xFDE8] =	vst v63  }
0x49: {  	_ =	swait.ge [sflag:s7], $0xFA00  }
0x4a: {  	[sflag:s7] =	ssyncset.done $0x0  }
0x4b: {  	[sflag:s7] =	ssyncadd.s32 $0xFFFF0600  }
0x4c: {  	[hbm4b:s8+s2] =	stream.linear.scatter [tilespmem:s6], [sflag:$0x2], $0xFA00, $0x38;
	[tilespmem:$0xFDE8] =	vst v63  }
0x4d: {  	_ =	swait.ge [sflag:s3], $0xFA00  }
0x4e: {  	[sflag:s3] =	ssyncset.done $0x0  }
0x4f: {  	[sflag:s3] =	ssyncadd.s32 $0xFFFF0600  }
0x50: {  	[tilespmem:s2], [sflag:$0x2] =	stream.linear.gather [hbm4b:s9+s2], $0x3E8, $0x38;
	[tilespmem:$0xFDE8] =	vst v63  }
0x51: {  	_ =	swait.ge [sflag:s3], $0x3E8  }
0x52: {  	[sflag:s3] =	ssyncset.done $0x0  }
0x53: {  	[sflag:s3] =	ssyncadd.s32 $0xFFFFFC18  }
0x54: {  	[tilespmem:s6], [sflag:$0x1] =	stream.indirect.gather [hbm4b:s5+s6], $0x40, s2, s6, $0xb8;
	[tilespmem:$0xFDE8] =	vst v63  }
0x55: {  	_ =	swait.ge [sflag:s7], $0xFA00  }
0x56: {  	[sflag:s7] =	ssyncset.done $0x0  }
0x57: {  	[sflag:s7] =	ssyncadd.s32 $0xFFFF0600  }
0x58: {  	[hbm4b:s10+s2] =	stream.linear.scatter [tilespmem:s6], [sflag:$0x2], $0xFA00, $0x38;
	[tilespmem:$0xFDE8] =	vst v63  }
0x59: {  	_ =	swait.ge [sflag:s3], $0xFA00  }
0x5a: {  	[sflag:s3] =	ssyncset.done $0x0  }
0x5b: {  	[sflag:s3] =	ssyncadd.s32 $0xFFFF0600  }
0x5c: {  	[tilespmem:s2], [sflag:$0x2] =	stream.linear.gather [hbm4b:s11+s2], $0x3E8, $0x38;
	[tilespmem:$0xFDE8] =	vst v63  }
0x5d: {  	_ =	swait.ge [sflag:s3], $0x3E8  }
0x5e: {  	[sflag:s3] =	ssyncset.done $0x0  }
0x5f: {  	[sflag:s3] =	ssyncadd.s32 $0xFFFFFC18  }
0x60: {  	[tilespmem:s6], [sflag:$0x1] =	stream.indirect.gather [hbm4b:s5+s6], $0x40, s2, s6, $0xb8;
	[tilespmem:$0xFDE8] =	vst v63  }
0x61: {  	_ =	swait.ge [sflag:s7], $0xFA00  }
0x62: {  	[sflag:s7] =	ssyncset.done $0x0  }
0x63: {  	[sflag:s7] =	ssyncadd.s32 $0xFFFF0600  }
0x64: {  	[hbm4b:s12+s2] =	stream.linear.scatter [tilespmem:s6], [sflag:$0x2], $0xFA00, $0x38;
	[tilespmem:$0xFDE8] =	vst v63  }
0x65: {  	_ =	swait.ge [sflag:s3], $0xFA00  }
0x66: {  	[sflag:s3] =	ssyncset.done $0x0  }
0x67: {  	[sflag:s3] =	ssyncadd.s32 $0xFFFF0600  }
0x68: {  	[tilespmem:s2], [sflag:$0x2] =	stream.linear.gather [hbm4b:s13+s2], $0x3E8, $0x38;
	[tilespmem:$0xFDE8] =	vst v63  }
0x69: {  	_ =	swait.ge [sflag:s3], $0x3E8  }
0x6a: {  	[sflag:s3] =	ssyncset.done $0x0  }
0x6b: {  	[sflag:s3] =	ssyncadd.s32 $0xFFFFFC18  }
0x6c: {  	[tilespmem:s6], [sflag:$0x1] =	stream.indirect.gather [hbm4b:s5+s6], $0x40, s2, s6, $0xb8;
	[tilespmem:$0xFDE8] =	vst v63  }
0x6d: {  	_ =	swait.ge [sflag:s7], $0xFA00  }
0x6e: {  	[sflag:s7] =	ssyncset.done $0x0  }
0x6f: {  	[sflag:s7] =	ssyncadd.s32 $0xFFFF0600  }
0x70: {  	[hbm4b:s14+s2] =	stream.linear.scatter [tilespmem:s6], [sflag:$0x2], $0xFA00, $0x38;
	[tilespmem:$0xFDE8] =	vst v63  }
0x71: {  	_ =	swait.ge [sflag:s3], $0xFA00  }
0x72: {  	[sflag:s3] =	ssyncset.done $0x0  }
0x73: {  	[sflag:s3] =	ssyncadd.s32 $0xFFFF0600  }
0x74: {  	[tilespmem:s2], [sflag:$0x2] =	stream.linear.gather [hbm4b:s15+s2], $0x3E8, $0x38;
	[tilespmem:$0xFDE8] =	vst v63  }
0x75: {  	_ =	swait.ge [sflag:s3], $0x3E8  }
0x76: {  	[sflag:s3] =	ssyncset.done $0x0  }
0x77: {  	[sflag:s3] =	ssyncadd.s32 $0xFFFFFC18  }
0x78: {  	[tilespmem:s6], [sflag:$0x1] =	stream.indirect.gather [hbm4b:s5+s6], $0x40, s2, s6, $0xb8;
	[tilespmem:$0xFDE8] =	vst v63  }
0x79: {  	_ =	swait.ge [sflag:s7], $0xFA00  }
.Ltmp1:
0x7a: {  	[sflag:s7] =	ssyncset.done $0x0;
	(pc) =	sbr.rel @p0 .LBB2_1-.Ltmp1, $4  }
0x7b: {  	[sflag:s7] =	ssyncadd.s32 $0xFFFF0600  }
0x7c: {  	[hbm4b:s16+s2] =	stream.linear.scatter [tilespmem:s6], [sflag:$0x2], $0xFA00, $0x38;
	[tilespmem:$0xFDE8] =	vst v63  }
0x7d: {  	_ =	swait.ge [sflag:s3], $0xFA00  }
0x7e: {  	[sflag:s3] =	ssyncset.done $0x0  }
.LBB2_2:
0x7f: {  	[sflag:s3] =	ssyncadd.s32 $0xFFFF0600  }
0x80: {  	_ =	sfence.sel $0x180000  }
0x81: {  	[bflag:$0x0] =	sbarrier.arrive $0xFFFF  }
0x82: {  	p0 =	sne.s32 s0, $0x0;
	_ =	strace $0x90000047  }
0x83: {  	s0 =	sadd.s32 @!p0 $0x100000, s1;
	[bflag:$0x2] =	sbarrier.arrive $0xFFFF  }
0x84: {  	[sflag:s0] =	ssyncadd.tile.s32 @!p0 $0x1;
	_ =	shalt  }
.Lfunc_end2:
_tile_overlayer_lowered:
.L_overlay_start_2:
0x85: {  	(tag) =	ssettag $0x2  }
0x86: {  	s0 =	rddreg [dreg:$0x0];
	s2 =	stileid.u32  }
0x87: {  	s1 =	rddreg [dreg:$0x1];
	p0 =	sne.s32 s2, $0x0  }
0x88: {  	s3 =	rddreg [dreg:$0x2];
	[bflag:$0x3] =	sbarrier.arrive $0xFFFF;
	s2 =	simm.s32 @!p0 $0x1C02  }
0x89: {  	[timem:s3], [sflag:s2] =	dma.local @!p0 [hbm:s0], s1  }
0x8a: {  	s0 =	simm.s32 @!p0 $0x2  }
0x8b: {  	_ =	swait.ge @!p0 [sflag:s0], s1  }
0x8c: {  	s1 =	ssub.s32 @!p0 $0x0, s1;
	[sflag:s0] =	ssyncset.done @!p0 $0x0  }
0x8d: {  	[sflag:s0] =	ssyncadd.s32 @!p0 s1  }
0x8e: {  	[bflag:$0x3] =	sbarrier.arrive $0xFFFF  }
0x8f: {  	_ =	shalt  }

// kernel: kernel.16.cloned.1.call-start
scs
__scs_entry_jumppad:
0x0: {  	(pc) =	sbr.rel $0x88, $3  }
0x1: {  	(tag) =	ssettag $0x0;
	lr =	simm.s32 $0x1  }
0x2: {  	[smem:$0x3F7F] =	sst lr;
	_ =	strace $0xD0000000  }
0x3: {  	_ = 	snop  }
0x4: {  	_ = 	snop  }
0x5: {  	_ = 	snop  }
0x6: {  	_ = 	snop  }
0x7: {  	_ = 	snop  }
__scs_overlays_trampoline_lowered:
0x8: {  	[smem:$0x3F8E] =	sst s0  }
0x9: {  	[smem:$0x3F8F] =	sst s1  }
0xa: {  	[smem:$0x3F90] =	sst s2  }
0xb: {  	[smem:$0x3F91] =	sst s3  }
0xc: {  	[smem:$0x3F92] =	sst s4  }
0xd: {  	[smem:$0x3F93] =	sst s5  }
0xe: {  	[smem:$0x3F94] =	sst s6  }
0xf: {  	[smem:$0x3F95] =	sst s7  }
0x10: {  	[smem:$0x3F96] =	sst s8  }
0x11: {  	[smem:$0x3F97] =	sst s9;
	s0 =	simm.s32 @!p0 $0x0  }
0x12: {  	s1 =	sld [smem:$0x3F7D];
	s0 =	simm.s32 @p0 $0x1  }
0x13: {  	[smem:$0x3F98] =	sst s0;
	s0 =	simm.s32 @!p1 $0x0  }
0x14: {  	s2 =	sld [smem:$0x3F7C];
	s0 =	simm.s32 @p1 $0x1  }
0x15: {  	[smem:$0x3F99] =	sst s0;
	s0 =	simm.s32 @!p2 $0x0  }
0x16: {  	s3 =	sld [smem:$0x3FDB];
	s0 =	simm.s32 @p2 $0x1  }
0x17: {  	s4 =	simm.s32 $0x1BF5;
	[smem:$0x3F9B] =	sst s0  }
0x18: {  	s0 =	sld [smem:$0x3F7E];
	_ =	swait.ge [sflag:s4], $0x0  }
0x19: {  	s7 =	sld [smem:$0x3F7F]  }
0x1a: {  	s8 =	sadd.s32 $0xFFFFE003, lr  }
0x1b: {  	s9 =	sadd.s32 $0xFFFFFEF7, lr;
	s5 =	simm.s32 $0xFFFFFFFF;
	p2 =	slt.u32 s8, $0xFFFFF086  }
0x1c: {  	p1 =	slt.u32 s9, $0xF7A;
	s5 =	simm.s32 @!p2 $0x0  }
0x1d: {  	s5 =	simm.s32 @p1 $0x1;
	p0 =	seq.s32 s7, s2  }
0x1e: {  	s7 =	smul.u32 @!p0 $0xF7A, s2;
	p2 =	seq.s32 @!p0 s5, $0x0  }
0x1f: {  	s9 =	smul.u32 $0xF7A, s1;
	s8 =	simm.s32 @!p0 $0x1BF5;
	p2 =	por !p2, p0  }
0x20: {  	[sflag:s8] =	ssyncset.s32 @!p0 $0xFFFFF086;
	s6 =	sadd.s32 @!p0 s3, s7;
	s7 =	simm.s32 @!p0 $0x108  }
0x21: {  	s3 =	sadd.s32 s3, s9;
	s6 =	sadd.s32 @!p0 $0x88, s6;
	s7 =	simm.s32 @p2 $0x1082  }
0x22: {  	[simem:s7], [sflag:s8] =	dma.local @!p0 [hbm:s6], $0xF7A  }
0x23: {  	s9 =	sor.u32 $0xD0000000, s2;
	s6 =	simm.s32 $0x108;
	_ =	swait.ge @!p0 [sflag:s8], $0x0  }
0x24: {  	s3 =	sadd.s32 $0x88, s3;
	s6 =	simm.s32 @!p1 $0x1082;
	[sflag:s4] =	ssyncset.s32 $0xFFFFF086  }
0x25: {  	[simem:s6], [sflag:s4] =	dma.local [hbm:s3], $0xF7A  }
0x26: {  	[smem:$0x3F7F] =	sst s1;
	(tag) =	ssettag s2;
	_ =	strace s9  }
0x27: {  	s1 =	sld [smem:$0x3F8F]  }
0x28: {  	s2 =	sld [smem:$0x3F90]  }
0x29: {  	s4 =	sld [smem:$0x3F92]  }
0x2a: {  	p0 =	seq.s32 s5, $0x0;
	s5 =	sld [smem:$0x3F93]  }
0x2b: {  	s6 =	sld [smem:$0x3F94]  }
0x2c: {  	s7 =	sld [smem:$0x3F95]  }
0x2d: {  	s3 =	simm.s32 $0x108;
	s8 =	sld [smem:$0x3F96]  }
0x2e: {  	s3 =	simm.s32 @!p0 $0x1082;
	s9 =	sld [smem:$0x3F97]  }
0x2f: {  	lr =	sadd.s32 s0, s3;
	s0 =	sld [smem:$0x3F8E]  }
0x30: {  	s3 =	sld [smem:$0x3F91]  }
0x31: {  	[smem:$0x3F9A] =	sst s10  }
0x32: {  	s10 =	sld [smem:$0x3F98];
	_ =	sdelay $0x3  }
0x33: {  	p0 =	seq.s32 s10, $0x1;
	s10 =	sld [smem:$0x3F9A];
	_ =	sdelay $0x3  }
0x34: {  	[smem:$0x3F9A] =	sst s10  }
0x35: {  	s10 =	sld [smem:$0x3F99];
	_ =	sdelay $0x3  }
0x36: {  	p1 =	seq.s32 s10, $0x1;
	s10 =	sld [smem:$0x3F9A];
	_ =	sdelay $0x3  }
0x37: {  	[smem:$0x3F9A] =	sst s10  }
0x38: {  	s10 =	sld [smem:$0x3F9B]  }
0x39: {  	_ = 	snop;
	(pc) =	sbr.ind lr, $3  }
0x3a: {  	_ = 	snop  }
0x3b: {  	_ = 	snop  }
0x3c: {  	p2 =	seq.s32 s10, $0x1;
	s10 =	sld [smem:$0x3F9A]  }
0x3d: {  	_ =	shalt  }
0x3e: {  	_ =	shalt  }
0x3f: {  	_ =	shalt  }
0x40: {  	_ =	shalt  }
0x41: {  	_ =	shalt  }
0x42: {  	_ =	shalt  }
0x43: {  	_ =	shalt  }
0x44: {  	_ =	shalt  }
0x45: {  	_ =	shalt  }
0x46: {  	_ =	shalt  }
0x47: {  	_ =	shalt  }
0x48: {  	_ =	shalt  }
0x49: {  	_ =	shalt  }
0x4a: {  	_ =	shalt  }
0x4b: {  	_ =	shalt  }
0x4c: {  	_ =	shalt  }
0x4d: {  	_ =	shalt  }
0x4e: {  	_ =	shalt  }
0x4f: {  	_ =	shalt  }
0x50: {  	_ =	shalt  }
0x51: {  	_ =	shalt  }
0x52: {  	_ =	shalt  }
0x53: {  	_ =	shalt  }
0x54: {  	_ =	shalt  }
0x55: {  	_ =	shalt  }
0x56: {  	_ =	shalt  }
0x57: {  	_ =	shalt  }
0x58: {  	_ =	shalt  }
0x59: {  	_ =	shalt  }
0x5a: {  	_ =	shalt  }
0x5b: {  	_ =	shalt  }
0x5c: {  	_ =	shalt  }
0x5d: {  	_ =	shalt  }
0x5e: {  	_ =	shalt  }
0x5f: {  	_ =	shalt  }
0x60: {  	_ =	shalt  }
0x61: {  	_ =	shalt  }
0x62: {  	_ =	shalt  }
0x63: {  	_ =	shalt  }
0x64: {  	_ =	shalt  }
0x65: {  	_ =	shalt  }
0x66: {  	_ =	shalt  }
0x67: {  	_ =	shalt  }
0x68: {  	_ =	shalt  }
0x69: {  	_ =	shalt  }
0x6a: {  	_ =	shalt  }
0x6b: {  	_ =	shalt  }
0x6c: {  	_ =	shalt  }
0x6d: {  	_ =	shalt  }
0x6e: {  	_ =	shalt  }
0x6f: {  	_ =	shalt  }
0x70: {  	_ =	shalt  }
0x71: {  	_ =	shalt  }
0x72: {  	_ =	shalt  }
0x73: {  	_ =	shalt  }
0x74: {  	_ =	shalt  }
0x75: {  	_ =	shalt  }
0x76: {  	_ =	shalt  }
0x77: {  	_ =	shalt  }
0x78: {  	_ =	shalt  }
0x79: {  	_ =	shalt  }
0x7a: {  	_ =	shalt  }
0x7b: {  	_ =	shalt  }
0x7c: {  	_ =	shalt  }
0x7d: {  	_ =	shalt  }
0x7e: {  	_ =	shalt  }
0x7f: {  	_ =	shalt  }
0x80: {  	_ =	shalt  }
0x81: {  	_ =	shalt  }
0x82: {  	_ =	shalt  }
0x83: {  	_ =	shalt  }
0x84: {  	_ =	shalt  }
0x85: {  	_ =	shalt  }
0x86: {  	_ =	shalt  }
0x87: {  	_ =	shalt  }
.Lfunc_end0:
.L_simem_size_0:
called_computation.1_lowered:
.L_overlay_start_0:
0x88: {  	s2 =	sld [smem:$0x3FD9]  }
0x89: {  	s3 =	sld [smem:$0x3FFE];
	_ =	sdelay $0x1  }
0x8a: {  	s1 =	srdreg.scid  }
0x8b: {  	s0 =	sand.u32 $0x1, s1  }
0x8c: {  	s16 =	sshll.u32 s0, $0xA;
	s2 =	sadd.s32 s3, s2  }
0x8d: {  	s2 =	sadd.s32 s2, s16  }
0x8e: {  	[smem:$0x3FA6] =	sst s2  }
0x8f: {  	_ = 	snop  }
0x90: {  	(tm) =	ssettm $0x1  }
0x91: {  	s17 =	sld [smem:$0x3FFB];
	_ =	sdelay $0x3  }
0x92: {  	_ =	strace s17  }
0x93: {  	s2 =	sld [smem:$0x3FFC];
	_ =	sdelay $0x3  }
0x94: {  	_ =	strace s2  }
0x95: {  	s2 =	sld [smem:$0x3FFD];
	_ =	sdelay $0x3  }
0x96: {  	_ =	strace s2  }
0x97: {  	_ =	strace $0x8FFFFFFF  }
0x98: {  	s18 =	sld [smem:$0x3FDB];
	_ =	sdelay $0x1  }
0x99: {  	s19 =	simm.s32 $_scs_section_size  }
0x9a: {  	s4 =	simm.s32 $_size__tile_overlayer_lowered;
	s5 =	simm.s32 $_tile_overlayer_lowered  }
0x9b: {  	s22 =	simm.s32 $0x1BFF;
	s21 =	sshll.u32 s5, $0x1;
	s2 =	sadd.s32 s19, s18  }
0x9c: {  	s6 =	simm.s32 $0x0;
	s20 =	sshll.u32 s4, $0x1;
	s4 =	sadd.s32 s21, s2  }
0x9d: {  	[timem:s6], [sflag:s22] =	dma.local [hbm:s4], s20  }
0x9e: {  	_ =	swait.ge [sflag:s22], s20  }
0x9f: {  	s3 =	ssub.s32 $0x0, s20;
	[sflag:s22] =	ssyncset.done $0x0  }
0xa0: {  	[sflag:s22] =	ssyncadd.s32 s3;
	_ =	sdelay $0x1  }
0xa1: {  	s23 =	simm.s32 $0x1B8B  }
0xa2: {  	_ =	swait.ge [sflag:s23], $0x1  }
0xa3: {  	[sflag:s23] =	ssyncset.done $0x0  }
0xa4: {  	s25 =	simm.s32 $0x1B8E;
	s24 =	sld [smem:$0x3FFE];
	[sflag:s23] =	ssyncadd.s32 $0xFFFFFFFF  }
0xa5: {  	s26 =	simm.s32 $execute0_lowered;
	[smem:$0x3FD2] =	sst s25  }
0xa6: {  	s4 =	sshll.u32 s26, $0x1;
	_ =	strace $0x80000049;
	[dreg:$0x1] =	wrdreg $0xFFFFFFFF  }
0xa7: {  	s28 =	simm.s32 $_size_execute0_lowered;
	s2 =	sadd.s32 s2, s4;
	[dreg:$0x0] =	wrdreg $0x0  }
0xa8: {  	s4 =	sshll.u32 s28, $0x1;
	[dreg:$0x2] =	wrdreg s2  }
0xa9: {  	[dreg:$0x3] =	wrdreg s4  }
0xaa: {  	[dreg:$0x4] =	wrdreg $0xC0  }
0xab: {  	_ =	task [dreg:s6], $0x5FFFF  }
0xac: {  	[dreg:$0x1] =	wrdreg $0xFFFFFFFF  }
0xad: {  	[dreg:$0x0] =	wrdreg $0x60  }
0xae: {  	[dreg:$0x2] =	wrdreg s24  }
0xaf: {  	[dreg:$0x3] =	wrdreg $0xFDE80  }
0xb0: {  	[dreg:$0x4] =	wrdreg $0x9  }
0xb1: {  	_ =	task.clear_ibuf [dreg:s6], $0x5FFFF;
	_ =	strace $0x90000049  }
0xb2: {  	s29 =	simm.s32 $0x9;
	_ =	strace $0x8000004B  }
0xb3: {  	_ =	swait.ge [sflag:s29], $0x1  }
0xb4: {  	[sflag:s29] =	ssyncadd.s32 $0xFFFFFFFF  }
0xb5: {  	_ =	strace $0x9000004B  }
0xb6: {  	_ =	sfence  }
0xb7: {  	s30 =	sld [smem:$0x0];
	_ =	sdelay $0x2  }
0xb8: {  	s31 =	sshll.u32 s1, $0xD;
	s1 =	sshrl.u32 s1, $0x2  }
0xb9: {  	s3 =	sand.u32 $0x4000, s31;
	s1 =	sadd.s32 s1, s30  }
0xba: {  	s0 =	sor.u32 s3, s0;
	s1 =	sshll.u32 s1, $0x11  }
0xbb: {  	s0 =	sor.u32 s1, s0  }
0xbc: {  	s0 =	sadd.s32 $0x8F2B, s0  }
0xbd: {  	[sflag:s0] =	ssyncadd.remote.s32 $0x1  }
0xbe: {  	_ =	sfence.sel $0xFFFF  }
0xbf: {  	[dreg:$0x0] =	wrdreg $0xFFFFFFFF;
	(pc) =	sbr.abs _section_cstart, $3  }
0xc0: {  	[dreg:$0x1] =	wrdreg $0xFFFFFFFF  }
0xc1: {  	_ =	task.clear_ibuf [dreg:s6], $0x2FFFF;
	_ =	strace $0x9FFFFFFF  }
0xc2: {  	(tm) =	ssettm $0x7FFFFFFF  }
0xc3: {  	_ =	shalt  }
tec
execute0_lowered:
.L_overlay_start_1:
0x0: {  	(tag) =	ssettag $0x1  }
0x1: {  	s19 =	rddreg [dreg:$0x0]  }
0x2: {  	s2 =	rddreg [dreg:$0x1];
	s1 =	stileid.u32  }
0x3: {  	s0 =	rddreg [dreg:$0x2];
	s3 =	simm.s32 $0x0;
	s5 =	srdreg.scid  }
0x4: {  	s4 =	smul.u32 $0x9C40, s1;
	[smem:$0x7FF] =	sst s3  }
0x5: {  	s21 =	sand.u32 $0x1, s5;
	s28 =	sshll.u32 s1, $0x1;
	s29 =	sshll.u32 s1, $0x6  }
0x6: {  	_ =	strace $0x8000004A;
	s9 =	sor.u32 s21, s28;
	s20 =	sshrl.u32 s4, $0x3  }
0x7: {  	s5 =	sor.u32 $0x1C01, s29;
	s7 =	sadd.s32 s4, s2;
	s6 =	sadd.s32 s20, s19  }
0x8: {  	s7 =	sshrl.u32 s7, $0x3;
	s4 =	sadd.s32 $0x141C00, s6;
	s6 =	simm.s32 $0x1  }
0x9: {  	[spmem:s7], [sflag:s5] =	dma.local [hbm:s4], $0x1388  }
0xa: {  	s18 =	smul.u32 $0x1388, s9;
	_ =	swait.ge [sflag:s6], $0x1388  }
0xb: {  	[sflag:s6] =	ssyncset.done $0x0  }
0xc: {  	s17 =	sadd.s32 $0x155600, s19;
	s8 =	sshrl.u32 s18, $0x3;
	[sflag:s6] =	ssyncadd.s32 $0xFFFFEC78  }
0xd: {  	s8 =	sadd.s32 s17, s8;
	[bflag:$0x0] =	sbarrier.arrive $0xFFFF  }
0xe: {  	[tilespmem:s3], [sflag:$0x1] =	stream.linear.gather [hbm4b:s8+s3], $0x3E8, $0x38;
	[tilespmem:$0x19A28] =	vst v63  }
0xf: {  	s9 =	smul.u32 $0x9C40, s9;
	_ =	swait.ge [sflag:s6], $0x3E8  }
0x10: {  	s22 =	sadd.s32 $0x292E00, s19;
	[sflag:s6] =	ssyncset.done $0x0  }
0x11: {  	s10 =	simm.s32 $0x3E8;
	s9 =	sadd.s32 s22, s9;
	[sflag:s6] =	ssyncadd.s32 $0xFFFFFC18  }
0x12: {  	[tilespmem:s10], [sflag:$0x1] =	stream.linear.gather [hbm4b:s9+s3], $0xFA00, $0x38;
	[tilespmem:$0x19A28] =	vst v63  }
0x13: {  	_ =	swait.ge [sflag:s6], $0xFA00  }
0x14: {  	[sflag:s6] =	ssyncset.done $0x0  }
0x15: {  	[sflag:s6] =	ssyncadd.s32 $0xFFFF0600  }
0x16: {  	[spmem:s2] =	stream.indirect.scatter.add.f32 [tilespmem:s10], [sflag:$0x1], $0x40, s3, s10, $0xb8;
	[tilespmem:$0x19A28] =	vst v63  }
0x17: {  	s12 =	sadd.s32 $0x3E8, s18;
	_ =	swait.ge [sflag:s6], $0xFA00  }
0x18: {  	s11 =	sshrl.u32 s12, $0x3;
	[sflag:s6] =	ssyncset.done $0x0  }
0x19: {  	s11 =	sadd.s32 s17, s11;
	[sflag:s6] =	ssyncadd.s32 $0xFFFF0600  }
0x1a: {  	[tilespmem:s3], [sflag:$0x1] =	stream.linear.gather [hbm4b:s11+s3], $0x3E8, $0x38;
	[tilespmem:$0x19A28] =	vst v63  }
0x1b: {  	_ =	swait.ge [sflag:s6], $0x3E8  }
0x1c: {  	s12 =	sshll.u32 s12, $0x3;
	[sflag:s6] =	ssyncset.done $0x0  }
0x1d: {  	s12 =	sadd.s32 s22, s12;
	[sflag:s6] =	ssyncadd.s32 $0xFFFFFC18  }
0x1e: {  	[tilespmem:s10], [sflag:$0x1] =	stream.linear.gather [hbm4b:s12+s3], $0xFA00, $0x38;
	[tilespmem:$0x19A28] =	vst v63  }
0x1f: {  	_ =	swait.ge [sflag:s6], $0xFA00  }
0x20: {  	[sflag:s6] =	ssyncset.done $0x0  }
0x21: {  	[sflag:s6] =	ssyncadd.s32 $0xFFFF0600  }
0x22: {  	[spmem:s2] =	stream.indirect.scatter.add.f32 [tilespmem:s10], [sflag:$0x1], $0x40, s3, s10, $0xb8;
	[tilespmem:$0x19A28] =	vst v63  }
0x23: {  	s14 =	sadd.s32 $0x7D0, s18;
	_ =	swait.ge [sflag:s6], $0xFA00  }
0x24: {  	s13 =	sshrl.u32 s14, $0x3;
	[sflag:s6] =	ssyncset.done $0x0  }
0x25: {  	s13 =	sadd.s32 s17, s13;
	[sflag:s6] =	ssyncadd.s32 $0xFFFF0600  }
0x26: {  	[tilespmem:s3], [sflag:$0x1] =	stream.linear.gather [hbm4b:s13+s3], $0x3E8, $0x38;
	[tilespmem:$0x19A28] =	vst v63  }
0x27: {  	_ =	swait.ge [sflag:s6], $0x3E8  }
0x28: {  	s14 =	sshll.u32 s14, $0x3;
	[sflag:s6] =	ssyncset.done $0x0  }
0x29: {  	s14 =	sadd.s32 s22, s14;
	[sflag:s6] =	ssyncadd.s32 $0xFFFFFC18  }
0x2a: {  	[tilespmem:s10], [sflag:$0x1] =	stream.linear.gather [hbm4b:s14+s3], $0xFA00, $0x38;
	[tilespmem:$0x19A28] =	vst v63  }
0x2b: {  	_ =	swait.ge [sflag:s6], $0xFA00  }
0x2c: {  	[sflag:s6] =	ssyncset.done $0x0  }
0x2d: {  	[sflag:s6] =	ssyncadd.s32 $0xFFFF0600  }
0x2e: {  	[spmem:s2] =	stream.indirect.scatter.add.f32 [tilespmem:s10], [sflag:$0x1], $0x40, s3, s10, $0xb8;
	[tilespmem:$0x19A28] =	vst v63  }
0x2f: {  	s16 =	sadd.s32 $0xBB8, s18;
	_ =	swait.ge [sflag:s6], $0xFA00  }
0x30: {  	s15 =	sshrl.u32 s16, $0x3;
	[sflag:s6] =	ssyncset.done $0x0  }
0x31: {  	s15 =	sadd.s32 s17, s15;
	[sflag:s6] =	ssyncadd.s32 $0xFFFF0600  }
0x32: {  	[tilespmem:s3], [sflag:$0x1] =	stream.linear.gather [hbm4b:s15+s3], $0x3E8, $0x38;
	[tilespmem:$0x19A28] =	vst v63  }
0x33: {  	_ =	swait.ge [sflag:s6], $0x3E8  }
0x34: {  	s16 =	sshll.u32 s16, $0x3;
	[sflag:s6] =	ssyncset.done $0x0  }
0x35: {  	s16 =	sadd.s32 s22, s16;
	[sflag:s6] =	ssyncadd.s32 $0xFFFFFC18  }
0x36: {  	[tilespmem:s10], [sflag:$0x1] =	stream.linear.gather [hbm4b:s16+s3], $0xFA00, $0x38;
	[tilespmem:$0x19A28] =	vst v63  }
0x37: {  	_ =	swait.ge [sflag:s6], $0xFA00  }
0x38: {  	[sflag:s6] =	ssyncset.done $0x0  }
0x39: {  	[sflag:s6] =	ssyncadd.s32 $0xFFFF0600  }
0x3a: {  	[spmem:s2] =	stream.indirect.scatter.add.f32 [tilespmem:s10], [sflag:$0x1], $0x40, s3, s10, $0xb8;
	[tilespmem:$0x19A28] =	vst v63  }
0x3b: {  	s18 =	sadd.s32 $0xFA0, s18;
	_ =	swait.ge [sflag:s6], $0xFA00  }
0x3c: {  	s23 =	sshrl.u32 s18, $0x3;
	[sflag:s6] =	ssyncset.done $0x0  }
0x3d: {  	s17 =	sadd.s32 s17, s23;
	[sflag:s6] =	ssyncadd.s32 $0xFFFF0600  }
0x3e: {  	[tilespmem:s3], [sflag:$0x1] =	stream.linear.gather [hbm4b:s17+s3], $0x3E8, $0x38;
	[tilespmem:$0x19A28] =	vst v63  }
0x3f: {  	_ =	swait.ge [sflag:s6], $0x3E8  }
0x40: {  	s18 =	sshll.u32 s18, $0x3;
	[sflag:s6] =	ssyncset.done $0x0  }
0x41: {  	s18 =	sadd.s32 s22, s18;
	[sflag:s6] =	ssyncadd.s32 $0xFFFFFC18  }
0x42: {  	[tilespmem:s10], [sflag:$0x1] =	stream.linear.gather [hbm4b:s18+s3], $0xFA00, $0x38;
	[tilespmem:$0x19A28] =	vst v63  }
0x43: {  	s30 =	smul.u32 $0x13880, s21;
	s21 =	ssub.s32 $0x2, s21;
	_ =	swait.ge [sflag:s6], $0xFA00  }
0x44: {  	s31 =	sshrl.u32 s21, $0x1;
	[sflag:s6] =	ssyncset.done $0x0  }
0x45: {  	s21 =	ssub.s32 s21, s31;
	[sflag:s6] =	ssyncadd.s32 $0xFFFF0600  }
0x46: {  	[spmem:s2] =	stream.indirect.scatter.add.f32 [tilespmem:s10], [sflag:$0x1], $0x40, s3, s10, $0xb8;
	[tilespmem:$0x19A28] =	vst v63  }
0x47: {  	s21 =	smax.u32 s21, $0x1;
	_ =	swait.ge [sflag:s6], $0xFA00  }
0x48: {  	s19 =	sadd.s32 s30, s19;
	p0 =	sne.s32 s21, $0x1;
	[sflag:s6] =	ssyncset.done $0x0  }
.Ltmp0:
0x49: {  	s19 =	sadd.s32 $0x181800, s19;
	[sflag:s6] =	ssyncadd.s32 $0xFFFF0600;
	(pc) =	sbr.rel @!p0 .LBB2_2-.Ltmp0, $4  }
0x4a: {  	s19 =	sadd.s32 s20, s19;
	[bflag:$0x0] =	sbarrier.arrive $0xFFFF  }
0x4b: {  	[hbm:s19], [sflag:s5] =	dma.local [spmem:s7], $0x1388  }
0x4c: {  	_ =	swait.ge [sflag:s6], $0x1388  }
0x4d: {  	s20 =	sadd.s32 $0xFFFFFFFF, s21;
	[sflag:s6] =	ssyncset.done $0x0  }
.LBB2_1:
0x4e: {  	p0 =	sne.s32 s20, $0x1;
	s20 =	sadd.s32 $0xFFFFFFFF, s20;
	[sflag:s6] =	ssyncadd.s32 $0xFFFFEC78  }
0x4f: {  	[spmem:s7], [sflag:s5] =	dma.local [hbm:s4], $0x1388  }
0x50: {  	_ =	swait.ge [sflag:s6], $0x1388  }
0x51: {  	[sflag:s6] =	ssyncset.done $0x0  }
0x52: {  	[sflag:s6] =	ssyncadd.s32 $0xFFFFEC78  }
0x53: {  	[bflag:$0x0] =	sbarrier.arrive $0xFFFF  }
0x54: {  	[tilespmem:s3], [sflag:$0x1] =	stream.linear.gather [hbm4b:s8+s3], $0x3E8, $0x38;
	[tilespmem:$0x19A28] =	vst v63  }
0x55: {  	_ =	swait.ge [sflag:s6], $0x3E8  }
0x56: {  	[sflag:s6] =	ssyncset.done $0x0  }
0x57: {  	[sflag:s6] =	ssyncadd.s32 $0xFFFFFC18  }
0x58: {  	[tilespmem:s10], [sflag:$0x1] =	stream.linear.gather [hbm4b:s9+s3], $0xFA00, $0x38;
	[tilespmem:$0x19A28] =	vst v63  }
0x59: {  	_ =	swait.ge [sflag:s6], $0xFA00  }
0x5a: {  	[sflag:s6] =	ssyncset.done $0x0  }
0x5b: {  	[sflag:s6] =	ssyncadd.s32 $0xFFFF0600  }
0x5c: {  	[spmem:s2] =	stream.indirect.scatter.add.f32 [tilespmem:s10], [sflag:$0x1], $0x40, s3, s10, $0xb8;
	[tilespmem:$0x19A28] =	vst v63  }
0x5d: {  	_ =	swait.ge [sflag:s6], $0xFA00  }
0x5e: {  	[sflag:s6] =	ssyncset.done $0x0  }
0x5f: {  	[sflag:s6] =	ssyncadd.s32 $0xFFFF0600  }
0x60: {  	[tilespmem:s3], [sflag:$0x1] =	stream.linear.gather [hbm4b:s11+s3], $0x3E8, $0x38;
	[tilespmem:$0x19A28] =	vst v63  }
0x61: {  	_ =	swait.ge [sflag:s6], $0x3E8  }
0x62: {  	[sflag:s6] =	ssyncset.done $0x0  }
0x63: {  	[sflag:s6] =	ssyncadd.s32 $0xFFFFFC18  }
0x64: {  	[tilespmem:s10], [sflag:$0x1] =	stream.linear.gather [hbm4b:s12+s3], $0xFA00, $0x38;
	[tilespmem:$0x19A28] =	vst v63  }
0x65: {  	_ =	swait.ge [sflag:s6], $0xFA00  }
0x66: {  	[sflag:s6] =	ssyncset.done $0x0  }
0x67: {  	[sflag:s6] =	ssyncadd.s32 $0xFFFF0600  }
0x68: {  	[spmem:s2] =	stream.indirect.scatter.add.f32 [tilespmem:s10], [sflag:$0x1], $0x40, s3, s10, $0xb8;
	[tilespmem:$0x19A28] =	vst v63  }
0x69: {  	_ =	swait.ge [sflag:s6], $0xFA00  }
0x6a: {  	[sflag:s6] =	ssyncset.done $0x0  }
0x6b: {  	[sflag:s6] =	ssyncadd.s32 $0xFFFF0600  }
0x6c: {  	[tilespmem:s3], [sflag:$0x1] =	stream.linear.gather [hbm4b:s13+s3], $0x3E8, $0x38;
	[tilespmem:$0x19A28] =	vst v63  }
0x6d: {  	_ =	swait.ge [sflag:s6], $0x3E8  }
0x6e: {  	[sflag:s6] =	ssyncset.done $0x0  }
0x6f: {  	[sflag:s6] =	ssyncadd.s32 $0xFFFFFC18  }
0x70: {  	[tilespmem:s10], [sflag:$0x1] =	stream.linear.gather [hbm4b:s14+s3], $0xFA00, $0x38;
	[tilespmem:$0x19A28] =	vst v63  }
0x71: {  	_ =	swait.ge [sflag:s6], $0xFA00  }
0x72: {  	[sflag:s6] =	ssyncset.done $0x0  }
0x73: {  	[sflag:s6] =	ssyncadd.s32 $0xFFFF0600  }
0x74: {  	[spmem:s2] =	stream.indirect.scatter.add.f32 [tilespmem:s10], [sflag:$0x1], $0x40, s3, s10, $0xb8;
	[tilespmem:$0x19A28] =	vst v63  }
0x75: {  	_ =	swait.ge [sflag:s6], $0xFA00  }
0x76: {  	[sflag:s6] =	ssyncset.done $0x0  }
0x77: {  	[sflag:s6] =	ssyncadd.s32 $0xFFFF0600  }
0x78: {  	[tilespmem:s3], [sflag:$0x1] =	stream.linear.gather [hbm4b:s15+s3], $0x3E8, $0x38;
	[tilespmem:$0x19A28] =	vst v63  }
0x79: {  	_ =	swait.ge [sflag:s6], $0x3E8  }
0x7a: {  	[sflag:s6] =	ssyncset.done $0x0  }
0x7b: {  	[sflag:s6] =	ssyncadd.s32 $0xFFFFFC18  }
0x7c: {  	[tilespmem:s10], [sflag:$0x1] =	stream.linear.gather [hbm4b:s16+s3], $0xFA00, $0x38;
	[tilespmem:$0x19A28] =	vst v63  }
0x7d: {  	_ =	swait.ge [sflag:s6], $0xFA00  }
0x7e: {  	[sflag:s6] =	ssyncset.done $0x0  }
0x7f: {  	[sflag:s6] =	ssyncadd.s32 $0xFFFF0600  }
0x80: {  	[spmem:s2] =	stream.indirect.scatter.add.f32 [tilespmem:s10], [sflag:$0x1], $0x40, s3, s10, $0xb8;
	[tilespmem:$0x19A28] =	vst v63  }
0x81: {  	_ =	swait.ge [sflag:s6], $0xFA00  }
0x82: {  	[sflag:s6] =	ssyncset.done $0x0  }
0x83: {  	[sflag:s6] =	ssyncadd.s32 $0xFFFF0600  }
0x84: {  	[tilespmem:s3], [sflag:$0x1] =	stream.linear.gather [hbm4b:s17+s3], $0x3E8, $0x38;
	[tilespmem:$0x19A28] =	vst v63  }
0x85: {  	_ =	swait.ge [sflag:s6], $0x3E8  }
0x86: {  	[sflag:s6] =	ssyncset.done $0x0  }
0x87: {  	[sflag:s6] =	ssyncadd.s32 $0xFFFFFC18  }
0x88: {  	[tilespmem:s10], [sflag:$0x1] =	stream.linear.gather [hbm4b:s18+s3], $0xFA00, $0x38;
	[tilespmem:$0x19A28] =	vst v63  }
0x89: {  	_ =	swait.ge [sflag:s6], $0xFA00  }
0x8a: {  	[sflag:s6] =	ssyncset.done $0x0  }
0x8b: {  	[sflag:s6] =	ssyncadd.s32 $0xFFFF0600  }
0x8c: {  	[spmem:s2] =	stream.indirect.scatter.add.f32 [tilespmem:s10], [sflag:$0x1], $0x40, s3, s10, $0xb8;
	[tilespmem:$0x19A28] =	vst v63  }
0x8d: {  	_ =	swait.ge [sflag:s6], $0xFA00  }
0x8e: {  	[sflag:s6] =	ssyncset.done $0x0  }
.Ltmp1:
0x8f: {  	[sflag:s6] =	ssyncadd.s32 $0xFFFF0600;
	(pc) =	sbr.rel @p0 .LBB2_1-.Ltmp1, $4  }
0x90: {  	[bflag:$0x0] =	sbarrier.arrive $0xFFFF  }
0x91: {  	[hbm:s19], [sflag:s5] =	dma.local [spmem:s7], $0x1388  }
0x92: {  	_ =	swait.ge [sflag:s6], $0x1388  }
0x93: {  	[sflag:s6] =	ssyncset.done $0x0  }
.LBB2_2:
0x94: {  	[sflag:s6] =	ssyncadd.s32 $0xFFFFEC78  }
0x95: {  	_ =	sfence.sel $0x180000  }
0x96: {  	[bflag:$0x0] =	sbarrier.arrive $0xFFFF  }
0x97: {  	p0 =	sne.s32 s1, $0x0;
	_ =	strace $0x9000004A  }
0x98: {  	s0 =	sadd.s32 @!p0 $0x100000, s0;
	[bflag:$0x2] =	sbarrier.arrive $0xFFFF  }
0x99: {  	[sflag:s0] =	ssyncadd.tile.s32 @!p0 $0x1;
	_ =	shalt  }
.Lfunc_end2:
_tile_overlayer_lowered:
.L_overlay_start_2:
0x9a: {  	(tag) =	ssettag $0x2  }
0x9b: {  	s0 =	rddreg [dreg:$0x0];
	s2 =	stileid.u32  }
0x9c: {  	s1 =	rddreg [dreg:$0x1];
	p0 =	sne.s32 s2, $0x0  }
0x9d: {  	s3 =	rddreg [dreg:$0x2];
	[bflag:$0x3] =	sbarrier.arrive $0xFFFF;
	s2 =	simm.s32 @!p0 $0x1C01  }
0x9e: {  	[timem:s3], [sflag:s2] =	dma.local @!p0 [hbm:s0], s1  }
0x9f: {  	s0 =	simm.s32 @!p0 $0x1  }
0xa0: {  	_ =	swait.ge @!p0 [sflag:s0], s1  }
0xa1: {  	s1 =	ssub.s32 @!p0 $0x0, s1;
	[sflag:s0] =	ssyncset.done @!p0 $0x0  }
0xa2: {  	[sflag:s0] =	ssyncadd.s32 @!p0 s1  }
0xa3: {  	[bflag:$0x3] =	sbarrier.arrive $0xFFFF  }
0xa4: {  	_ =	shalt  }

// kernel: kernel.19.cloned.1.call-start
scs
__scs_entry_jumppad:
0x0: {  	(pc) =	sbr.rel $0x88, $3  }
0x1: {  	(tag) =	ssettag $0x0;
	lr =	simm.s32 $0x1  }
0x2: {  	[smem:$0x3F7F] =	sst lr;
	_ =	strace $0xD0000000  }
0x3: {  	_ = 	snop  }
0x4: {  	_ = 	snop  }
0x5: {  	_ = 	snop  }
0x6: {  	_ = 	snop  }
0x7: {  	_ = 	snop  }
__scs_overlays_trampoline_lowered:
0x8: {  	[smem:$0x3F8E] =	sst s0  }
0x9: {  	[smem:$0x3F8F] =	sst s1  }
0xa: {  	[smem:$0x3F90] =	sst s2  }
0xb: {  	[smem:$0x3F91] =	sst s3  }
0xc: {  	[smem:$0x3F92] =	sst s4  }
0xd: {  	[smem:$0x3F93] =	sst s5  }
0xe: {  	[smem:$0x3F94] =	sst s6  }
0xf: {  	[smem:$0x3F95] =	sst s7  }
0x10: {  	[smem:$0x3F96] =	sst s8  }
0x11: {  	[smem:$0x3F97] =	sst s9;
	s0 =	simm.s32 @!p0 $0x0  }
0x12: {  	s1 =	sld [smem:$0x3F7D];
	s0 =	simm.s32 @p0 $0x1  }
0x13: {  	[smem:$0x3F98] =	sst s0;
	s0 =	simm.s32 @!p1 $0x0  }
0x14: {  	s2 =	sld [smem:$0x3F7C];
	s0 =	simm.s32 @p1 $0x1  }
0x15: {  	[smem:$0x3F99] =	sst s0;
	s0 =	simm.s32 @!p2 $0x0  }
0x16: {  	s3 =	sld [smem:$0x3FDB];
	s0 =	simm.s32 @p2 $0x1  }
0x17: {  	s4 =	simm.s32 $0x1BF5;
	[smem:$0x3F9B] =	sst s0  }
0x18: {  	s0 =	sld [smem:$0x3F7E];
	_ =	swait.ge [sflag:s4], $0x0  }
0x19: {  	s7 =	sld [smem:$0x3F7F]  }
0x1a: {  	s8 =	sadd.s32 $0xFFFFE003, lr  }
0x1b: {  	s9 =	sadd.s32 $0xFFFFFEF7, lr;
	s5 =	simm.s32 $0xFFFFFFFF;
	p2 =	slt.u32 s8, $0xFFFFF086  }
0x1c: {  	p1 =	slt.u32 s9, $0xF7A;
	s5 =	simm.s32 @!p2 $0x0  }
0x1d: {  	s5 =	simm.s32 @p1 $0x1;
	p0 =	seq.s32 s7, s2  }
0x1e: {  	s7 =	smul.u32 @!p0 $0xF7A, s2;
	p2 =	seq.s32 @!p0 s5, $0x0  }
0x1f: {  	s9 =	smul.u32 $0xF7A, s1;
	s8 =	simm.s32 @!p0 $0x1BF5;
	p2 =	por !p2, p0  }
0x20: {  	[sflag:s8] =	ssyncset.s32 @!p0 $0xFFFFF086;
	s6 =	sadd.s32 @!p0 s3, s7;
	s7 =	simm.s32 @!p0 $0x108  }
0x21: {  	s3 =	sadd.s32 s3, s9;
	s6 =	sadd.s32 @!p0 $0x88, s6;
	s7 =	simm.s32 @p2 $0x1082  }
0x22: {  	[simem:s7], [sflag:s8] =	dma.local @!p0 [hbm:s6], $0xF7A  }
0x23: {  	s9 =	sor.u32 $0xD0000000, s2;
	s6 =	simm.s32 $0x108;
	_ =	swait.ge @!p0 [sflag:s8], $0x0  }
0x24: {  	s3 =	sadd.s32 $0x88, s3;
	s6 =	simm.s32 @!p1 $0x1082;
	[sflag:s4] =	ssyncset.s32 $0xFFFFF086  }
0x25: {  	[simem:s6], [sflag:s4] =	dma.local [hbm:s3], $0xF7A  }
0x26: {  	[smem:$0x3F7F] =	sst s1;
	(tag) =	ssettag s2;
	_ =	strace s9  }
0x27: {  	s1 =	sld [smem:$0x3F8F]  }
0x28: {  	s2 =	sld [smem:$0x3F90]  }
0x29: {  	s4 =	sld [smem:$0x3F92]  }
0x2a: {  	p0 =	seq.s32 s5, $0x0;
	s5 =	sld [smem:$0x3F93]  }
0x2b: {  	s6 =	sld [smem:$0x3F94]  }
0x2c: {  	s7 =	sld [smem:$0x3F95]  }
0x2d: {  	s3 =	simm.s32 $0x108;
	s8 =	sld [smem:$0x3F96]  }
0x2e: {  	s3 =	simm.s32 @!p0 $0x1082;
	s9 =	sld [smem:$0x3F97]  }
0x2f: {  	lr =	sadd.s32 s0, s3;
	s0 =	sld [smem:$0x3F8E]  }
0x30: {  	s3 =	sld [smem:$0x3F91]  }
0x31: {  	[smem:$0x3F9A] =	sst s10  }
0x32: {  	s10 =	sld [smem:$0x3F98];
	_ =	sdelay $0x3  }
0x33: {  	p0 =	seq.s32 s10, $0x1;
	s10 =	sld [smem:$0x3F9A];
	_ =	sdelay $0x3  }
0x34: {  	[smem:$0x3F9A] =	sst s10  }
0x35: {  	s10 =	sld [smem:$0x3F99];
	_ =	sdelay $0x3  }
0x36: {  	p1 =	seq.s32 s10, $0x1;
	s10 =	sld [smem:$0x3F9A];
	_ =	sdelay $0x3  }
0x37: {  	[smem:$0x3F9A] =	sst s10  }
0x38: {  	s10 =	sld [smem:$0x3F9B]  }
0x39: {  	_ = 	snop;
	(pc) =	sbr.ind lr, $3  }
0x3a: {  	_ = 	snop  }
0x3b: {  	_ = 	snop  }
0x3c: {  	p2 =	seq.s32 s10, $0x1;
	s10 =	sld [smem:$0x3F9A]  }
0x3d: {  	_ =	shalt  }
0x3e: {  	_ =	shalt  }
0x3f: {  	_ =	shalt  }
0x40: {  	_ =	shalt  }
0x41: {  	_ =	shalt  }
0x42: {  	_ =	shalt  }
0x43: {  	_ =	shalt  }
0x44: {  	_ =	shalt  }
0x45: {  	_ =	shalt  }
0x46: {  	_ =	shalt  }
0x47: {  	_ =	shalt  }
0x48: {  	_ =	shalt  }
0x49: {  	_ =	shalt  }
0x4a: {  	_ =	shalt  }
0x4b: {  	_ =	shalt  }
0x4c: {  	_ =	shalt  }
0x4d: {  	_ =	shalt  }
0x4e: {  	_ =	shalt  }
0x4f: {  	_ =	shalt  }
0x50: {  	_ =	shalt  }
0x51: {  	_ =	shalt  }
0x52: {  	_ =	shalt  }
0x53: {  	_ =	shalt  }
0x54: {  	_ =	shalt  }
0x55: {  	_ =	shalt  }
0x56: {  	_ =	shalt  }
0x57: {  	_ =	shalt  }
0x58: {  	_ =	shalt  }
0x59: {  	_ =	shalt  }
0x5a: {  	_ =	shalt  }
0x5b: {  	_ =	shalt  }
0x5c: {  	_ =	shalt  }
0x5d: {  	_ =	shalt  }
0x5e: {  	_ =	shalt  }
0x5f: {  	_ =	shalt  }
0x60: {  	_ =	shalt  }
0x61: {  	_ =	shalt  }
0x62: {  	_ =	shalt  }
0x63: {  	_ =	shalt  }
0x64: {  	_ =	shalt  }
0x65: {  	_ =	shalt  }
0x66: {  	_ =	shalt  }
0x67: {  	_ =	shalt  }
0x68: {  	_ =	shalt  }
0x69: {  	_ =	shalt  }
0x6a: {  	_ =	shalt  }
0x6b: {  	_ =	shalt  }
0x6c: {  	_ =	shalt  }
0x6d: {  	_ =	shalt  }
0x6e: {  	_ =	shalt  }
0x6f: {  	_ =	shalt  }
0x70: {  	_ =	shalt  }
0x71: {  	_ =	shalt  }
0x72: {  	_ =	shalt  }
0x73: {  	_ =	shalt  }
0x74: {  	_ =	shalt  }
0x75: {  	_ =	shalt  }
0x76: {  	_ =	shalt  }
0x77: {  	_ =	shalt  }
0x78: {  	_ =	shalt  }
0x79: {  	_ =	shalt  }
0x7a: {  	_ =	shalt  }
0x7b: {  	_ =	shalt  }
0x7c: {  	_ =	shalt  }
0x7d: {  	_ =	shalt  }
0x7e: {  	_ =	shalt  }
0x7f: {  	_ =	shalt  }
0x80: {  	_ =	shalt  }
0x81: {  	_ =	shalt  }
0x82: {  	_ =	shalt  }
0x83: {  	_ =	shalt  }
0x84: {  	_ =	shalt  }
0x85: {  	_ =	shalt  }
0x86: {  	_ =	shalt  }
0x87: {  	_ =	shalt  }
.Lfunc_end0:
.L_simem_size_0:
called_computation.2_lowered:
.L_overlay_start_0:
0x88: {  	s2 =	sld [smem:$0x3FD9]  }
0x89: {  	s3 =	sld [smem:$0x3FFE];
	_ =	sdelay $0x1  }
0x8a: {  	s1 =	srdreg.scid  }
0x8b: {  	s0 =	sand.u32 $0x1, s1  }
0x8c: {  	s16 =	sshll.u32 s0, $0xA;
	s2 =	sadd.s32 s3, s2  }
0x8d: {  	s2 =	sadd.s32 s2, s16  }
0x8e: {  	[smem:$0x3FA6] =	sst s2  }
0x8f: {  	_ = 	snop  }
0x90: {  	(tm) =	ssettm $0x1  }
0x91: {  	s17 =	sld [smem:$0x3FFB];
	_ =	sdelay $0x3  }
0x92: {  	_ =	strace s17  }
0x93: {  	s2 =	sld [smem:$0x3FFC];
	_ =	sdelay $0x3  }
0x94: {  	_ =	strace s2  }
0x95: {  	s2 =	sld [smem:$0x3FFD];
	_ =	sdelay $0x3  }
0x96: {  	_ =	strace s2  }
0x97: {  	_ =	strace $0x8FFFFFFF  }
0x98: {  	s18 =	sld [smem:$0x3FDB];
	_ =	sdelay $0x1  }
0x99: {  	s19 =	simm.s32 $_scs_section_size  }
0x9a: {  	s4 =	simm.s32 $_size__tile_overlayer_lowered;
	s5 =	simm.s32 $_tile_overlayer_lowered  }
0x9b: {  	s22 =	simm.s32 $0x1BFF;
	s21 =	sshll.u32 s5, $0x1;
	s2 =	sadd.s32 s19, s18  }
0x9c: {  	s6 =	simm.s32 $0x0;
	s20 =	sshll.u32 s4, $0x1;
	s4 =	sadd.s32 s21, s2  }
0x9d: {  	[timem:s6], [sflag:s22] =	dma.local [hbm:s4], s20  }
0x9e: {  	_ =	swait.ge [sflag:s22], s20  }
0x9f: {  	s3 =	ssub.s32 $0x0, s20;
	[sflag:s22] =	ssyncset.done $0x0  }
0xa0: {  	[sflag:s22] =	ssyncadd.s32 s3;
	_ =	sdelay $0x1  }
0xa1: {  	s23 =	simm.s32 $0x1B8B  }
0xa2: {  	_ =	swait.ge [sflag:s23], $0x1  }
0xa3: {  	[sflag:s23] =	ssyncset.done $0x0  }
0xa4: {  	s25 =	simm.s32 $0x1B8E;
	s24 =	sld [smem:$0x3FFE];
	[sflag:s23] =	ssyncadd.s32 $0xFFFFFFFF  }
0xa5: {  	s26 =	simm.s32 $execute0_lowered;
	[smem:$0x3FD2] =	sst s25  }
0xa6: {  	s4 =	sshll.u32 s26, $0x1;
	_ =	strace $0x8000004C;
	[dreg:$0x1] =	wrdreg $0xFFFFFFFF  }
0xa7: {  	s28 =	simm.s32 $_size_execute0_lowered;
	s2 =	sadd.s32 s2, s4;
	[dreg:$0x0] =	wrdreg $0x0  }
0xa8: {  	s4 =	sshll.u32 s28, $0x1;
	[dreg:$0x2] =	wrdreg s2  }
0xa9: {  	[dreg:$0x3] =	wrdreg s4  }
0xaa: {  	[dreg:$0x4] =	wrdreg $0xC0  }
0xab: {  	_ =	task [dreg:s6], $0x5FFFF  }
0xac: {  	[dreg:$0x1] =	wrdreg $0xFFFFFFFF  }
0xad: {  	[dreg:$0x0] =	wrdreg $0x60  }
0xae: {  	[dreg:$0x2] =	wrdreg s24  }
0xaf: {  	[dreg:$0x3] =	wrdreg $0x9  }
0xb0: {  	_ =	task.clear_ibuf [dreg:s6], $0x4FFFF;
	_ =	strace $0x9000004C  }
0xb1: {  	s29 =	simm.s32 $0x9;
	_ =	strace $0x8000004E  }
0xb2: {  	_ =	swait.ge [sflag:s29], $0x1  }
0xb3: {  	[sflag:s29] =	ssyncadd.s32 $0xFFFFFFFF  }
0xb4: {  	_ =	strace $0x9000004E  }
0xb5: {  	_ =	sfence  }
0xb6: {  	s30 =	sld [smem:$0x0];
	_ =	sdelay $0x2  }
0xb7: {  	s31 =	sshll.u32 s1, $0xD;
	s1 =	sshrl.u32 s1, $0x2  }
0xb8: {  	s3 =	sand.u32 $0x4000, s31;
	s1 =	sadd.s32 s1, s30  }
0xb9: {  	s0 =	sor.u32 s3, s0;
	s1 =	sshll.u32 s1, $0x11  }
0xba: {  	s0 =	sor.u32 s1, s0  }
0xbb: {  	s0 =	sadd.s32 $0x8F2B, s0  }
0xbc: {  	[sflag:s0] =	ssyncadd.remote.s32 $0x1  }
0xbd: {  	_ =	sfence.sel $0xFFFF  }
0xbe: {  	[dreg:$0x0] =	wrdreg $0xFFFFFFFF;
	(pc) =	sbr.abs _section_cstart, $3  }
0xbf: {  	[dreg:$0x1] =	wrdreg $0xFFFFFFFF  }
0xc0: {  	_ =	task.clear_ibuf [dreg:s6], $0x2FFFF;
	_ =	strace $0x9FFFFFFF  }
0xc1: {  	(tm) =	ssettm $0x7FFFFFFF  }
tec
execute0_lowered:
.L_overlay_start_1:
0x0: {  	(tag) =	ssettag $0x1  }
0x1: {  	s1 =	srdreg.scid;
	s0 =	stileid.u32  }
0x2: {  	s16 =	sand.u32 $0x1, s1;
	s26 =	sshll.u32 s0, $0x1  }
0x3: {  	s8 =	sor.u32 s16, s26  }
0x4: {  	s9 =	rddreg [dreg:$0x0];
	s17 =	smul.u32 $0x1388, s8  }
0x5: {  	s2 =	simm.s32 $0x0;
	s1 =	rddreg [dreg:$0x1]  }
0x6: {  	[smem:$0x7FF] =	sst s2;
	s15 =	sadd.s32 $0x155600, s9;
	s3 =	sshrl.u32 s17, $0x3  }
0x7: {  	_ =	strace $0x8000004D;
	s4 =	sadd.s32 s15, s3;
	s3 =	simm.s32 $0x2  }
0x8: {  	[tilespmem:s2], [sflag:$0x2] =	stream.linear.gather [hbm4b:s4+s2], $0x3E8, $0x38;
	[tilespmem:$0xFDE8] =	vst v63  }
0x9: {  	_ =	swait.ge [sflag:s3], $0x3E8  }
0xa: {  	s6 =	simm.s32 $0x3E8;
	[sflag:s3] =	ssyncset.done $0x0  }
0xb: {  	s7 =	simm.s32 $0x1;
	s5 =	sadd.s32 $0x15A600, s9;
	[sflag:s3] =	ssyncadd.s32 $0xFFFFFC18  }
0xc: {  	[tilespmem:s6], [sflag:$0x1] =	stream.indirect.gather [hbm4b:s5+s6], $0x40, s2, s6, $0xb8;
	[tilespmem:$0xFDE8] =	vst v63  }
0xd: {  	s8 =	smul.u32 $0x9C40, s8;
	_ =	swait.ge [sflag:s7], $0xFA00  }
0xe: {  	s18 =	sadd.s32 $0x3CB600, s9;
	[sflag:s7] =	ssyncset.done $0x0  }
0xf: {  	s8 =	sadd.s32 s18, s8;
	[sflag:s7] =	ssyncadd.s32 $0xFFFF0600  }
0x10: {  	[hbm4b:s8+s2] =	stream.linear.scatter [tilespmem:s6], [sflag:$0x2], $0xFA00, $0x38;
	[tilespmem:$0xFDE8] =	vst v63  }
0x11: {  	s10 =	sadd.s32 $0x3E8, s17;
	_ =	swait.ge [sflag:s3], $0xFA00  }
0x12: {  	s28 =	sshrl.u32 s10, $0x3;
	[sflag:s3] =	ssyncset.done $0x0  }
0x13: {  	s9 =	sadd.s32 s15, s28;
	[sflag:s3] =	ssyncadd.s32 $0xFFFF0600  }
0x14: {  	[tilespmem:s2], [sflag:$0x2] =	stream.linear.gather [hbm4b:s9+s2], $0x3E8, $0x38;
	[tilespmem:$0xFDE8] =	vst v63  }
0x15: {  	_ =	swait.ge [sflag:s3], $0x3E8  }
0x16: {  	[sflag:s3] =	ssyncset.done $0x0  }
0x17: {  	[sflag:s3] =	ssyncadd.s32 $0xFFFFFC18  }
0x18: {  	[tilespmem:s6], [sflag:$0x1] =	stream.indirect.gather [hbm4b:s5+s6], $0x40, s2, s6, $0xb8;
	[tilespmem:$0xFDE8] =	vst v63  }
0x19: {  	_ =	swait.ge [sflag:s7], $0xFA00  }
0x1a: {  	s10 =	sshll.u32 s10, $0x3;
	[sflag:s7] =	ssyncset.done $0x0  }
0x1b: {  	s10 =	sadd.s32 s18, s10;
	[sflag:s7] =	ssyncadd.s32 $0xFFFF0600  }
0x1c: {  	[hbm4b:s10+s2] =	stream.linear.scatter [tilespmem:s6], [sflag:$0x2], $0xFA00, $0x38;
	[tilespmem:$0xFDE8] =	vst v63  }
0x1d: {  	s12 =	sadd.s32 $0x7D0, s17;
	_ =	swait.ge [sflag:s3], $0xFA00  }
0x1e: {  	s11 =	sshrl.u32 s12, $0x3;
	[sflag:s3] =	ssyncset.done $0x0  }
0x1f: {  	s11 =	sadd.s32 s15, s11;
	[sflag:s3] =	ssyncadd.s32 $0xFFFF0600  }
0x20: {  	[tilespmem:s2], [sflag:$0x2] =	stream.linear.gather [hbm4b:s11+s2], $0x3E8, $0x38;
	[tilespmem:$0xFDE8] =	vst v63  }
0x21: {  	_ =	swait.ge [sflag:s3], $0x3E8  }
0x22: {  	[sflag:s3] =	ssyncset.done $0x0  }
0x23: {  	[sflag:s3] =	ssyncadd.s32 $0xFFFFFC18  }
0x24: {  	[tilespmem:s6], [sflag:$0x1] =	stream.indirect.gather [hbm4b:s5+s6], $0x40, s2, s6, $0xb8;
	[tilespmem:$0xFDE8] =	vst v63  }
0x25: {  	_ =	swait.ge [sflag:s7], $0xFA00  }
0x26: {  	s12 =	sshll.u32 s12, $0x3;
	[sflag:s7] =	ssyncset.done $0x0  }
0x27: {  	s12 =	sadd.s32 s18, s12;
	[sflag:s7] =	ssyncadd.s32 $0xFFFF0600  }
0x28: {  	[hbm4b:s12+s2] =	stream.linear.scatter [tilespmem:s6], [sflag:$0x2], $0xFA00, $0x38;
	[tilespmem:$0xFDE8] =	vst v63  }
0x29: {  	s14 =	sadd.s32 $0xBB8, s17;
	_ =	swait.ge [sflag:s3], $0xFA00  }
0x2a: {  	s13 =	sshrl.u32 s14, $0x3;
	[sflag:s3] =	ssyncset.done $0x0  }
0x2b: {  	s13 =	sadd.s32 s15, s13;
	[sflag:s3] =	ssyncadd.s32 $0xFFFF0600  }
0x2c: {  	[tilespmem:s2], [sflag:$0x2] =	stream.linear.gather [hbm4b:s13+s2], $0x3E8, $0x38;
	[tilespmem:$0xFDE8] =	vst v63  }
0x2d: {  	_ =	swait.ge [sflag:s3], $0x3E8  }
0x2e: {  	[sflag:s3] =	ssyncset.done $0x0  }
0x2f: {  	[sflag:s3] =	ssyncadd.s32 $0xFFFFFC18  }
0x30: {  	[tilespmem:s6], [sflag:$0x1] =	stream.indirect.gather [hbm4b:s5+s6], $0x40, s2, s6, $0xb8;
	[tilespmem:$0xFDE8] =	vst v63  }
0x31: {  	_ =	swait.ge [sflag:s7], $0xFA00  }
0x32: {  	s14 =	sshll.u32 s14, $0x3;
	[sflag:s7] =	ssyncset.done $0x0  }
0x33: {  	s14 =	sadd.s32 s18, s14;
	[sflag:s7] =	ssyncadd.s32 $0xFFFF0600  }
0x34: {  	[hbm4b:s14+s2] =	stream.linear.scatter [tilespmem:s6], [sflag:$0x2], $0xFA00, $0x38;
	[tilespmem:$0xFDE8] =	vst v63  }
0x35: {  	s17 =	sadd.s32 $0xFA0, s17;
	_ =	swait.ge [sflag:s3], $0xFA00  }
0x36: {  	s19 =	sshrl.u32 s17, $0x3;
	[sflag:s3] =	ssyncset.done $0x0  }
0x37: {  	s16 =	ssub.s32 $0x2, s16;
	s15 =	sadd.s32 s15, s19;
	[sflag:s3] =	ssyncadd.s32 $0xFFFF0600  }
0x38: {  	[tilespmem:s2], [sflag:$0x2] =	stream.linear.gather [hbm4b:s15+s2], $0x3E8, $0x38;
	[tilespmem:$0xFDE8] =	vst v63  }
0x39: {  	s29 =	sshrl.u32 s16, $0x1;
	_ =	swait.ge [sflag:s3], $0x3E8  }
0x3a: {  	s19 =	ssub.s32 s16, s29;
	[sflag:s3] =	ssyncset.done $0x0  }
0x3b: {  	s31 =	smax.u32 s19, $0x1;
	[sflag:s3] =	ssyncadd.s32 $0xFFFFFC18  }
0x3c: {  	[tilespmem:s6], [sflag:$0x1] =	stream.indirect.gather [hbm4b:s5+s6], $0x40, s2, s6, $0xb8;
	[tilespmem:$0xFDE8] =	vst v63  }
0x3d: {  	p0 =	sne.s32 s31, $0x1;
	_ =	swait.ge [sflag:s7], $0xFA00  }
.Ltmp0:
0x3e: {  	s30 =	sshll.u32 s17, $0x3;
	[sflag:s7] =	ssyncset.done $0x0;
	(pc) =	sbr.rel @!p0 .LBB2_2-.Ltmp0, $4  }
0x3f: {  	s16 =	sadd.s32 s18, s30;
	[sflag:s7] =	ssyncadd.s32 $0xFFFF0600  }
0x40: {  	[hbm4b:s16+s2] =	stream.linear.scatter [tilespmem:s6], [sflag:$0x2], $0xFA00, $0x38;
	[tilespmem:$0xFDE8] =	vst v63  }
0x41: {  	_ =	swait.ge [sflag:s3], $0xFA00  }
0x42: {  	s17 =	sadd.s32 $0xFFFFFFFF, s31;
	[sflag:s3] =	ssyncset.done $0x0  }
.LBB2_1:
0x43: {  	p0 =	sne.s32 s17, $0x1;
	s17 =	sadd.s32 $0xFFFFFFFF, s17;
	[sflag:s3] =	ssyncadd.s32 $0xFFFF0600  }
0x44: {  	[tilespmem:s2], [sflag:$0x2] =	stream.linear.gather [hbm4b:s4+s2], $0x3E8, $0x38;
	[tilespmem:$0xFDE8] =	vst v63  }
0x45: {  	_ =	swait.ge [sflag:s3], $0x3E8  }
0x46: {  	[sflag:s3] =	ssyncset.done $0x0  }
0x47: {  	[sflag:s3] =	ssyncadd.s32 $0xFFFFFC18  }
0x48: {  	[tilespmem:s6], [sflag:$0x1] =	stream.indirect.gather [hbm4b:s5+s6], $0x40, s2, s6, $0xb8;
	[tilespmem:$0xFDE8] =	vst v63  }
0x49: {  	_ =	swait.ge [sflag:s7], $0xFA00  }
0x4a: {  	[sflag:s7] =	ssyncset.done $0x0  }
0x4b: {  	[sflag:s7] =	ssyncadd.s32 $0xFFFF0600  }
0x4c: {  	[hbm4b:s8+s2] =	stream.linear.scatter [tilespmem:s6], [sflag:$0x2], $0xFA00, $0x38;
	[tilespmem:$0xFDE8] =	vst v63  }
0x4d: {  	_ =	swait.ge [sflag:s3], $0xFA00  }
0x4e: {  	[sflag:s3] =	ssyncset.done $0x0  }
0x4f: {  	[sflag:s3] =	ssyncadd.s32 $0xFFFF0600  }
0x50: {  	[tilespmem:s2], [sflag:$0x2] =	stream.linear.gather [hbm4b:s9+s2], $0x3E8, $0x38;
	[tilespmem:$0xFDE8] =	vst v63  }
0x51: {  	_ =	swait.ge [sflag:s3], $0x3E8  }
0x52: {  	[sflag:s3] =	ssyncset.done $0x0  }
0x53: {  	[sflag:s3] =	ssyncadd.s32 $0xFFFFFC18  }
0x54: {  	[tilespmem:s6], [sflag:$0x1] =	stream.indirect.gather [hbm4b:s5+s6], $0x40, s2, s6, $0xb8;
	[tilespmem:$0xFDE8] =	vst v63  }
0x55: {  	_ =	swait.ge [sflag:s7], $0xFA00  }
0x56: {  	[sflag:s7] =	ssyncset.done $0x0  }
0x57: {  	[sflag:s7] =	ssyncadd.s32 $0xFFFF0600  }
0x58: {  	[hbm4b:s10+s2] =	stream.linear.scatter [tilespmem:s6], [sflag:$0x2], $0xFA00, $0x38;
	[tilespmem:$0xFDE8] =	vst v63  }
0x59: {  	_ =	swait.ge [sflag:s3], $0xFA00  }
0x5a: {  	[sflag:s3] =	ssyncset.done $0x0  }
0x5b: {  	[sflag:s3] =	ssyncadd.s32 $0xFFFF0600  }
0x5c: {  	[tilespmem:s2], [sflag:$0x2] =	stream.linear.gather [hbm4b:s11+s2], $0x3E8, $0x38;
	[tilespmem:$0xFDE8] =	vst v63  }
0x5d: {  	_ =	swait.ge [sflag:s3], $0x3E8  }
0x5e: {  	[sflag:s3] =	ssyncset.done $0x0  }
0x5f: {  	[sflag:s3] =	ssyncadd.s32 $0xFFFFFC18  }
0x60: {  	[tilespmem:s6], [sflag:$0x1] =	stream.indirect.gather [hbm4b:s5+s6], $0x40, s2, s6, $0xb8;
	[tilespmem:$0xFDE8] =	vst v63  }
0x61: {  	_ =	swait.ge [sflag:s7], $0xFA00  }
0x62: {  	[sflag:s7] =	ssyncset.done $0x0  }
0x63: {  	[sflag:s7] =	ssyncadd.s32 $0xFFFF0600  }
0x64: {  	[hbm4b:s12+s2] =	stream.linear.scatter [tilespmem:s6], [sflag:$0x2], $0xFA00, $0x38;
	[tilespmem:$0xFDE8] =	vst v63  }
0x65: {  	_ =	swait.ge [sflag:s3], $0xFA00  }
0x66: {  	[sflag:s3] =	ssyncset.done $0x0  }
0x67: {  	[sflag:s3] =	ssyncadd.s32 $0xFFFF0600  }
0x68: {  	[tilespmem:s2], [sflag:$0x2] =	stream.linear.gather [hbm4b:s13+s2], $0x3E8, $0x38;
	[tilespmem:$0xFDE8] =	vst v63  }
0x69: {  	_ =	swait.ge [sflag:s3], $0x3E8  }
0x6a: {  	[sflag:s3] =	ssyncset.done $0x0  }
0x6b: {  	[sflag:s3] =	ssyncadd.s32 $0xFFFFFC18  }
0x6c: {  	[tilespmem:s6], [sflag:$0x1] =	stream.indirect.gather [hbm4b:s5+s6], $0x40, s2, s6, $0xb8;
	[tilespmem:$0xFDE8] =	vst v63  }
0x6d: {  	_ =	swait.ge [sflag:s7], $0xFA00  }
0x6e: {  	[sflag:s7] =	ssyncset.done $0x0  }
0x6f: {  	[sflag:s7] =	ssyncadd.s32 $0xFFFF0600  }
0x70: {  	[hbm4b:s14+s2] =	stream.linear.scatter [tilespmem:s6], [sflag:$0x2], $0xFA00, $0x38;
	[tilespmem:$0xFDE8] =	vst v63  }
0x71: {  	_ =	swait.ge [sflag:s3], $0xFA00  }
0x72: {  	[sflag:s3] =	ssyncset.done $0x0  }
0x73: {  	[sflag:s3] =	ssyncadd.s32 $0xFFFF0600  }
0x74: {  	[tilespmem:s2], [sflag:$0x2] =	stream.linear.gather [hbm4b:s15+s2], $0x3E8, $0x38;
	[tilespmem:$0xFDE8] =	vst v63  }
0x75: {  	_ =	swait.ge [sflag:s3], $0x3E8  }
0x76: {  	[sflag:s3] =	ssyncset.done $0x0  }
0x77: {  	[sflag:s3] =	ssyncadd.s32 $0xFFFFFC18  }
0x78: {  	[tilespmem:s6], [sflag:$0x1] =	stream.indirect.gather [hbm4b:s5+s6], $0x40, s2, s6, $0xb8;
	[tilespmem:$0xFDE8] =	vst v63  }
0x79: {  	_ =	swait.ge [sflag:s7], $0xFA00  }
.Ltmp1:
0x7a: {  	[sflag:s7] =	ssyncset.done $0x0;
	(pc) =	sbr.rel @p0 .LBB2_1-.Ltmp1, $4  }
0x7b: {  	[sflag:s7] =	ssyncadd.s32 $0xFFFF0600  }
0x7c: {  	[hbm4b:s16+s2] =	stream.linear.scatter [tilespmem:s6], [sflag:$0x2], $0xFA00, $0x38;
	[tilespmem:$0xFDE8] =	vst v63  }
0x7d: {  	_ =	swait.ge [sflag:s3], $0xFA00  }
0x7e: {  	[sflag:s3] =	ssyncset.done $0x0  }
.LBB2_2:
0x7f: {  	[sflag:s3] =	ssyncadd.s32 $0xFFFF0600  }
0x80: {  	_ =	sfence.sel $0x180000  }
0x81: {  	[bflag:$0x0] =	sbarrier.arrive $0xFFFF  }
0x82: {  	p0 =	sne.s32 s0, $0x0;
	_ =	strace $0x9000004D  }
0x83: {  	s0 =	sadd.s32 @!p0 $0x100000, s1;
	[bflag:$0x2] =	sbarrier.arrive $0xFFFF  }
0x84: {  	[sflag:s0] =	ssyncadd.tile.s32 @!p0 $0x1;
	_ =	shalt  }
.Lfunc_end2:
_tile_overlayer_lowered:
.L_overlay_start_2:
0x85: {  	(tag) =	ssettag $0x2  }
0x86: {  	s0 =	rddreg [dreg:$0x0];
	s2 =	stileid.u32  }
0x87: {  	s1 =	rddreg [dreg:$0x1];
	p0 =	sne.s32 s2, $0x0  }
0x88: {  	s3 =	rddreg [dreg:$0x2];
	[bflag:$0x3] =	sbarrier.arrive $0xFFFF;
	s2 =	simm.s32 @!p0 $0x1C02  }
0x89: {  	[timem:s3], [sflag:s2] =	dma.local @!p0 [hbm:s0], s1  }
0x8a: {  	s0 =	simm.s32 @!p0 $0x2  }
0x8b: {  	_ =	swait.ge @!p0 [sflag:s0], s1  }
0x8c: {  	s1 =	ssub.s32 @!p0 $0x0, s1;
	[sflag:s0] =	ssyncset.done @!p0 $0x0  }
0x8d: {  	[sflag:s0] =	ssyncadd.s32 @!p0 s1  }
0x8e: {  	[bflag:$0x3] =	sbarrier.arrive $0xFFFF  }
0x8f: {  	_ =	shalt  }

// kernel: kernel.22.cloned.1.call-start
scs
__scs_entry_jumppad:
0x0: {  	(pc) =	sbr.rel $0x88, $3  }
0x1: {  	(tag) =	ssettag $0x0;
	lr =	simm.s32 $0x1  }
0x2: {  	[smem:$0x3F7F] =	sst lr;
	_ =	strace $0xD0000000  }
0x3: {  	_ = 	snop  }
0x4: {  	_ = 	snop  }
0x5: {  	_ = 	snop  }
0x6: {  	_ = 	snop  }
0x7: {  	_ = 	snop  }
__scs_overlays_trampoline_lowered:
0x8: {  	[smem:$0x3F8E] =	sst s0  }
0x9: {  	[smem:$0x3F8F] =	sst s1  }
0xa: {  	[smem:$0x3F90] =	sst s2  }
0xb: {  	[smem:$0x3F91] =	sst s3  }
0xc: {  	[smem:$0x3F92] =	sst s4  }
0xd: {  	[smem:$0x3F93] =	sst s5  }
0xe: {  	[smem:$0x3F94] =	sst s6  }
0xf: {  	[smem:$0x3F95] =	sst s7  }
0x10: {  	[smem:$0x3F96] =	sst s8  }
0x11: {  	[smem:$0x3F97] =	sst s9;
	s0 =	simm.s32 @!p0 $0x0  }
0x12: {  	s1 =	sld [smem:$0x3F7D];
	s0 =	simm.s32 @p0 $0x1  }
0x13: {  	[smem:$0x3F98] =	sst s0;
	s0 =	simm.s32 @!p1 $0x0  }
0x14: {  	s2 =	sld [smem:$0x3F7C];
	s0 =	simm.s32 @p1 $0x1  }
0x15: {  	[smem:$0x3F99] =	sst s0;
	s0 =	simm.s32 @!p2 $0x0  }
0x16: {  	s3 =	sld [smem:$0x3FDB];
	s0 =	simm.s32 @p2 $0x1  }
0x17: {  	s4 =	simm.s32 $0x1BF5;
	[smem:$0x3F9B] =	sst s0  }
0x18: {  	s0 =	sld [smem:$0x3F7E];
	_ =	swait.ge [sflag:s4], $0x0  }
0x19: {  	s7 =	sld [smem:$0x3F7F]  }
0x1a: {  	s8 =	sadd.s32 $0xFFFFE003, lr  }
0x1b: {  	s9 =	sadd.s32 $0xFFFFFEF7, lr;
	s5 =	simm.s32 $0xFFFFFFFF;
	p2 =	slt.u32 s8, $0xFFFFF086  }
0x1c: {  	p1 =	slt.u32 s9, $0xF7A;
	s5 =	simm.s32 @!p2 $0x0  }
0x1d: {  	s5 =	simm.s32 @p1 $0x1;
	p0 =	seq.s32 s7, s2  }
0x1e: {  	s7 =	smul.u32 @!p0 $0xF7A, s2;
	p2 =	seq.s32 @!p0 s5, $0x0  }
0x1f: {  	s9 =	smul.u32 $0xF7A, s1;
	s8 =	simm.s32 @!p0 $0x1BF5;
	p2 =	por !p2, p0  }
0x20: {  	[sflag:s8] =	ssyncset.s32 @!p0 $0xFFFFF086;
	s6 =	sadd.s32 @!p0 s3, s7;
	s7 =	simm.s32 @!p0 $0x108  }
0x21: {  	s3 =	sadd.s32 s3, s9;
	s6 =	sadd.s32 @!p0 $0x88, s6;
	s7 =	simm.s32 @p2 $0x1082  }
0x22: {  	[simem:s7], [sflag:s8] =	dma.local @!p0 [hbm:s6], $0xF7A  }
0x23: {  	s9 =	sor.u32 $0xD0000000, s2;
	s6 =	simm.s32 $0x108;
	_ =	swait.ge @!p0 [sflag:s8], $0x0  }
0x24: {  	s3 =	sadd.s32 $0x88, s3;
	s6 =	simm.s32 @!p1 $0x1082;
	[sflag:s4] =	ssyncset.s32 $0xFFFFF086  }
0x25: {  	[simem:s6], [sflag:s4] =	dma.local [hbm:s3], $0xF7A  }
0x26: {  	[smem:$0x3F7F] =	sst s1;
	(tag) =	ssettag s2;
	_ =	strace s9  }
0x27: {  	s1 =	sld [smem:$0x3F8F]  }
0x28: {  	s2 =	sld [smem:$0x3F90]  }
0x29: {  	s4 =	sld [smem:$0x3F92]  }
0x2a: {  	p0 =	seq.s32 s5, $0x0;
	s5 =	sld [smem:$0x3F93]  }
0x2b: {  	s6 =	sld [smem:$0x3F94]  }
0x2c: {  	s7 =	sld [smem:$0x3F95]  }
0x2d: {  	s3 =	simm.s32 $0x108;
	s8 =	sld [smem:$0x3F96]  }
0x2e: {  	s3 =	simm.s32 @!p0 $0x1082;
	s9 =	sld [smem:$0x3F97]  }
0x2f: {  	lr =	sadd.s32 s0, s3;
	s0 =	sld [smem:$0x3F8E]  }
0x30: {  	s3 =	sld [smem:$0x3F91]  }
0x31: {  	[smem:$0x3F9A] =	sst s10  }
0x32: {  	s10 =	sld [smem:$0x3F98];
	_ =	sdelay $0x3  }
0x33: {  	p0 =	seq.s32 s10, $0x1;
	s10 =	sld [smem:$0x3F9A];
	_ =	sdelay $0x3  }
0x34: {  	[smem:$0x3F9A] =	sst s10  }
0x35: {  	s10 =	sld [smem:$0x3F99];
	_ =	sdelay $0x3  }
0x36: {  	p1 =	seq.s32 s10, $0x1;
	s10 =	sld [smem:$0x3F9A];
	_ =	sdelay $0x3  }
0x37: {  	[smem:$0x3F9A] =	sst s10  }
0x38: {  	s10 =	sld [smem:$0x3F9B]  }
0x39: {  	_ = 	snop;
	(pc) =	sbr.ind lr, $3  }
0x3a: {  	_ = 	snop  }
0x3b: {  	_ = 	snop  }
0x3c: {  	p2 =	seq.s32 s10, $0x1;
	s10 =	sld [smem:$0x3F9A]  }
0x3d: {  	_ =	shalt  }
0x3e: {  	_ =	shalt  }
0x3f: {  	_ =	shalt  }
0x40: {  	_ =	shalt  }
0x41: {  	_ =	shalt  }
0x42: {  	_ =	shalt  }
0x43: {  	_ =	shalt  }
0x44: {  	_ =	shalt  }
0x45: {  	_ =	shalt  }
0x46: {  	_ =	shalt  }
0x47: {  	_ =	shalt  }
0x48: {  	_ =	shalt  }
0x49: {  	_ =	shalt  }
0x4a: {  	_ =	shalt  }
0x4b: {  	_ =	shalt  }
0x4c: {  	_ =	shalt  }
0x4d: {  	_ =	shalt  }
0x4e: {  	_ =	shalt  }
0x4f: {  	_ =	shalt  }
0x50: {  	_ =	shalt  }
0x51: {  	_ =	shalt  }
0x52: {  	_ =	shalt  }
0x53: {  	_ =	shalt  }
0x54: {  	_ =	shalt  }
0x55: {  	_ =	shalt  }
0x56: {  	_ =	shalt  }
0x57: {  	_ =	shalt  }
0x58: {  	_ =	shalt  }
0x59: {  	_ =	shalt  }
0x5a: {  	_ =	shalt  }
0x5b: {  	_ =	shalt  }
0x5c: {  	_ =	shalt  }
0x5d: {  	_ =	shalt  }
0x5e: {  	_ =	shalt  }
0x5f: {  	_ =	shalt  }
0x60: {  	_ =	shalt  }
0x61: {  	_ =	shalt  }
0x62: {  	_ =	shalt  }
0x63: {  	_ =	shalt  }
0x64: {  	_ =	shalt  }
0x65: {  	_ =	shalt  }
0x66: {  	_ =	shalt  }
0x67: {  	_ =	shalt  }
0x68: {  	_ =	shalt  }
0x69: {  	_ =	shalt  }
0x6a: {  	_ =	shalt  }
0x6b: {  	_ =	shalt  }
0x6c: {  	_ =	shalt  }
0x6d: {  	_ =	shalt  }
0x6e: {  	_ =	shalt  }
0x6f: {  	_ =	shalt  }
0x70: {  	_ =	shalt  }
0x71: {  	_ =	shalt  }
0x72: {  	_ =	shalt  }
0x73: {  	_ =	shalt  }
0x74: {  	_ =	shalt  }
0x75: {  	_ =	shalt  }
0x76: {  	_ =	shalt  }
0x77: {  	_ =	shalt  }
0x78: {  	_ =	shalt  }
0x79: {  	_ =	shalt  }
0x7a: {  	_ =	shalt  }
0x7b: {  	_ =	shalt  }
0x7c: {  	_ =	shalt  }
0x7d: {  	_ =	shalt  }
0x7e: {  	_ =	shalt  }
0x7f: {  	_ =	shalt  }
0x80: {  	_ =	shalt  }
0x81: {  	_ =	shalt  }
0x82: {  	_ =	shalt  }
0x83: {  	_ =	shalt  }
0x84: {  	_ =	shalt  }
0x85: {  	_ =	shalt  }
0x86: {  	_ =	shalt  }
0x87: {  	_ =	shalt  }
.Lfunc_end0:
.L_simem_size_0:
called_computation.3_lowered:
.L_overlay_start_0:
0x88: {  	s2 =	sld [smem:$0x3FD9]  }
0x89: {  	s3 =	sld [smem:$0x3FFE];
	_ =	sdelay $0x1  }
0x8a: {  	s1 =	srdreg.scid  }
0x8b: {  	s0 =	sand.u32 $0x1, s1  }
0x8c: {  	s16 =	sshll.u32 s0, $0xA;
	s2 =	sadd.s32 s3, s2  }
0x8d: {  	s2 =	sadd.s32 s2, s16  }
0x8e: {  	[smem:$0x3FA6] =	sst s2  }
0x8f: {  	_ = 	snop  }
0x90: {  	(tm) =	ssettm $0x1  }
0x91: {  	s17 =	sld [smem:$0x3FFB];
	_ =	sdelay $0x3  }
0x92: {  	_ =	strace s17  }
0x93: {  	s2 =	sld [smem:$0x3FFC];
	_ =	sdelay $0x3  }
0x94: {  	_ =	strace s2  }
0x95: {  	s2 =	sld [smem:$0x3FFD];
	_ =	sdelay $0x3  }
0x96: {  	_ =	strace s2  }
0x97: {  	_ =	strace $0x8FFFFFFF  }
0x98: {  	s18 =	sld [smem:$0x3FDB];
	_ =	sdelay $0x1  }
0x99: {  	s19 =	simm.s32 $_scs_section_size  }
0x9a: {  	s4 =	simm.s32 $_size__tile_overlayer_lowered;
	s5 =	simm.s32 $_tile_overlayer_lowered  }
0x9b: {  	s22 =	simm.s32 $0x1BFF;
	s21 =	sshll.u32 s5, $0x1;
	s2 =	sadd.s32 s19, s18  }
0x9c: {  	s6 =	simm.s32 $0x0;
	s20 =	sshll.u32 s4, $0x1;
	s4 =	sadd.s32 s21, s2  }
0x9d: {  	[timem:s6], [sflag:s22] =	dma.local [hbm:s4], s20  }
0x9e: {  	_ =	swait.ge [sflag:s22], s20  }
0x9f: {  	s3 =	ssub.s32 $0x0, s20;
	[sflag:s22] =	ssyncset.done $0x0  }
0xa0: {  	[sflag:s22] =	ssyncadd.s32 s3;
	_ =	sdelay $0x1  }
0xa1: {  	s23 =	simm.s32 $0x1B8B  }
0xa2: {  	_ =	swait.ge [sflag:s23], $0x1  }
0xa3: {  	[sflag:s23] =	ssyncset.done $0x0  }
0xa4: {  	s25 =	simm.s32 $0x1B8E;
	s24 =	sld [smem:$0x3FFE];
	[sflag:s23] =	ssyncadd.s32 $0xFFFFFFFF  }
0xa5: {  	s26 =	simm.s32 $execute0_lowered;
	[smem:$0x3FD2] =	sst s25  }
0xa6: {  	s4 =	sshll.u32 s26, $0x1;
	_ =	strace $0x8000004F;
	[dreg:$0x1] =	wrdreg $0xFFFFFFFF  }
0xa7: {  	s28 =	simm.s32 $_size_execute0_lowered;
	s2 =	sadd.s32 s2, s4;
	[dreg:$0x0] =	wrdreg $0x0  }
0xa8: {  	s4 =	sshll.u32 s28, $0x1;
	[dreg:$0x2] =	wrdreg s2  }
0xa9: {  	[dreg:$0x3] =	wrdreg s4  }
0xaa: {  	[dreg:$0x4] =	wrdreg $0xC0  }
0xab: {  	_ =	task [dreg:s6], $0x5FFFF  }
0xac: {  	[dreg:$0x1] =	wrdreg $0xFFFFFFFF  }
0xad: {  	[dreg:$0x0] =	wrdreg $0x60  }
0xae: {  	[dreg:$0x2] =	wrdreg s24  }
0xaf: {  	[dreg:$0x3] =	wrdreg $0xFDE80  }
0xb0: {  	[dreg:$0x4] =	wrdreg $0x9  }
0xb1: {  	_ =	task.clear_ibuf [dreg:s6], $0x5FFFF;
	_ =	strace $0x9000004F  }
0xb2: {  	s29 =	simm.s32 $0x9;
	_ =	strace $0x80000051  }
0xb3: {  	_ =	swait.ge [sflag:s29], $0x1  }
0xb4: {  	[sflag:s29] =	ssyncadd.s32 $0xFFFFFFFF  }
0xb5: {  	_ =	strace $0x90000051  }
0xb6: {  	_ =	sfence  }
0xb7: {  	s30 =	sld [smem:$0x0];
	_ =	sdelay $0x2  }
0xb8: {  	s31 =	sshll.u32 s1, $0xD;
	s1 =	sshrl.u32 s1, $0x2  }
0xb9: {  	s3 =	sand.u32 $0x4000, s31;
	s1 =	sadd.s32 s1, s30  }
0xba: {  	s0 =	sor.u32 s3, s0;
	s1 =	sshll.u32 s1, $0x11  }
0xbb: {  	s0 =	sor.u32 s1, s0  }
0xbc: {  	s0 =	sadd.s32 $0x8F2B, s0  }
0xbd: {  	[sflag:s0] =	ssyncadd.remote.s32 $0x1  }
0xbe: {  	_ =	sfence.sel $0xFFFF  }
0xbf: {  	[dreg:$0x0] =	wrdreg $0xFFFFFFFF;
	(pc) =	sbr.abs _section_cstart, $3  }
0xc0: {  	[dreg:$0x1] =	wrdreg $0xFFFFFFFF  }
0xc1: {  	_ =	task.clear_ibuf [dreg:s6], $0x2FFFF;
	_ =	strace $0x9FFFFFFF  }
0xc2: {  	(tm) =	ssettm $0x7FFFFFFF  }
0xc3: {  	_ =	shalt  }
tec
execute0_lowered:
.L_overlay_start_1:
0x0: {  	(tag) =	ssettag $0x1  }
0x1: {  	s19 =	rddreg [dreg:$0x0]  }
0x2: {  	s2 =	rddreg [dreg:$0x1];
	s1 =	stileid.u32  }
0x3: {  	s0 =	rddreg [dreg:$0x2];
	s3 =	simm.s32 $0x0;
	s5 =	srdreg.scid  }
0x4: {  	s4 =	smul.u32 $0x9C40, s1;
	[smem:$0x7FF] =	sst s3  }
0x5: {  	s21 =	sand.u32 $0x1, s5;
	s28 =	sshll.u32 s1, $0x1;
	s29 =	sshll.u32 s1, $0x6  }
0x6: {  	_ =	strace $0x80000050;
	s9 =	sor.u32 s21, s28;
	s20 =	sshrl.u32 s4, $0x3  }
0x7: {  	s5 =	sor.u32 $0x1C01, s29;
	s7 =	sadd.s32 s4, s2;
	s6 =	sadd.s32 s20, s19  }
0x8: {  	s7 =	sshrl.u32 s7, $0x3;
	s4 =	sadd.s32 $0x141C00, s6;
	s6 =	simm.s32 $0x1  }
0x9: {  	[spmem:s7], [sflag:s5] =	dma.local [hbm:s4], $0x1388  }
0xa: {  	s18 =	smul.u32 $0x1388, s9;
	_ =	swait.ge [sflag:s6], $0x1388  }
0xb: {  	[sflag:s6] =	ssyncset.done $0x0  }
0xc: {  	s17 =	sadd.s32 $0x155600, s19;
	s8 =	sshrl.u32 s18, $0x3;
	[sflag:s6] =	ssyncadd.s32 $0xFFFFEC78  }
0xd: {  	s8 =	sadd.s32 s17, s8;
	[bflag:$0x0] =	sbarrier.arrive $0xFFFF  }
0xe: {  	[tilespmem:s3], [sflag:$0x1] =	stream.linear.gather [hbm4b:s8+s3], $0x3E8, $0x38;
	[tilespmem:$0x19A28] =	vst v63  }
0xf: {  	s9 =	smul.u32 $0x9C40, s9;
	_ =	swait.ge [sflag:s6], $0x3E8  }
0x10: {  	s22 =	sadd.s32 $0x15A600, s19;
	[sflag:s6] =	ssyncset.done $0x0  }
0x11: {  	s10 =	simm.s32 $0x3E8;
	s9 =	sadd.s32 s22, s9;
	[sflag:s6] =	ssyncadd.s32 $0xFFFFFC18  }
0x12: {  	[tilespmem:s10], [sflag:$0x1] =	stream.linear.gather [hbm4b:s9+s3], $0xFA00, $0x38;
	[tilespmem:$0x19A28] =	vst v63  }
0x13: {  	_ =	swait.ge [sflag:s6], $0xFA00  }
0x14: {  	[sflag:s6] =	ssyncset.done $0x0  }
0x15: {  	[sflag:s6] =	ssyncadd.s32 $0xFFFF0600  }
0x16: {  	[spmem:s2] =	stream.indirect.scatter.add.f32 [tilespmem:s10], [sflag:$0x1], $0x40, s3, s10, $0xb8;
	[tilespmem:$0x19A28] =	vst v63  }
0x17: {  	s12 =	sadd.s32 $0x3E8, s18;
	_ =	swait.ge [sflag:s6], $0xFA00  }
0x18: {  	s11 =	sshrl.u32 s12, $0x3;
	[sflag:s6] =	ssyncset.done $0x0  }
0x19: {  	s11 =	sadd.s32 s17, s11;
	[sflag:s6] =	ssyncadd.s32 $0xFFFF0600  }
0x1a: {  	[tilespmem:s3], [sflag:$0x1] =	stream.linear.gather [hbm4b:s11+s3], $0x3E8, $0x38;
	[tilespmem:$0x19A28] =	vst v63  }
0x1b: {  	_ =	swait.ge [sflag:s6], $0x3E8  }
0x1c: {  	s12 =	sshll.u32 s12, $0x3;
	[sflag:s6] =	ssyncset.done $0x0  }
0x1d: {  	s12 =	sadd.s32 s22, s12;
	[sflag:s6] =	ssyncadd.s32 $0xFFFFFC18  }
0x1e: {  	[tilespmem:s10], [sflag:$0x1] =	stream.linear.gather [hbm4b:s12+s3], $0xFA00, $0x38;
	[tilespmem:$0x19A28] =	vst v63  }
0x1f: {  	_ =	swait.ge [sflag:s6], $0xFA00  }
0x20: {  	[sflag:s6] =	ssyncset.done $0x0  }
0x21: {  	[sflag:s6] =	ssyncadd.s32 $0xFFFF0600  }
0x22: {  	[spmem:s2] =	stream.indirect.scatter.add.f32 [tilespmem:s10], [sflag:$0x1], $0x40, s3, s10, $0xb8;
	[tilespmem:$0x19A28] =	vst v63  }
0x23: {  	s14 =	sadd.s32 $0x7D0, s18;
	_ =	swait.ge [sflag:s6], $0xFA00  }
0x24: {  	s13 =	sshrl.u32 s14, $0x3;
	[sflag:s6] =	ssyncset.done $0x0  }
0x25: {  	s13 =	sadd.s32 s17, s13;
	[sflag:s6] =	ssyncadd.s32 $0xFFFF0600  }
0x26: {  	[tilespmem:s3], [sflag:$0x1] =	stream.linear.gather [hbm4b:s13+s3], $0x3E8, $0x38;
	[tilespmem:$0x19A28] =	vst v63  }
0x27: {  	_ =	swait.ge [sflag:s6], $0x3E8  }
0x28: {  	s14 =	sshll.u32 s14, $0x3;
	[sflag:s6] =	ssyncset.done $0x0  }
0x29: {  	s14 =	sadd.s32 s22, s14;
	[sflag:s6] =	ssyncadd.s32 $0xFFFFFC18  }
0x2a: {  	[tilespmem:s10], [sflag:$0x1] =	stream.linear.gather [hbm4b:s14+s3], $0xFA00, $0x38;
	[tilespmem:$0x19A28] =	vst v63  }
0x2b: {  	_ =	swait.ge [sflag:s6], $0xFA00  }
0x2c: {  	[sflag:s6] =	ssyncset.done $0x0  }
0x2d: {  	[sflag:s6] =	ssyncadd.s32 $0xFFFF0600  }
0x2e: {  	[spmem:s2] =	stream.indirect.scatter.add.f32 [tilespmem:s10], [sflag:$0x1], $0x40, s3, s10, $0xb8;
	[tilespmem:$0x19A28] =	vst v63  }
0x2f: {  	s16 =	sadd.s32 $0xBB8, s18;
	_ =	swait.ge [sflag:s6], $0xFA00  }
0x30: {  	s15 =	sshrl.u32 s16, $0x3;
	[sflag:s6] =	ssyncset.done $0x0  }
0x31: {  	s15 =	sadd.s32 s17, s15;
	[sflag:s6] =	ssyncadd.s32 $0xFFFF0600  }
0x32: {  	[tilespmem:s3], [sflag:$0x1] =	stream.linear.gather [hbm4b:s15+s3], $0x3E8, $0x38;
	[tilespmem:$0x19A28] =	vst v63  }
0x33: {  	_ =	swait.ge [sflag:s6], $0x3E8  }
0x34: {  	s16 =	sshll.u32 s16, $0x3;
	[sflag:s6] =	ssyncset.done $0x0  }
0x35: {  	s16 =	sadd.s32 s22, s16;
	[sflag:s6] =	ssyncadd.s32 $0xFFFFFC18  }
0x36: {  	[tilespmem:s10], [sflag:$0x1] =	stream.linear.gather [hbm4b:s16+s3], $0xFA00, $0x38;
	[tilespmem:$0x19A28] =	vst v63  }
0x37: {  	_ =	swait.ge [sflag:s6], $0xFA00  }
0x38: {  	[sflag:s6] =	ssyncset.done $0x0  }
0x39: {  	[sflag:s6] =	ssyncadd.s32 $0xFFFF0600  }
0x3a: {  	[spmem:s2] =	stream.indirect.scatter.add.f32 [tilespmem:s10], [sflag:$0x1], $0x40, s3, s10, $0xb8;
	[tilespmem:$0x19A28] =	vst v63  }
0x3b: {  	s18 =	sadd.s32 $0xFA0, s18;
	_ =	swait.ge [sflag:s6], $0xFA00  }
0x3c: {  	s23 =	sshrl.u32 s18, $0x3;
	[sflag:s6] =	ssyncset.done $0x0  }
0x3d: {  	s17 =	sadd.s32 s17, s23;
	[sflag:s6] =	ssyncadd.s32 $0xFFFF0600  }
0x3e: {  	[tilespmem:s3], [sflag:$0x1] =	stream.linear.gather [hbm4b:s17+s3], $0x3E8, $0x38;
	[tilespmem:$0x19A28] =	vst v63  }
0x3f: {  	_ =	swait.ge [sflag:s6], $0x3E8  }
0x40: {  	s18 =	sshll.u32 s18, $0x3;
	[sflag:s6] =	ssyncset.done $0x0  }
0x41: {  	s18 =	sadd.s32 s22, s18;
	[sflag:s6] =	ssyncadd.s32 $0xFFFFFC18  }
0x42: {  	[tilespmem:s10], [sflag:$0x1] =	stream.linear.gather [hbm4b:s18+s3], $0xFA00, $0x38;
	[tilespmem:$0x19A28] =	vst v63  }
0x43: {  	s30 =	smul.u32 $0x13880, s21;
	s21 =	ssub.s32 $0x2, s21;
	_ =	swait.ge [sflag:s6], $0xFA00  }
0x44: {  	s31 =	sshrl.u32 s21, $0x1;
	[sflag:s6] =	ssyncset.done $0x0  }
0x45: {  	s21 =	ssub.s32 s21, s31;
	[sflag:s6] =	ssyncadd.s32 $0xFFFF0600  }
0x46: {  	[spmem:s2] =	stream.indirect.scatter.add.f32 [tilespmem:s10], [sflag:$0x1], $0x40, s3, s10, $0xb8;
	[tilespmem:$0x19A28] =	vst v63  }
0x47: {  	s21 =	smax.u32 s21, $0x1;
	_ =	swait.ge [sflag:s6], $0xFA00  }
0x48: {  	s19 =	sadd.s32 s30, s19;
	p0 =	sne.s32 s21, $0x1;
	[sflag:s6] =	ssyncset.done $0x0  }
.Ltmp0:
0x49: {  	s19 =	sadd.s32 $0x8400, s19;
	[sflag:s6] =	ssyncadd.s32 $0xFFFF0600;
	(pc) =	sbr.rel @!p0 .LBB2_2-.Ltmp0, $4  }
0x4a: {  	s19 =	sadd.s32 s20, s19;
	[bflag:$0x0] =	sbarrier.arrive $0xFFFF  }
0x4b: {  	[hbm:s19], [sflag:s5] =	dma.local [spmem:s7], $0x1388  }
0x4c: {  	_ =	swait.ge [sflag:s6], $0x1388  }
0x4d: {  	s20 =	sadd.s32 $0xFFFFFFFF, s21;
	[sflag:s6] =	ssyncset.done $0x0  }
.LBB2_1:
0x4e: {  	p0 =	sne.s32 s20, $0x1;
	s20 =	sadd.s32 $0xFFFFFFFF, s20;
	[sflag:s6] =	ssyncadd.s32 $0xFFFFEC78  }
0x4f: {  	[spmem:s7], [sflag:s5] =	dma.local [hbm:s4], $0x1388  }
0x50: {  	_ =	swait.ge [sflag:s6], $0x1388  }
0x51: {  	[sflag:s6] =	ssyncset.done $0x0  }
0x52: {  	[sflag:s6] =	ssyncadd.s32 $0xFFFFEC78  }
0x53: {  	[bflag:$0x0] =	sbarrier.arrive $0xFFFF  }
0x54: {  	[tilespmem:s3], [sflag:$0x1] =	stream.linear.gather [hbm4b:s8+s3], $0x3E8, $0x38;
	[tilespmem:$0x19A28] =	vst v63  }
0x55: {  	_ =	swait.ge [sflag:s6], $0x3E8  }
0x56: {  	[sflag:s6] =	ssyncset.done $0x0  }
0x57: {  	[sflag:s6] =	ssyncadd.s32 $0xFFFFFC18  }
0x58: {  	[tilespmem:s10], [sflag:$0x1] =	stream.linear.gather [hbm4b:s9+s3], $0xFA00, $0x38;
	[tilespmem:$0x19A28] =	vst v63  }
0x59: {  	_ =	swait.ge [sflag:s6], $0xFA00  }
0x5a: {  	[sflag:s6] =	ssyncset.done $0x0  }
0x5b: {  	[sflag:s6] =	ssyncadd.s32 $0xFFFF0600  }
0x5c: {  	[spmem:s2] =	stream.indirect.scatter.add.f32 [tilespmem:s10], [sflag:$0x1], $0x40, s3, s10, $0xb8;
	[tilespmem:$0x19A28] =	vst v63  }
0x5d: {  	_ =	swait.ge [sflag:s6], $0xFA00  }
0x5e: {  	[sflag:s6] =	ssyncset.done $0x0  }
0x5f: {  	[sflag:s6] =	ssyncadd.s32 $0xFFFF0600  }
0x60: {  	[tilespmem:s3], [sflag:$0x1] =	stream.linear.gather [hbm4b:s11+s3], $0x3E8, $0x38;
	[tilespmem:$0x19A28] =	vst v63  }
0x61: {  	_ =	swait.ge [sflag:s6], $0x3E8  }
0x62: {  	[sflag:s6] =	ssyncset.done $0x0  }
0x63: {  	[sflag:s6] =	ssyncadd.s32 $0xFFFFFC18  }
0x64: {  	[tilespmem:s10], [sflag:$0x1] =	stream.linear.gather [hbm4b:s12+s3], $0xFA00, $0x38;
	[tilespmem:$0x19A28] =	vst v63  }
0x65: {  	_ =	swait.ge [sflag:s6], $0xFA00  }
0x66: {  	[sflag:s6] =	ssyncset.done $0x0  }
0x67: {  	[sflag:s6] =	ssyncadd.s32 $0xFFFF0600  }
0x68: {  	[spmem:s2] =	stream.indirect.scatter.add.f32 [tilespmem:s10], [sflag:$0x1], $0x40, s3, s10, $0xb8;
	[tilespmem:$0x19A28] =	vst v63  }
0x69: {  	_ =	swait.ge [sflag:s6], $0xFA00  }
0x6a: {  	[sflag:s6] =	ssyncset.done $0x0  }
0x6b: {  	[sflag:s6] =	ssyncadd.s32 $0xFFFF0600  }
0x6c: {  	[tilespmem:s3], [sflag:$0x1] =	stream.linear.gather [hbm4b:s13+s3], $0x3E8, $0x38;
	[tilespmem:$0x19A28] =	vst v63  }
0x6d: {  	_ =	swait.ge [sflag:s6], $0x3E8  }
0x6e: {  	[sflag:s6] =	ssyncset.done $0x0  }
0x6f: {  	[sflag:s6] =	ssyncadd.s32 $0xFFFFFC18  }
0x70: {  	[tilespmem:s10], [sflag:$0x1] =	stream.linear.gather [hbm4b:s14+s3], $0xFA00, $0x38;
	[tilespmem:$0x19A28] =	vst v63  }
0x71: {  	_ =	swait.ge [sflag:s6], $0xFA00  }
0x72: {  	[sflag:s6] =	ssyncset.done $0x0  }
0x73: {  	[sflag:s6] =	ssyncadd.s32 $0xFFFF0600  }
0x74: {  	[spmem:s2] =	stream.indirect.scatter.add.f32 [tilespmem:s10], [sflag:$0x1], $0x40, s3, s10, $0xb8;
	[tilespmem:$0x19A28] =	vst v63  }
0x75: {  	_ =	swait.ge [sflag:s6], $0xFA00  }
0x76: {  	[sflag:s6] =	ssyncset.done $0x0  }
0x77: {  	[sflag:s6] =	ssyncadd.s32 $0xFFFF0600  }
0x78: {  	[tilespmem:s3], [sflag:$0x1] =	stream.linear.gather [hbm4b:s15+s3], $0x3E8, $0x38;
	[tilespmem:$0x19A28] =	vst v63  }
0x79: {  	_ =	swait.ge [sflag:s6], $0x3E8  }
0x7a: {  	[sflag:s6] =	ssyncset.done $0x0  }
0x7b: {  	[sflag:s6] =	ssyncadd.s32 $0xFFFFFC18  }
0x7c: {  	[tilespmem:s10], [sflag:$0x1] =	stream.linear.gather [hbm4b:s16+s3], $0xFA00, $0x38;
	[tilespmem:$0x19A28] =	vst v63  }
0x7d: {  	_ =	swait.ge [sflag:s6], $0xFA00  }
0x7e: {  	[sflag:s6] =	ssyncset.done $0x0  }
0x7f: {  	[sflag:s6] =	ssyncadd.s32 $0xFFFF0600  }
0x80: {  	[spmem:s2] =	stream.indirect.scatter.add.f32 [tilespmem:s10], [sflag:$0x1], $0x40, s3, s10, $0xb8;
	[tilespmem:$0x19A28] =	vst v63  }
0x81: {  	_ =	swait.ge [sflag:s6], $0xFA00  }
0x82: {  	[sflag:s6] =	ssyncset.done $0x0  }
0x83: {  	[sflag:s6] =	ssyncadd.s32 $0xFFFF0600  }
0x84: {  	[tilespmem:s3], [sflag:$0x1] =	stream.linear.gather [hbm4b:s17+s3], $0x3E8, $0x38;
	[tilespmem:$0x19A28] =	vst v63  }
0x85: {  	_ =	swait.ge [sflag:s6], $0x3E8  }
0x86: {  	[sflag:s6] =	ssyncset.done $0x0  }
0x87: {  	[sflag:s6] =	ssyncadd.s32 $0xFFFFFC18  }
0x88: {  	[tilespmem:s10], [sflag:$0x1] =	stream.linear.gather [hbm4b:s18+s3], $0xFA00, $0x38;
	[tilespmem:$0x19A28] =	vst v63  }
0x89: {  	_ =	swait.ge [sflag:s6], $0xFA00  }
0x8a: {  	[sflag:s6] =	ssyncset.done $0x0  }
0x8b: {  	[sflag:s6] =	ssyncadd.s32 $0xFFFF0600  }
0x8c: {  	[spmem:s2] =	stream.indirect.scatter.add.f32 [tilespmem:s10], [sflag:$0x1], $0x40, s3, s10, $0xb8;
	[tilespmem:$0x19A28] =	vst v63  }
0x8d: {  	_ =	swait.ge [sflag:s6], $0xFA00  }
0x8e: {  	[sflag:s6] =	ssyncset.done $0x0  }
.Ltmp1:
0x8f: {  	[sflag:s6] =	ssyncadd.s32 $0xFFFF0600;
	(pc) =	sbr.rel @p0 .LBB2_1-.Ltmp1, $4  }
0x90: {  	[bflag:$0x0] =	sbarrier.arrive $0xFFFF  }
0x91: {  	[hbm:s19], [sflag:s5] =	dma.local [spmem:s7], $0x1388  }
0x92: {  	_ =	swait.ge [sflag:s6], $0x1388  }
0x93: {  	[sflag:s6] =	ssyncset.done $0x0  }
.LBB2_2:
0x94: {  	[sflag:s6] =	ssyncadd.s32 $0xFFFFEC78  }
0x95: {  	_ =	sfence.sel $0x180000  }
0x96: {  	[bflag:$0x0] =	sbarrier.arrive $0xFFFF  }
0x97: {  	p0 =	sne.s32 s1, $0x0;
	_ =	strace $0x90000050  }
0x98: {  	s0 =	sadd.s32 @!p0 $0x100000, s0;
	[bflag:$0x2] =	sbarrier.arrive $0xFFFF  }
0x99: {  	[sflag:s0] =	ssyncadd.tile.s32 @!p0 $0x1;
	_ =	shalt  }
.Lfunc_end2:
_tile_overlayer_lowered:
.L_overlay_start_2:
0x9a: {  	(tag) =	ssettag $0x2  }
0x9b: {  	s0 =	rddreg [dreg:$0x0];
	s2 =	stileid.u32  }
0x9c: {  	s1 =	rddreg [dreg:$0x1];
	p0 =	sne.s32 s2, $0x0  }
0x9d: {  	s3 =	rddreg [dreg:$0x2];
	[bflag:$0x3] =	sbarrier.arrive $0xFFFF;
	s2 =	simm.s32 @!p0 $0x1C01  }
0x9e: {  	[timem:s3], [sflag:s2] =	dma.local @!p0 [hbm:s0], s1  }
0x9f: {  	s0 =	simm.s32 @!p0 $0x1  }
0xa0: {  	_ =	swait.ge @!p0 [sflag:s0], s1  }
0xa1: {  	s1 =	ssub.s32 @!p0 $0x0, s1;
	[sflag:s0] =	ssyncset.done @!p0 $0x0  }
0xa2: {  	[sflag:s0] =	ssyncadd.s32 @!p0 s1  }
0xa3: {  	[bflag:$0x3] =	sbarrier.arrive $0xFFFF  }
0xa4: {  	_ =	shalt  }

</sc_bundles>
